<compile_context>
chip_gen: v7x
topology: tpu7x:2x2x1
jax: 0.10.2.dev20260603
libtpu: 0.0.44.dev20260713+nightly
codegen_flags: <defaults>
</compile_context>

<pallas_src>
import dataclasses
import functools

import jax
import jax.numpy as jnp
from jax import lax
from jax.experimental import pallas as pl
from jax.experimental.pallas import tpu as pltpu
from jax.experimental.pallas import tpu_sc as plsc

N_NODES = 10000
D = 128
REL_PAD = 512
NC = 2
NS = 16
NW = NC * NS
C_SZ = 40


def _vmesh():
    return plsc.VectorSubcoreMesh(core_axis_name="c", subcore_axis_name="s")


def _sc_params():
    cp = pltpu.CompilerParams()
    if "needs_layout_passes" in pltpu.CompilerParams.__dataclass_fields__:
        cp = dataclasses.replace(cp, needs_layout_passes=False)
    return cp


def _sc_gather(table, idx):
    b = idx.shape[0]
    ch = 40
    n_ch = b // ch
    n_loop = (n_ch + NW - 1) // NW

    @functools.partial(
        pl.kernel,
        out_type=jax.ShapeDtypeStruct((b, D), jnp.float32),
        mesh=_vmesh(),
        scratch_types=[
            pltpu.VMEM((ch,), jnp.int32),
            pltpu.VMEM((ch, D), jnp.float32),
            pltpu.SemaphoreType.DMA,
        ],
    )
    def k(table_hbm, idx_hbm, out_hbm, idx_v, rows_v, sem):
        w = lax.axis_index("c") * NS + lax.axis_index("s")

        @pl.loop(0, n_loop)
        def _(j):
            cidx = j * NW + w

            @pl.when(cidx < n_ch)
            def _():
                base = cidx * ch
                pltpu.sync_copy(idx_hbm.at[pl.ds(base, ch)], idx_v)
                pltpu.async_copy(table_hbm.at[idx_v], rows_v, sem).wait()
                pltpu.sync_copy(rows_v, out_hbm.at[pl.ds(base, ch)])

    return k(table, idx)


def _sc_edge(hw, rp, sa4, dst3):
    n_chunk = sa4.shape[1]
    n_half = n_chunk // 2
    z_ch = C_SZ
    n_zch = N_NODES // z_ch
    n_zloop = (n_zch + NS - 1) // NS

    @functools.partial(
        pl.kernel,
        out_type=jax.ShapeDtypeStruct((NC, N_NODES, D), jnp.float32),
        mesh=_vmesh(),
        compiler_params=_sc_params(),
        scratch_types=[
            pltpu.VMEM_SHARED((N_NODES, D), jnp.float32),
            pltpu.VMEM((C_SZ,), jnp.int32),
            pltpu.VMEM((C_SZ,), jnp.int32),
            pltpu.VMEM((2, C_SZ), jnp.int32),
            pltpu.VMEM((2, C_SZ), jnp.int32),
            pltpu.VMEM((C_SZ, D), jnp.float32),
            pltpu.VMEM((C_SZ, D), jnp.float32),
            pltpu.VMEM((C_SZ, 2 * D), jnp.float32),
            pltpu.VMEM((C_SZ, 2 * D), jnp.float32),
            pltpu.VMEM((C_SZ, D), jnp.float32),
            pltpu.VMEM((C_SZ, D), jnp.float32),
            pltpu.SemaphoreType.DMA,
            pltpu.SemaphoreType.DMA,
            pltpu.SemaphoreType.DMA,
            pltpu.SemaphoreType.DMA,
            pltpu.SemaphoreType.DMA,
            pltpu.SemaphoreType.DMA,
            pltpu.SemaphoreType.DMA,
            pltpu.SemaphoreType.DMA,
            pltpu.SemaphoreType.DMA,
            pltpu.SemaphoreType.DMA,
        ],
    )
    def k(hw_hbm, rp_hbm, sa_hbm, dst_hbm, out_hbm,
          agg_sh, d_a, d_b, i_a, i_b, h_a, h_b, e_a, e_b, o_a, o_b,
          sd_a, sd_b, si_a, si_b, sh_a, sh_b, se_a, se_b, ss_a, ss_b):
        c = lax.axis_index("c")
        s = lax.axis_index("s")
        g = c * NS + s
        d_v = (d_a, d_b)
        i_v = (i_a, i_b)
        h_v = (h_a, h_b)
        e_v = (e_a, e_b)
        o_v = (o_a, o_b)
        sd = (sd_a, sd_b)
        si = (si_a, si_b)
        sh = (sh_a, sh_b)
        se = (se_a, se_b)
        ss = (ss_a, ss_b)

        @pl.loop(0, C_SZ)
        def _(r):
            for cc in range(D // 16):
                h_a[r, pl.ds(cc * 16, 16)] = jnp.zeros((16,), jnp.float32)

        @pl.loop(0, n_zloop)
        def _(j):
            zc = j * NS + s

            @pl.when(zc < n_zch)
            def _():
                pltpu.sync_copy(h_a.at[pl.ds(0, z_ch)],
                                agg_sh.at[pl.ds(zc * z_ch, z_ch)])

        plsc.subcore_barrier()

        def idx_start(i, b):
            pltpu.async_copy(sa_hbm.at[g].at[i], i_v[b], si[b])

        def idx_wait(b):
            pltpu.make_async_copy(sa_hbm.at[g].at[0], i_v[b], si[b]).wait()

        def dst_start(i, b):
            pltpu.async_copy(dst_hbm.at[g].at[i], d_v[b], sd[b])

        def dst_wait(b):
            pltpu.make_async_copy(dst_hbm.at[g].at[0], d_v[b], sd[b]).wait()

        def gather_start(b):
            pltpu.async_copy(hw_hbm.at[i_v[b].at[0]], h_v[b], sh[b])
            pltpu.async_copy(rp_hbm.at[i_v[b].at[1]], e_v[b], se[b])

        def gather_wait(b):
            pltpu.make_async_copy(hw_hbm.at[i_v[b].at[0]], h_v[b], sh[b]).wait()
            pltpu.make_async_copy(rp_hbm.at[i_v[b].at[1]], e_v[b], se[b]).wait()

        def compute(b):
            hb, eb, ob = h_v[b], e_v[b], o_v[b]

            @pl.loop(0, C_SZ)
            def _(r):
                pe = eb[r, pl.ds(D, 16)]
                for cc in range(D // 16):
                    sl = pl.ds(cc * 16, 16)
                    ob[r, sl] = jnp.maximum(hb[r, sl] + eb[r, sl], 0.0) * pe

        def scat_start(b):
            pltpu.async_copy(o_v[b], agg_sh.at[d_v[b]], ss[b], add=True)

        def scat_wait(b):
            pltpu.make_async_copy(o_v[b], agg_sh.at[d_v[b]], ss[b]).wait()

        idx_start(0, 0)
        idx_start(1, 1)
        dst_start(0, 0)
        dst_start(1, 1)
        idx_wait(0)
        gather_start(0)
        idx_wait(1)
        gather_start(1)

        @pl.loop(0, n_half)
        def _(j):
            a = 2 * j

            gather_wait(0)

            @pl.when(a + 2 < n_chunk)
            def _():
                idx_start(a + 2, 0)

            @pl.when(j > 0)
            def _():
                scat_wait(0)
                dst_start(a, 0)

            compute(0)

            @pl.when(a + 2 < n_chunk)
            def _():
                idx_wait(0)
                gather_start(0)

            dst_wait(0)
            scat_start(0)

            gather_wait(1)

            @pl.when(a + 3 < n_chunk)
            def _():
                idx_start(a + 3, 1)

            @pl.when(j > 0)
            def _():
                scat_wait(1)
                dst_start(a + 1, 1)

            compute(1)

            @pl.when(a + 3 < n_chunk)
            def _():
                idx_wait(1)
                gather_start(1)

            dst_wait(1)
            scat_start(1)

        scat_wait(0)
        scat_wait(1)

        plsc.subcore_barrier()

        @pl.loop(0, n_zloop)
        def _(j):
            zc = j * NS + s

            @pl.when(zc < n_zch)
            def _():
                sl = pl.ds(zc * z_ch, z_ch)
                pltpu.sync_copy(agg_sh.at[sl], out_hbm.at[c].at[sl])

    return k(hw, rp, sa4, dst3)


def _tc_prep(h, rel_p, prior_f, wm):
    def body(h_ref, rel_ref, p_ref, w_ref, hw_ref, rp_ref):
        w = w_ref[...]
        hw_ref[...] = jnp.dot(h_ref[...], w, preferred_element_type=jnp.float32)
        rp_ref[:, :D] = jnp.dot(rel_ref[...], w, preferred_element_type=jnp.float32)
        rp_ref[:, D:] = jnp.broadcast_to(p_ref[...][:, None], (REL_PAD, D))

    return pl.pallas_call(
        body,
        out_shape=(
            jax.ShapeDtypeStruct((N_NODES, D), jnp.float32),
            jax.ShapeDtypeStruct((REL_PAD, 2 * D), jnp.float32),
        ),
    )(h, rel_p, prior_f, wm)


def _tc_update(h, agg2, ws, wa):
    def body(h_ref, a_ref, ws_ref, wa_ref, o_ref):
        agg = a_ref[0] + a_ref[1]
        o_ref[...] = jnp.maximum(
            jnp.dot(h_ref[...], ws_ref[...], preferred_element_type=jnp.float32)
            + jnp.dot(agg, wa_ref[...], preferred_element_type=jnp.float32),
            0.0,
        )

    return pl.pallas_call(
        body,
        out_shape=jax.ShapeDtypeStruct((N_NODES, D), jnp.float32),
    )(h, agg2, ws, wa)


def kernel(x, edge_index, edge_attr, entity_emb, relation_emb, relation_prior,
           W_msg1, W_self1, W_agg1, W_msg2, W_self2, W_agg2):
    x = x.astype(jnp.int32)
    e_total = edge_index.shape[1]
    ept = e_total // NW
    n_chunk = ept // C_SZ
    src3 = edge_index[0].astype(jnp.int32).reshape(NW, n_chunk, 1, C_SZ)
    attr3 = edge_attr.astype(jnp.int32).reshape(NW, n_chunk, 1, C_SZ)
    sa4 = jnp.concatenate([src3, attr3], axis=2)
    dst3 = edge_index[1].astype(jnp.int32).reshape(NW, n_chunk, C_SZ)
    nrel = relation_emb.shape[0]
    rel_p = jnp.zeros((REL_PAD, D), jnp.float32).at[:nrel].set(relation_emb)
    prior_f = jnp.zeros((REL_PAD,), jnp.float32).at[:nrel].set(
        relation_prior.reshape(-1))

    h = _sc_gather(entity_emb, x)
    for wm, ws, wa in ((W_msg1, W_self1, W_agg1), (W_msg2, W_self2, W_agg2)):
        hw, rp = _tc_prep(h, rel_p, prior_f, wm)
        agg2 = _sc_edge(hw, rp, sa4, dst3)
        h = _tc_update(h, agg2, ws, wa)
    return h

# --- scband reference (transcript-rebuilt; emitter-appended) ---
"""Pipeline reference for scband-sg-kge-22479858827469 (READ-ONLY COPY).

The authoritative reference and input builder live on the scoring server;
editing this copy changes nothing except your own understanding.
"""

import jax, jax.numpy as jnp
import numpy as np

N = 10000
E = 320000
D = 128
NUM_ENT = 50000
NUM_REL = 501  # relation_bert_emb rows (500) + 1 padding row


def setup_inputs(seed: int = 0) -> dict:
    key = jax.random.key(seed)
    ks = jax.random.split(key, 12)
    x = jax.random.randint(ks[0], (N,), 0, NUM_ENT)
    edge_index = jax.random.randint(ks[1], (2, E), 0, N)
    edge_attr = jax.random.randint(ks[2], (E,), 0, NUM_REL - 1)
    entity_emb = jax.random.normal(ks[3], (NUM_ENT, D), dtype=jnp.float32) * 0.02
    relation_emb = jax.random.normal(ks[4], (NUM_REL, D), dtype=jnp.float32) * 0.02
    relation_prior = jax.random.normal(ks[5], (NUM_REL, 1), dtype=jnp.float32) * 0.02
    s = 1.0 / np.sqrt(D)
    W_msg1 = jax.random.uniform(ks[6], (D, D), minval=-s, maxval=s, dtype=jnp.float32)
    W_self1 = jax.random.uniform(ks[7], (D, D), minval=-s, maxval=s, dtype=jnp.float32)
    W_agg1 = jax.random.uniform(ks[8], (D, D), minval=-s, maxval=s, dtype=jnp.float32)
    W_msg2 = jax.random.uniform(ks[9], (D, D), minval=-s, maxval=s, dtype=jnp.float32)
    W_self2 = jax.random.uniform(ks[10], (D, D), minval=-s, maxval=s, dtype=jnp.float32)
    W_agg2 = jax.random.uniform(ks[11], (D, D), minval=-s, maxval=s, dtype=jnp.float32)
    return {
        "x": x, "edge_index": edge_index, "edge_attr": edge_attr,
        "entity_emb": entity_emb, "relation_emb": relation_emb, "relation_prior": relation_prior,
        "W_msg1": W_msg1, "W_self1": W_self1, "W_agg1": W_agg1,
        "W_msg2": W_msg2, "W_self2": W_self2, "W_agg2": W_agg2,
    }


def reference(x, edge_index, edge_attr, entity_emb, relation_emb, relation_prior,
              W_msg1, W_self1, W_agg1, W_msg2, W_self2, W_agg2):
    # SG_KGE.forward_GNN_embedding: embedding lookups feeding an edge-attributed
    # message-passing GNN encoder (n_layers_KG = 2).
    h = jnp.take(entity_emb, x, axis=0)                     # [N, D] entity_embeddings(graph_input.x)
    e_vec = jnp.take(relation_emb, edge_attr, axis=0)       # [E, D] relation_embeddings(edge_attr)
    e_prior = jnp.take(relation_prior, edge_attr, axis=0)   # [E, 1] relation_prior(edge_attr)
    src = edge_index[0]
    dst = edge_index[1]
    for (Wm, Ws, Wa) in ((W_msg1, W_self1, W_agg1), (W_msg2, W_self2, W_agg2)):
        msg = jax.nn.relu((h[src] + e_vec) @ Wm) * e_prior   # gather + edge transform
        agg = jax.ops.segment_sum(msg, dst, num_segments=N)  # scatter-add to dst nodes
        h = jax.nn.relu(h @ Ws + agg @ Wa)
    return h

if __name__ == "__main__":
    import jax
    _d = setup_inputs()
    print(jax.jit(kernel)(*tuple(_d.values())))

</pallas_src>

<mosaic_0001>
#map = affine_map<(d0, d1) -> (0, 0)>
#map1 = affine_map<(d0, d1) -> (0, 0, 0, 0)>
#map2 = affine_map<(d0, d1) -> (0, 0, 0)>
module attributes {stable_mosaic.version = 14 : i64} {
  func.func @k(%arg0: i32, %arg1: i32, %arg2: memref<10000x128xf32, #tpu.memory_space<hbm>>, %arg3: memref<512x256xf32, #tpu.memory_space<hbm>>, %arg4: memref<32x250x2x40xi32, #tpu.memory_space<hbm>>, %arg5: memref<32x250x40xi32, #tpu.memory_space<hbm>>, %arg6: memref<2x10000x128xf32, #tpu.memory_space<hbm>>, %arg7: memref<10000x128xf32, #tpu.memory_space<vmem_shared>>, %arg8: memref<40xi32, #tpu.memory_space<vmem>>, %arg9: memref<40xi32, #tpu.memory_space<vmem>>, %arg10: memref<2x40xi32, #tpu.memory_space<vmem>>, %arg11: memref<2x40xi32, #tpu.memory_space<vmem>>, %arg12: memref<40x128xf32, #tpu.memory_space<vmem>>, %arg13: memref<40x128xf32, #tpu.memory_space<vmem>>, %arg14: memref<40x256xf32, #tpu.memory_space<vmem>>, %arg15: memref<40x256xf32, #tpu.memory_space<vmem>>, %arg16: memref<40x128xf32, #tpu.memory_space<vmem>>, %arg17: memref<40x128xf32, #tpu.memory_space<vmem>>, %arg18: memref<!tpu.dma_semaphore, #tpu.memory_space<semaphore_mem>>, %arg19: memref<!tpu.dma_semaphore, #tpu.memory_space<semaphore_mem>>, %arg20: memref<!tpu.dma_semaphore, #tpu.memory_space<semaphore_mem>>, %arg21: memref<!tpu.dma_semaphore, #tpu.memory_space<semaphore_mem>>, %arg22: memref<!tpu.dma_semaphore, #tpu.memory_space<semaphore_mem>>, %arg23: memref<!tpu.dma_semaphore, #tpu.memory_space<semaphore_mem>>, %arg24: memref<!tpu.dma_semaphore, #tpu.memory_space<semaphore_mem>>, %arg25: memref<!tpu.dma_semaphore, #tpu.memory_space<semaphore_mem>>, %arg26: memref<!tpu.dma_semaphore, #tpu.memory_space<semaphore_mem>>, %arg27: memref<!tpu.dma_semaphore, #tpu.memory_space<semaphore_mem>>) attributes {dimension_semantics = [#tpu.dimension_semantics<core_parallel>, #tpu.dimension_semantics<subcore_parallel>], iteration_bounds = array<i64: 2, 16>, scalar_prefetch = 0 : i64, scratch_operands = 21 : i64, tpu.core_type = #tpu.core_type<sc_vector_subcore>, window_params = [{transform_indices = #map}, {transform_indices = #map}, {transform_indices = #map1}, {transform_indices = #map2}, {transform_indices = #map2}]} {
    %mul3A = arith.constant 16 : i32
    %mul3A_0 = arith.muli %arg0, %mul3A : i32
    %add3A = arith.addi %mul3A_0, %arg1 : i32
    %scan3A = arith.constant 0 : i32
    %scan3A_1 = arith.constant 40 : i32
    %scan3A_2 = arith.addi %scan3A, %scan3A_1 : i32
    %scan3A_3 = arith.constant 1 : i32
    scf.for %scan3A_159 = %scan3A to %scan3A_2 step %scan3A_3  : i32 {
      %mul3A_160 = arith.constant 1 : i32
      %mul3A_161 = arith.muli %scan3A_159, %mul3A_160 : i32
      %add3A_162 = arith.constant 0 : i32
      %add3A_163 = arith.addi %add3A_162, %mul3A_161 : i32
      %broadcast_in_dim3A = arith.constant 0.000000e+00 : f32
      %broadcast_in_dim3A_164 = vector.broadcast %broadcast_in_dim3A : f32 to vector<16xf32>
      %swap3A = arith.index_cast %add3A_163 : i32 to index
      %swap3A_165 = arith.constant 0 : index
      %swap3A_166 = tpu.vector_load %arg12[%swap3A, %swap3A_165] {strides = array<i32>} : memref<40x128xf32, #tpu.memory_space<vmem>>, vector<16xf32>,
      tpu.vector_store %arg12[%swap3A, %swap3A_165], %broadcast_in_dim3A_164 {strides = array<i32>} : memref<40x128xf32, #tpu.memory_space<vmem>>, vector<16xf32>,
      %broadcast_in_dim3A_167 = arith.constant 0.000000e+00 : f32
      %broadcast_in_dim3A_168 = vector.broadcast %broadcast_in_dim3A_167 : f32 to vector<16xf32>
      %swap3A_169 = arith.index_cast %add3A_163 : i32 to index
      %swap3A_170 = arith.constant 16 : index
      %swap3A_171 = tpu.vector_load %arg12[%swap3A_169, %swap3A_170] {strides = array<i32>} : memref<40x128xf32, #tpu.memory_space<vmem>>, vector<16xf32>,
      tpu.vector_store %arg12[%swap3A_169, %swap3A_170], %broadcast_in_dim3A_168 {strides = array<i32>} : memref<40x128xf32, #tpu.memory_space<vmem>>, vector<16xf32>,
      %broadcast_in_dim3A_172 = arith.constant 0.000000e+00 : f32
      %broadcast_in_dim3A_173 = vector.broadcast %broadcast_in_dim3A_172 : f32 to vector<16xf32>
      %swap3A_174 = arith.index_cast %add3A_163 : i32 to index
      %swap3A_175 = arith.constant 32 : index
      %swap3A_176 = tpu.vector_load %arg12[%swap3A_174, %swap3A_175] {strides = array<i32>} : memref<40x128xf32, #tpu.memory_space<vmem>>, vector<16xf32>,
      tpu.vector_store %arg12[%swap3A_174, %swap3A_175], %broadcast_in_dim3A_173 {strides = array<i32>} : memref<40x128xf32, #tpu.memory_space<vmem>>, vector<16xf32>,
      %broadcast_in_dim3A_177 = arith.constant 0.000000e+00 : f32
      %broadcast_in_dim3A_178 = vector.broadcast %broadcast_in_dim3A_177 : f32 to vector<16xf32>
      %swap3A_179 = arith.index_cast %add3A_163 : i32 to index
      %swap3A_180 = arith.constant 48 : index
      %swap3A_181 = tpu.vector_load %arg12[%swap3A_179, %swap3A_180] {strides = array<i32>} : memref<40x128xf32, #tpu.memory_space<vmem>>, vector<16xf32>,
      tpu.vector_store %arg12[%swap3A_179, %swap3A_180], %broadcast_in_dim3A_178 {strides = array<i32>} : memref<40x128xf32, #tpu.memory_space<vmem>>, vector<16xf32>,
      %broadcast_in_dim3A_182 = arith.constant 0.000000e+00 : f32
      %broadcast_in_dim3A_183 = vector.broadcast %broadcast_in_dim3A_182 : f32 to vector<16xf32>
      %swap3A_184 = arith.index_cast %add3A_163 : i32 to index
      %swap3A_185 = arith.constant 64 : index
      %swap3A_186 = tpu.vector_load %arg12[%swap3A_184, %swap3A_185] {strides = array<i32>} : memref<40x128xf32, #tpu.memory_space<vmem>>, vector<16xf32>,
      tpu.vector_store %arg12[%swap3A_184, %swap3A_185], %broadcast_in_dim3A_183 {strides = array<i32>} : memref<40x128xf32, #tpu.memory_space<vmem>>, vector<16xf32>,
      %broadcast_in_dim3A_187 = arith.constant 0.000000e+00 : f32
      %broadcast_in_dim3A_188 = vector.broadcast %broadcast_in_dim3A_187 : f32 to vector<16xf32>
      %swap3A_189 = arith.index_cast %add3A_163 : i32 to index
      %swap3A_190 = arith.constant 80 : index
      %swap3A_191 = tpu.vector_load %arg12[%swap3A_189, %swap3A_190] {strides = array<i32>} : memref<40x128xf32, #tpu.memory_space<vmem>>, vector<16xf32>,
      tpu.vector_store %arg12[%swap3A_189, %swap3A_190], %broadcast_in_dim3A_188 {strides = array<i32>} : memref<40x128xf32, #tpu.memory_space<vmem>>, vector<16xf32>,
      %broadcast_in_dim3A_192 = arith.constant 0.000000e+00 : f32
      %broadcast_in_dim3A_193 = vector.broadcast %broadcast_in_dim3A_192 : f32 to vector<16xf32>
      %swap3A_194 = arith.index_cast %add3A_163 : i32 to index
      %swap3A_195 = arith.constant 96 : index
      %swap3A_196 = tpu.vector_load %arg12[%swap3A_194, %swap3A_195] {strides = array<i32>} : memref<40x128xf32, #tpu.memory_space<vmem>>, vector<16xf32>,
      tpu.vector_store %arg12[%swap3A_194, %swap3A_195], %broadcast_in_dim3A_193 {strides = array<i32>} : memref<40x128xf32, #tpu.memory_space<vmem>>, vector<16xf32>,
      %broadcast_in_dim3A_197 = arith.constant 0.000000e+00 : f32
      %broadcast_in_dim3A_198 = vector.broadcast %broadcast_in_dim3A_197 : f32 to vector<16xf32>
      %swap3A_199 = arith.index_cast %add3A_163 : i32 to index
      %swap3A_200 = arith.constant 112 : index
      %swap3A_201 = tpu.vector_load %arg12[%swap3A_199, %swap3A_200] {strides = array<i32>} : memref<40x128xf32, #tpu.memory_space<vmem>>, vector<16xf32>,
      tpu.vector_store %arg12[%swap3A_199, %swap3A_200], %broadcast_in_dim3A_198 {strides = array<i32>} : memref<40x128xf32, #tpu.memory_space<vmem>>, vector<16xf32>,
    }
    %scan3A_4 = arith.constant 40 : i32
    %scan3A_5 = arith.constant 0 : i32
    %scan3A_6 = arith.constant 16 : i32
    %scan3A_7 = arith.addi %scan3A_5, %scan3A_6 : i32
    %scan3A_8 = arith.constant 1 : i32
    scf.for %scan3A_159 = %scan3A_5 to %scan3A_7 step %scan3A_8  : i32 {
      %mul3A_160 = arith.constant 1 : i32
      %mul3A_161 = arith.muli %scan3A_159, %mul3A_160 : i32
      %add3A_162 = arith.constant 0 : i32
      %add3A_163 = arith.addi %add3A_162, %mul3A_161 : i32
      %mul3A_164 = arith.constant 16 : i32
      %mul3A_165 = arith.muli %add3A_163, %mul3A_164 : i32
      %add3A_166 = arith.addi %mul3A_165, %arg1 : i32
      %lt3A = arith.constant 250 : i32
      %lt3A_167 = arith.cmpi slt, %add3A_166, %lt3A : i32
      %convert_element_type3A = arith.extui %lt3A_167 : i1 to i32
      %cond3A = arith.constant 0 : i32
      %cond3A_168 = arith.cmpi ne, %convert_element_type3A, %cond3A : i32
      scf.if %cond3A_168 {
        %mul3A_169 = arith.constant 40 : i32
        %mul3A_170 = arith.muli %add3A_166, %mul3A_169 : i32
        "tpu.region"() ({
          %run_scoped3A = tpu.sem_alloc : memref<!tpu.dma_semaphore, #tpu.memory_space<semaphore_mem>>
          %dma_start3A_171 = arith.constant 0 : i32
          %dma_start3A_172 = arith.constant 0 : i32
          %dma_start3A_173 = tpu.memref_slice %arg12[%dma_start3A_171, %dma_start3A_172] : memref<40x128xf32, #tpu.memory_space<vmem>> -> memref<40x128xf32, #tpu.memory_space<vmem>>
          %dma_start3A_174 = arith.constant 0 : i32
          %dma_start3A_175 = tpu.memref_slice %arg7[%mul3A_170, %dma_start3A_174] : memref<10000x128xf32, #tpu.memory_space<vmem_shared>> -> memref<40x128xf32, #tpu.memory_space<vmem_shared>>
          %dma_start3A_176 = arith.constant 0 : i32
          %dma_start3A_177 = tpu.memref_slice %arg7[%mul3A_170, %dma_start3A_176] : memref<10000x128xf32, #tpu.memory_space<vmem_shared>> -> memref<40x128xf32, #tpu.memory_space<vmem_shared>>
          %dma_start3A_178 = arith.constant 0 : i32
          %dma_start3A_179 = arith.constant 0 : i32
          %dma_start3A_180 = tpu.memref_slice %arg12[%dma_start3A_178, %dma_start3A_179] : memref<40x128xf32, #tpu.memory_space<vmem>> -> memref<40x128xf32, #tpu.memory_space<vmem>>
          tpu.enqueue_dma source(%dma_start3A_180 : memref<40x128xf32, #tpu.memory_space<vmem>>) target(%dma_start3A_177 : memref<40x128xf32, #tpu.memory_space<vmem_shared>>) target_semaphore(%run_scoped3A : memref<!tpu.dma_semaphore, #tpu.memory_space<semaphore_mem>>)
          %dma_wait3A_181 = arith.constant 0 : i32
          %dma_wait3A_182 = arith.constant 0 : i32
          %dma_wait3A_183 = tpu.memref_slice %arg12[%dma_wait3A_181, %dma_wait3A_182] : memref<40x128xf32, #tpu.memory_space<vmem>> -> memref<40x128xf32, #tpu.memory_space<vmem>>
          %dma_wait3A_184 = arith.constant 0 : i32
          %dma_wait3A_185 = tpu.memref_slice %arg7[%mul3A_170, %dma_wait3A_184] : memref<10000x128xf32, #tpu.memory_space<vmem_shared>> -> memref<40x128xf32, #tpu.memory_space<vmem_shared>>
          %dma_wait3A_186 = arith.constant 0 : i32
          %dma_wait3A_187 = tpu.memref_slice %arg7[%mul3A_170, %dma_wait3A_186] : memref<10000x128xf32, #tpu.memory_space<vmem_shared>> -> memref<40x128xf32, #tpu.memory_space<vmem_shared>>
          %dma_wait3A_188 = arith.constant 0 : i32
          %dma_wait3A_189 = arith.constant 0 : i32
          %dma_wait3A_190 = tpu.memref_slice %arg12[%dma_wait3A_188, %dma_wait3A_189] : memref<40x128xf32, #tpu.memory_space<vmem>> -> memref<40x128xf32, #tpu.memory_space<vmem>>
          tpu.wait_dma2 semaphore(%run_scoped3A : memref<!tpu.dma_semaphore, #tpu.memory_space<semaphore_mem>>) src(%dma_wait3A_190 : memref<40x128xf32, #tpu.memory_space<vmem>>) dst(%dma_wait3A_187 : memref<40x128xf32, #tpu.memory_space<vmem_shared>>)
          tpu.yield
        }) : () -> ()
      } else {
      }
    }
    %scan3A_9 = arith.constant 16 : i32
    %barrier3A = arith.constant 0 : index
    tpu.barrier barrier_id(%barrier3A)
    %dma_start3A = arith.constant 0 : i32
    %dma_start3A_10 = arith.constant 0 : i32
    %dma_start3A_11 = arith.constant 0 : i32
    %dma_start3A_12 = arith.constant 0 : i32
    %dma_start3A_13 = tpu.memref_slice %arg4[%add3A, %dma_start3A_10, %dma_start3A_11, %dma_start3A_12] : memref<32x250x2x40xi32, #tpu.memory_space<hbm>> -> memref<1x250x2x40xi32, #tpu.memory_space<hbm>>
    %dma_start3A_14 = tpu.memref_squeeze %dma_start3A_13 : memref<1x250x2x40xi32, #tpu.memory_space<hbm>> -> memref<250x2x40xi32, #tpu.memory_space<hbm>>
    %dma_start3A_15 = arith.constant 0 : i32
    %dma_start3A_16 = arith.constant 0 : i32
    %dma_start3A_17 = tpu.memref_slice %dma_start3A_14[%dma_start3A, %dma_start3A_15, %dma_start3A_16] : memref<250x2x40xi32, #tpu.memory_space<hbm>> -> memref<1x2x40xi32, #tpu.memory_space<hbm>>
    %dma_start3A_18 = tpu.memref_squeeze %dma_start3A_17 : memref<1x2x40xi32, #tpu.memory_space<hbm>> -> memref<2x40xi32, #tpu.memory_space<hbm>>
    %dma_start3A_19 = arith.constant 0 : i32
    %dma_start3A_20 = arith.constant 0 : i32
    %dma_start3A_21 = arith.constant 0 : i32
    %dma_start3A_22 = tpu.memref_slice %arg4[%add3A, %dma_start3A_19, %dma_start3A_20, %dma_start3A_21] : memref<32x250x2x40xi32, #tpu.memory_space<hbm>> -> memref<1x250x2x40xi32, #tpu.memory_space<hbm>>
    %dma_start3A_23 = tpu.memref_squeeze %dma_start3A_22 : memref<1x250x2x40xi32, #tpu.memory_space<hbm>> -> memref<250x2x40xi32, #tpu.memory_space<hbm>>
    %dma_start3A_24 = arith.constant 0 : i32
    %dma_start3A_25 = arith.constant 0 : i32
    %dma_start3A_26 = tpu.memref_slice %dma_start3A_23[%dma_start3A, %dma_start3A_24, %dma_start3A_25] : memref<250x2x40xi32, #tpu.memory_space<hbm>> -> memref<1x2x40xi32, #tpu.memory_space<hbm>>
    %dma_start3A_27 = tpu.memref_squeeze %dma_start3A_26 : memref<1x2x40xi32, #tpu.memory_space<hbm>> -> memref<2x40xi32, #tpu.memory_space<hbm>>
    tpu.enqueue_dma source(%dma_start3A_27 : memref<2x40xi32, #tpu.memory_space<hbm>>) target(%arg10 : memref<2x40xi32, #tpu.memory_space<vmem>>) target_semaphore(%arg20 : memref<!tpu.dma_semaphore, #tpu.memory_space<semaphore_mem>>)
    %dma_start3A_28 = arith.constant 1 : i32
    %dma_start3A_29 = arith.constant 0 : i32
    %dma_start3A_30 = arith.constant 0 : i32
    %dma_start3A_31 = arith.constant 0 : i32
    %dma_start3A_32 = tpu.memref_slice %arg4[%add3A, %dma_start3A_29, %dma_start3A_30, %dma_start3A_31] : memref<32x250x2x40xi32, #tpu.memory_space<hbm>> -> memref<1x250x2x40xi32, #tpu.memory_space<hbm>>
    %dma_start3A_33 = tpu.memref_squeeze %dma_start3A_32 : memref<1x250x2x40xi32, #tpu.memory_space<hbm>> -> memref<250x2x40xi32, #tpu.memory_space<hbm>>
    %dma_start3A_34 = arith.constant 0 : i32
    %dma_start3A_35 = arith.constant 0 : i32
    %dma_start3A_36 = tpu.memref_slice %dma_start3A_33[%dma_start3A_28, %dma_start3A_34, %dma_start3A_35] : memref<250x2x40xi32, #tpu.memory_space<hbm>> -> memref<1x2x40xi32, #tpu.memory_space<hbm>>
    %dma_start3A_37 = tpu.memref_squeeze %dma_start3A_36 : memref<1x2x40xi32, #tpu.memory_space<hbm>> -> memref<2x40xi32, #tpu.memory_space<hbm>>
    %dma_start3A_38 = arith.constant 0 : i32
    %dma_start3A_39 = arith.constant 0 : i32
    %dma_start3A_40 = arith.constant 0 : i32
    %dma_start3A_41 = tpu.memref_slice %arg4[%add3A, %dma_start3A_38, %dma_start3A_39, %dma_start3A_40] : memref<32x250x2x40xi32, #tpu.memory_space<hbm>> -> memref<1x250x2x40xi32, #tpu.memory_space<hbm>>
    %dma_start3A_42 = tpu.memref_squeeze %dma_start3A_41 : memref<1x250x2x40xi32, #tpu.memory_space<hbm>> -> memref<250x2x40xi32, #tpu.memory_space<hbm>>
    %dma_start3A_43 = arith.constant 0 : i32
    %dma_start3A_44 = arith.constant 0 : i32
    %dma_start3A_45 = tpu.memref_slice %dma_start3A_42[%dma_start3A_28, %dma_start3A_43, %dma_start3A_44] : memref<250x2x40xi32, #tpu.memory_space<hbm>> -> memref<1x2x40xi32, #tpu.memory_space<hbm>>
    %dma_start3A_46 = tpu.memref_squeeze %dma_start3A_45 : memref<1x2x40xi32, #tpu.memory_space<hbm>> -> memref<2x40xi32, #tpu.memory_space<hbm>>
    tpu.enqueue_dma source(%dma_start3A_46 : memref<2x40xi32, #tpu.memory_space<hbm>>) target(%arg11 : memref<2x40xi32, #tpu.memory_space<vmem>>) target_semaphore(%arg21 : memref<!tpu.dma_semaphore, #tpu.memory_space<semaphore_mem>>)
    %dma_start3A_47 = arith.constant 0 : i32
    %dma_start3A_48 = arith.constant 0 : i32
    %dma_start3A_49 = arith.constant 0 : i32
    %dma_start3A_50 = tpu.memref_slice %arg5[%add3A, %dma_start3A_48, %dma_start3A_49] : memref<32x250x40xi32, #tpu.memory_space<hbm>> -> memref<1x250x40xi32, #tpu.memory_space<hbm>>
    %dma_start3A_51 = tpu.memref_squeeze %dma_start3A_50 : memref<1x250x40xi32, #tpu.memory_space<hbm>> -> memref<250x40xi32, #tpu.memory_space<hbm>>
    %dma_start3A_52 = arith.constant 0 : i32
    %dma_start3A_53 = tpu.memref_slice %dma_start3A_51[%dma_start3A_47, %dma_start3A_52] : memref<250x40xi32, #tpu.memory_space<hbm>> -> memref<1x40xi32, #tpu.memory_space<hbm>>
    %dma_start3A_54 = tpu.memref_squeeze %dma_start3A_53 : memref<1x40xi32, #tpu.memory_space<hbm>> -> memref<40xi32, #tpu.memory_space<hbm>>
    %dma_start3A_55 = arith.constant 0 : i32
    %dma_start3A_56 = arith.constant 0 : i32
    %dma_start3A_57 = tpu.memref_slice %arg5[%add3A, %dma_start3A_55, %dma_start3A_56] : memref<32x250x40xi32, #tpu.memory_space<hbm>> -> memref<1x250x40xi32, #tpu.memory_space<hbm>>
    %dma_start3A_58 = tpu.memref_squeeze %dma_start3A_57 : memref<1x250x40xi32, #tpu.memory_space<hbm>> -> memref<250x40xi32, #tpu.memory_space<hbm>>
    %dma_start3A_59 = arith.constant 0 : i32
    %dma_start3A_60 = tpu.memref_slice %dma_start3A_58[%dma_start3A_47, %dma_start3A_59] : memref<250x40xi32, #tpu.memory_space<hbm>> -> memref<1x40xi32, #tpu.memory_space<hbm>>
    %dma_start3A_61 = tpu.memref_squeeze %dma_start3A_60 : memref<1x40xi32, #tpu.memory_space<hbm>> -> memref<40xi32, #tpu.memory_space<hbm>>
    tpu.enqueue_dma source(%dma_start3A_61 : memref<40xi32, #tpu.memory_space<hbm>>) target(%arg8 : memref<40xi32, #tpu.memory_space<vmem>>) target_semaphore(%arg18 : memref<!tpu.dma_semaphore, #tpu.memory_space<semaphore_mem>>)
    %dma_start3A_62 = arith.constant 1 : i32
    %dma_start3A_63 = arith.constant 0 : i32
    %dma_start3A_64 = arith.constant 0 : i32
    %dma_start3A_65 = tpu.memref_slice %arg5[%add3A, %dma_start3A_63, %dma_start3A_64] : memref<32x250x40xi32, #tpu.memory_space<hbm>> -> memref<1x250x40xi32, #tpu.memory_space<hbm>>
    %dma_start3A_66 = tpu.memref_squeeze %dma_start3A_65 : memref<1x250x40xi32, #tpu.memory_space<hbm>> -> memref<250x40xi32, #tpu.memory_space<hbm>>
    %dma_start3A_67 = arith.constant 0 : i32
    %dma_start3A_68 = tpu.memref_slice %dma_start3A_66[%dma_start3A_62, %dma_start3A_67] : memref<250x40xi32, #tpu.memory_space<hbm>> -> memref<1x40xi32, #tpu.memory_space<hbm>>
    %dma_start3A_69 = tpu.memref_squeeze %dma_start3A_68 : memref<1x40xi32, #tpu.memory_space<hbm>> -> memref<40xi32, #tpu.memory_space<hbm>>
    %dma_start3A_70 = arith.constant 0 : i32
    %dma_start3A_71 = arith.constant 0 : i32
    %dma_start3A_72 = tpu.memref_slice %arg5[%add3A, %dma_start3A_70, %dma_start3A_71] : memref<32x250x40xi32, #tpu.memory_space<hbm>> -> memref<1x250x40xi32, #tpu.memory_space<hbm>>
    %dma_start3A_73 = tpu.memref_squeeze %dma_start3A_72 : memref<1x250x40xi32, #tpu.memory_space<hbm>> -> memref<250x40xi32, #tpu.memory_space<hbm>>
    %dma_start3A_74 = arith.constant 0 : i32
    %dma_start3A_75 = tpu.memref_slice %dma_start3A_73[%dma_start3A_62, %dma_start3A_74] : memref<250x40xi32, #tpu.memory_space<hbm>> -> memref<1x40xi32, #tpu.memory_space<hbm>>
    %dma_start3A_76 = tpu.memref_squeeze %dma_start3A_75 : memref<1x40xi32, #tpu.memory_space<hbm>> -> memref<40xi32, #tpu.memory_space<hbm>>
    tpu.enqueue_dma source(%dma_start3A_76 : memref<40xi32, #tpu.memory_space<hbm>>) target(%arg9 : memref<40xi32, #tpu.memory_space<vmem>>) target_semaphore(%arg19 : memref<!tpu.dma_semaphore, #tpu.memory_space<semaphore_mem>>)
    %dma_wait3A = arith.constant 0 : i32
    %dma_wait3A_77 = arith.constant 0 : i32
    %dma_wait3A_78 = arith.constant 0 : i32
    %dma_wait3A_79 = arith.constant 0 : i32
    %dma_wait3A_80 = tpu.memref_slice %arg4[%add3A, %dma_wait3A_77, %dma_wait3A_78, %dma_wait3A_79] : memref<32x250x2x40xi32, #tpu.memory_space<hbm>> -> memref<1x250x2x40xi32, #tpu.memory_space<hbm>>
    %dma_wait3A_81 = tpu.memref_squeeze %dma_wait3A_80 : memref<1x250x2x40xi32, #tpu.memory_space<hbm>> -> memref<250x2x40xi32, #tpu.memory_space<hbm>>
    %dma_wait3A_82 = arith.constant 0 : i32
    %dma_wait3A_83 = arith.constant 0 : i32
    %dma_wait3A_84 = tpu.memref_slice %dma_wait3A_81[%dma_wait3A, %dma_wait3A_82, %dma_wait3A_83] : memref<250x2x40xi32, #tpu.memory_space<hbm>> -> memref<1x2x40xi32, #tpu.memory_space<hbm>>
    %dma_wait3A_85 = tpu.memref_squeeze %dma_wait3A_84 : memref<1x2x40xi32, #tpu.memory_space<hbm>> -> memref<2x40xi32, #tpu.memory_space<hbm>>
    %dma_wait3A_86 = arith.constant 0 : i32
    %dma_wait3A_87 = arith.constant 0 : i32
    %dma_wait3A_88 = arith.constant 0 : i32
    %dma_wait3A_89 = tpu.memref_slice %arg4[%add3A, %dma_wait3A_86, %dma_wait3A_87, %dma_wait3A_88] : memref<32x250x2x40xi32, #tpu.memory_space<hbm>> -> memref<1x250x2x40xi32, #tpu.memory_space<hbm>>
    %dma_wait3A_90 = tpu.memref_squeeze %dma_wait3A_89 : memref<1x250x2x40xi32, #tpu.memory_space<hbm>> -> memref<250x2x40xi32, #tpu.memory_space<hbm>>
    %dma_wait3A_91 = arith.constant 0 : i32
    %dma_wait3A_92 = arith.constant 0 : i32
    %dma_wait3A_93 = tpu.memref_slice %dma_wait3A_90[%dma_wait3A, %dma_wait3A_91, %dma_wait3A_92] : memref<250x2x40xi32, #tpu.memory_space<hbm>> -> memref<1x2x40xi32, #tpu.memory_space<hbm>>
    %dma_wait3A_94 = tpu.memref_squeeze %dma_wait3A_93 : memref<1x2x40xi32, #tpu.memory_space<hbm>> -> memref<2x40xi32, #tpu.memory_space<hbm>>
    tpu.wait_dma2 semaphore(%arg20 : memref<!tpu.dma_semaphore, #tpu.memory_space<semaphore_mem>>) src(%dma_wait3A_94 : memref<2x40xi32, #tpu.memory_space<hbm>>) dst(%arg10 : memref<2x40xi32, #tpu.memory_space<vmem>>)
    %dma_start3A_95 = arith.constant 0 : i32
    %dma_start3A_96 = arith.constant 0 : i32
    %dma_start3A_97 = tpu.memref_slice %arg10[%dma_start3A_95, %dma_start3A_96] : memref<2x40xi32, #tpu.memory_space<vmem>> -> memref<1x40xi32, #tpu.memory_space<vmem>>
    %dma_start3A_98 = tpu.memref_squeeze %dma_start3A_97 : memref<1x40xi32, #tpu.memory_space<vmem>> -> memref<40xi32, #tpu.memory_space<vmem>>
    %dma_start3A_99 = arith.constant 0 : i32
    %dma_start3A_100 = arith.constant 0 : i32
    %dma_start3A_101 = tpu.memref_slice %arg2[%dma_start3A_99, %dma_start3A_100] : memref<10000x128xf32, #tpu.memory_space<hbm>> -> memref<10000x128xf32, #tpu.memory_space<hbm>>
    tpu.enqueue_indirect_dma source(%dma_start3A_101 : memref<10000x128xf32, #tpu.memory_space<hbm>>) target(%arg12 : memref<40x128xf32, #tpu.memory_space<vmem>>) offsets(%dma_start3A_98 : memref<40xi32, #tpu.memory_space<vmem>>) semaphore(%arg22 : memref<!tpu.dma_semaphore, #tpu.memory_space<semaphore_mem>>)
    %dma_start3A_102 = arith.constant 1 : i32
    %dma_start3A_103 = arith.constant 0 : i32
    %dma_start3A_104 = tpu.memref_slice %arg10[%dma_start3A_102, %dma_start3A_103] : memref<2x40xi32, #tpu.memory_space<vmem>> -> memref<1x40xi32, #tpu.memory_space<vmem>>
    %dma_start3A_105 = tpu.memref_squeeze %dma_start3A_104 : memref<1x40xi32, #tpu.memory_space<vmem>> -> memref<40xi32, #tpu.memory_space<vmem>>
    %dma_start3A_106 = arith.constant 0 : i32
    %dma_start3A_107 = arith.constant 0 : i32
    %dma_start3A_108 = tpu.memref_slice %arg3[%dma_start3A_106, %dma_start3A_107] : memref<512x256xf32, #tpu.memory_space<hbm>> -> memref<512x256xf32, #tpu.memory_space<hbm>>
    tpu.enqueue_indirect_dma source(%dma_start3A_108 : memref<512x256xf32, #tpu.memory_space<hbm>>) target(%arg14 : memref<40x256xf32, #tpu.memory_space<vmem>>) offsets(%dma_start3A_105 : memref<40xi32, #tpu.memory_space<vmem>>) semaphore(%arg24 : memref<!tpu.dma_semaphore, #tpu.memory_space<semaphore_mem>>)
    %dma_wait3A_109 = arith.constant 0 : i32
    %dma_wait3A_110 = arith.constant 0 : i32
    %dma_wait3A_111 = arith.constant 0 : i32
    %dma_wait3A_112 = arith.constant 0 : i32
    %dma_wait3A_113 = tpu.memref_slice %arg4[%add3A, %dma_wait3A_110, %dma_wait3A_111, %dma_wait3A_112] : memref<32x250x2x40xi32, #tpu.memory_space<hbm>> -> memref<1x250x2x40xi32, #tpu.memory_space<hbm>>
    %dma_wait3A_114 = tpu.memref_squeeze %dma_wait3A_113 : memref<1x250x2x40xi32, #tpu.memory_space<hbm>> -> memref<250x2x40xi32, #tpu.memory_space<hbm>>
    %dma_wait3A_115 = arith.constant 0 : i32
    %dma_wait3A_116 = arith.constant 0 : i32
    %dma_wait3A_117 = tpu.memref_slice %dma_wait3A_114[%dma_wait3A_109, %dma_wait3A_115, %dma_wait3A_116] : memref<250x2x40xi32, #tpu.memory_space<hbm>> -> memref<1x2x40xi32, #tpu.memory_space<hbm>>
    %dma_wait3A_118 = tpu.memref_squeeze %dma_wait3A_117 : memref<1x2x40xi32, #tpu.memory_space<hbm>> -> memref<2x40xi32, #tpu.memory_space<hbm>>
    %dma_wait3A_119 = arith.constant 0 : i32
    %dma_wait3A_120 = arith.constant 0 : i32
    %dma_wait3A_121 = arith.constant 0 : i32
    %dma_wait3A_122 = tpu.memref_slice %arg4[%add3A, %dma_wait3A_119, %dma_wait3A_120, %dma_wait3A_121] : memref<32x250x2x40xi32, #tpu.memory_space<hbm>> -> memref<1x250x2x40xi32, #tpu.memory_space<hbm>>
    %dma_wait3A_123 = tpu.memref_squeeze %dma_wait3A_122 : memref<1x250x2x40xi32, #tpu.memory_space<hbm>> -> memref<250x2x40xi32, #tpu.memory_space<hbm>>
    %dma_wait3A_124 = arith.constant 0 : i32
    %dma_wait3A_125 = arith.constant 0 : i32
    %dma_wait3A_126 = tpu.memref_slice %dma_wait3A_123[%dma_wait3A_109, %dma_wait3A_124, %dma_wait3A_125] : memref<250x2x40xi32, #tpu.memory_space<hbm>> -> memref<1x2x40xi32, #tpu.memory_space<hbm>>
    %dma_wait3A_127 = tpu.memref_squeeze %dma_wait3A_126 : memref<1x2x40xi32, #tpu.memory_space<hbm>> -> memref<2x40xi32, #tpu.memory_space<hbm>>
    tpu.wait_dma2 semaphore(%arg21 : memref<!tpu.dma_semaphore, #tpu.memory_space<semaphore_mem>>) src(%dma_wait3A_127 : memref<2x40xi32, #tpu.memory_space<hbm>>) dst(%arg11 : memref<2x40xi32, #tpu.memory_space<vmem>>)
    %dma_start3A_128 = arith.constant 0 : i32
    %dma_start3A_129 = arith.constant 0 : i32
    %dma_start3A_130 = tpu.memref_slice %arg11[%dma_start3A_128, %dma_start3A_129] : memref<2x40xi32, #tpu.memory_space<vmem>> -> memref<1x40xi32, #tpu.memory_space<vmem>>
    %dma_start3A_131 = tpu.memref_squeeze %dma_start3A_130 : memref<1x40xi32, #tpu.memory_space<vmem>> -> memref<40xi32, #tpu.memory_space<vmem>>
    %dma_start3A_132 = arith.constant 0 : i32
    %dma_start3A_133 = arith.constant 0 : i32
    %dma_start3A_134 = tpu.memref_slice %arg2[%dma_start3A_132, %dma_start3A_133] : memref<10000x128xf32, #tpu.memory_space<hbm>> -> memref<10000x128xf32, #tpu.memory_space<hbm>>
    tpu.enqueue_indirect_dma source(%dma_start3A_134 : memref<10000x128xf32, #tpu.memory_space<hbm>>) target(%arg13 : memref<40x128xf32, #tpu.memory_space<vmem>>) offsets(%dma_start3A_131 : memref<40xi32, #tpu.memory_space<vmem>>) semaphore(%arg23 : memref<!tpu.dma_semaphore, #tpu.memory_space<semaphore_mem>>)
    %dma_start3A_135 = arith.constant 1 : i32
    %dma_start3A_136 = arith.constant 0 : i32
    %dma_start3A_137 = tpu.memref_slice %arg11[%dma_start3A_135, %dma_start3A_136] : memref<2x40xi32, #tpu.memory_space<vmem>> -> memref<1x40xi32, #tpu.memory_space<vmem>>
    %dma_start3A_138 = tpu.memref_squeeze %dma_start3A_137 : memref<1x40xi32, #tpu.memory_space<vmem>> -> memref<40xi32, #tpu.memory_space<vmem>>
    %dma_start3A_139 = arith.constant 0 : i32
    %dma_start3A_140 = arith.constant 0 : i32
    %dma_start3A_141 = tpu.memref_slice %arg3[%dma_start3A_139, %dma_start3A_140] : memref<512x256xf32, #tpu.memory_space<hbm>> -> memref<512x256xf32, #tpu.memory_space<hbm>>
    tpu.enqueue_indirect_dma source(%dma_start3A_141 : memref<512x256xf32, #tpu.memory_space<hbm>>) target(%arg15 : memref<40x256xf32, #tpu.memory_space<vmem>>) offsets(%dma_start3A_138 : memref<40xi32, #tpu.memory_space<vmem>>) semaphore(%arg25 : memref<!tpu.dma_semaphore, #tpu.memory_space<semaphore_mem>>)
    %scan3A_142 = arith.constant 0 : i32
    %scan3A_143 = arith.constant 125 : i32
    %scan3A_144 = arith.addi %scan3A_142, %scan3A_143 : i32
    %scan3A_145 = arith.constant 1 : i32
    scf.for %scan3A_159 = %scan3A_142 to %scan3A_144 step %scan3A_145  : i32 {
      %mul3A_160 = arith.constant 1 : i32
      %mul3A_161 = arith.muli %scan3A_159, %mul3A_160 : i32
      %add3A_162 = arith.constant 0 : i32
      %add3A_163 = arith.addi %add3A_162, %mul3A_161 : i32
      %mul3A_164 = arith.constant 2 : i32
      %mul3A_165 = arith.muli %mul3A_164, %add3A_163 : i32
      %dma_wait3A_166 = arith.constant 0 : i32
      %dma_wait3A_167 = arith.constant 0 : i32
      %dma_wait3A_168 = tpu.memref_slice %arg10[%dma_wait3A_166, %dma_wait3A_167] : memref<2x40xi32, #tpu.memory_space<vmem>> -> memref<1x40xi32, #tpu.memory_space<vmem>>
      %dma_wait3A_169 = tpu.memref_squeeze %dma_wait3A_168 : memref<1x40xi32, #tpu.memory_space<vmem>> -> memref<40xi32, #tpu.memory_space<vmem>>
      %dma_wait3A_170 = arith.constant 0 : i32
      %dma_wait3A_171 = arith.constant 0 : i32
      %dma_wait3A_172 = tpu.memref_slice %arg2[%dma_wait3A_170, %dma_wait3A_171] : memref<10000x128xf32, #tpu.memory_space<hbm>> -> memref<10000x128xf32, #tpu.memory_space<hbm>>
      tpu.wait_indirect_dma semaphore(%arg22 : memref<!tpu.dma_semaphore, #tpu.memory_space<semaphore_mem>>) src(%dma_wait3A_172 : memref<10000x128xf32, #tpu.memory_space<hbm>>) dst(%arg12 : memref<40x128xf32, #tpu.memory_space<vmem>>)
      %dma_wait3A_173 = arith.constant 1 : i32
      %dma_wait3A_174 = arith.constant 0 : i32
      %dma_wait3A_175 = tpu.memref_slice %arg10[%dma_wait3A_173, %dma_wait3A_174] : memref<2x40xi32, #tpu.memory_space<vmem>> -> memref<1x40xi32, #tpu.memory_space<vmem>>
      %dma_wait3A_176 = tpu.memref_squeeze %dma_wait3A_175 : memref<1x40xi32, #tpu.memory_space<vmem>> -> memref<40xi32, #tpu.memory_space<vmem>>
      %dma_wait3A_177 = arith.constant 0 : i32
      %dma_wait3A_178 = arith.constant 0 : i32
      %dma_wait3A_179 = tpu.memref_slice %arg3[%dma_wait3A_177, %dma_wait3A_178] : memref<512x256xf32, #tpu.memory_space<hbm>> -> memref<512x256xf32, #tpu.memory_space<hbm>>
      tpu.wait_indirect_dma semaphore(%arg24 : memref<!tpu.dma_semaphore, #tpu.memory_space<semaphore_mem>>) src(%dma_wait3A_179 : memref<512x256xf32, #tpu.memory_space<hbm>>) dst(%arg14 : memref<40x256xf32, #tpu.memory_space<vmem>>)
      %add3A_180 = arith.constant 2 : i32
      %add3A_181 = arith.addi %mul3A_165, %add3A_180 : i32
      %lt3A = arith.constant 250 : i32
      %lt3A_182 = arith.cmpi slt, %add3A_181, %lt3A : i32
      %convert_element_type3A = arith.extui %lt3A_182 : i1 to i32
      %cond3A = arith.constant 0 : i32
      %cond3A_183 = arith.cmpi ne, %convert_element_type3A, %cond3A : i32
      scf.if %cond3A_183 {
        %add3A_274 = arith.constant 2 : i32
        %add3A_275 = arith.addi %mul3A_165, %add3A_274 : i32
        %dma_start3A_276 = arith.constant 0 : i32
        %dma_start3A_277 = arith.constant 0 : i32
        %dma_start3A_278 = arith.constant 0 : i32
        %dma_start3A_279 = tpu.memref_slice %arg4[%add3A, %dma_start3A_276, %dma_start3A_277, %dma_start3A_278] : memref<32x250x2x40xi32, #tpu.memory_space<hbm>> -> memref<1x250x2x40xi32, #tpu.memory_space<hbm>>
        %dma_start3A_280 = tpu.memref_squeeze %dma_start3A_279 : memref<1x250x2x40xi32, #tpu.memory_space<hbm>> -> memref<250x2x40xi32, #tpu.memory_space<hbm>>
        %dma_start3A_281 = arith.constant 0 : i32
        %dma_start3A_282 = arith.constant 0 : i32
        %dma_start3A_283 = tpu.memref_slice %dma_start3A_280[%add3A_275, %dma_start3A_281, %dma_start3A_282] : memref<250x2x40xi32, #tpu.memory_space<hbm>> -> memref<1x2x40xi32, #tpu.memory_space<hbm>>
        %dma_start3A_284 = tpu.memref_squeeze %dma_start3A_283 : memref<1x2x40xi32, #tpu.memory_space<hbm>> -> memref<2x40xi32, #tpu.memory_space<hbm>>
        %dma_start3A_285 = arith.constant 0 : i32
        %dma_start3A_286 = arith.constant 0 : i32
        %dma_start3A_287 = arith.constant 0 : i32
        %dma_start3A_288 = tpu.memref_slice %arg4[%add3A, %dma_start3A_285, %dma_start3A_286, %dma_start3A_287] : memref<32x250x2x40xi32, #tpu.memory_space<hbm>> -> memref<1x250x2x40xi32, #tpu.memory_space<hbm>>
        %dma_start3A_289 = tpu.memref_squeeze %dma_start3A_288 : memref<1x250x2x40xi32, #tpu.memory_space<hbm>> -> memref<250x2x40xi32, #tpu.memory_space<hbm>>
        %dma_start3A_290 = arith.constant 0 : i32
        %dma_start3A_291 = arith.constant 0 : i32
        %dma_start3A_292 = tpu.memref_slice %dma_start3A_289[%add3A_275, %dma_start3A_290, %dma_start3A_291] : memref<250x2x40xi32, #tpu.memory_space<hbm>> -> memref<1x2x40xi32, #tpu.memory_space<hbm>>
        %dma_start3A_293 = tpu.memref_squeeze %dma_start3A_292 : memref<1x2x40xi32, #tpu.memory_space<hbm>> -> memref<2x40xi32, #tpu.memory_space<hbm>>
        tpu.enqueue_dma source(%dma_start3A_293 : memref<2x40xi32, #tpu.memory_space<hbm>>) target(%arg10 : memref<2x40xi32, #tpu.memory_space<vmem>>) target_semaphore(%arg20 : memref<!tpu.dma_semaphore, #tpu.memory_space<semaphore_mem>>)
      } else {
      }
      %gt3A = arith.constant 0 : i32
      %gt3A_184 = arith.cmpi sgt, %add3A_163, %gt3A : i32
      %convert_element_type3A_185 = arith.extui %gt3A_184 : i1 to i32
      %cond3A_186 = arith.constant 0 : i32
      %cond3A_187 = arith.cmpi ne, %convert_element_type3A_185, %cond3A_186 : i32
      scf.if %cond3A_187 {
        %dma_wait3A_274 = arith.constant 0 : i32
        %dma_wait3A_275 = arith.constant 0 : i32
        %dma_wait3A_276 = tpu.memref_slice %arg7[%dma_wait3A_274, %dma_wait3A_275] : memref<10000x128xf32, #tpu.memory_space<vmem_shared>> -> memref<10000x128xf32, #tpu.memory_space<vmem_shared>>
        tpu.wait_indirect_dma semaphore(%arg26 : memref<!tpu.dma_semaphore, #tpu.memory_space<semaphore_mem>>) src(%arg16 : memref<40x128xf32, #tpu.memory_space<vmem>>) dst(%dma_wait3A_276 : memref<10000x128xf32, #tpu.memory_space<vmem_shared>>)
        %dma_start3A_277 = arith.constant 0 : i32
        %dma_start3A_278 = arith.constant 0 : i32
        %dma_start3A_279 = tpu.memref_slice %arg5[%add3A, %dma_start3A_277, %dma_start3A_278] : memref<32x250x40xi32, #tpu.memory_space<hbm>> -> memref<1x250x40xi32, #tpu.memory_space<hbm>>
        %dma_start3A_280 = tpu.memref_squeeze %dma_start3A_279 : memref<1x250x40xi32, #tpu.memory_space<hbm>> -> memref<250x40xi32, #tpu.memory_space<hbm>>
        %dma_start3A_281 = arith.constant 0 : i32
        %dma_start3A_282 = tpu.memref_slice %dma_start3A_280[%mul3A_165, %dma_start3A_281] : memref<250x40xi32, #tpu.memory_space<hbm>> -> memref<1x40xi32, #tpu.memory_space<hbm>>
        %dma_start3A_283 = tpu.memref_squeeze %dma_start3A_282 : memref<1x40xi32, #tpu.memory_space<hbm>> -> memref<40xi32, #tpu.memory_space<hbm>>
        %dma_start3A_284 = arith.constant 0 : i32
        %dma_start3A_285 = arith.constant 0 : i32
        %dma_start3A_286 = tpu.memref_slice %arg5[%add3A, %dma_start3A_284, %dma_start3A_285] : memref<32x250x40xi32, #tpu.memory_space<hbm>> -> memref<1x250x40xi32, #tpu.memory_space<hbm>>
        %dma_start3A_287 = tpu.memref_squeeze %dma_start3A_286 : memref<1x250x40xi32, #tpu.memory_space<hbm>> -> memref<250x40xi32, #tpu.memory_space<hbm>>
        %dma_start3A_288 = arith.constant 0 : i32
        %dma_start3A_289 = tpu.memref_slice %dma_start3A_287[%mul3A_165, %dma_start3A_288] : memref<250x40xi32, #tpu.memory_space<hbm>> -> memref<1x40xi32, #tpu.memory_space<hbm>>
        %dma_start3A_290 = tpu.memref_squeeze %dma_start3A_289 : memref<1x40xi32, #tpu.memory_space<hbm>> -> memref<40xi32, #tpu.memory_space<hbm>>
        tpu.enqueue_dma source(%dma_start3A_290 : memref<40xi32, #tpu.memory_space<hbm>>) target(%arg8 : memref<40xi32, #tpu.memory_space<vmem>>) target_semaphore(%arg18 : memref<!tpu.dma_semaphore, #tpu.memory_space<semaphore_mem>>)
      } else {
      }
      %scan3A_188 = arith.constant 0 : i32
      %scan3A_189 = arith.constant 40 : i32
      %scan3A_190 = arith.addi %scan3A_188, %scan3A_189 : i32
      %scan3A_191 = arith.constant 1 : i32
      scf.for %scan3A_274 = %scan3A_188 to %scan3A_190 step %scan3A_191  : i32 {
        %mul3A_275 = arith.constant 1 : i32
        %mul3A_276 = arith.muli %scan3A_274, %mul3A_275 : i32
        %add3A_277 = arith.constant 0 : i32
        %add3A_278 = arith.addi %add3A_277, %mul3A_276 : i32
        %get3A = arith.index_cast %add3A_278 : i32 to index
        %get3A_279 = arith.constant 128 : index
        %get3A_280 = tpu.vector_load %arg14[%get3A, %get3A_279] {strides = array<i32>} : memref<40x256xf32, #tpu.memory_space<vmem>>, vector<16xf32>,
        %get3A_281 = arith.index_cast %add3A_278 : i32 to index
        %get3A_282 = arith.constant 0 : index
        %get3A_283 = tpu.vector_load %arg12[%get3A_281, %get3A_282] {strides = array<i32>} : memref<40x128xf32, #tpu.memory_space<vmem>>, vector<16xf32>,
        %get3A_284 = arith.index_cast %add3A_278 : i32 to index
        %get3A_285 = arith.constant 0 : index
        %get3A_286 = tpu.vector_load %arg14[%get3A_284, %get3A_285] {strides = array<i32>} : memref<40x256xf32, #tpu.memory_space<vmem>>, vector<16xf32>,
        %add3A_287 = arith.addf %get3A_283, %get3A_286 : vector<16xf32>
        %max3A = arith.constant 0.000000e+00 : f32
        %max3A_288 = vector.broadcast %max3A : f32 to vector<16xf32>
        %max3A_289 = arith.maximumf %add3A_287, %max3A_288 : vector<16xf32>
        %mul3A_290 = arith.mulf %max3A_289, %get3A_280 : vector<16xf32>
        %swap3A = arith.index_cast %add3A_278 : i32 to index
        %swap3A_291 = arith.constant 0 : index
        %swap3A_292 = tpu.vector_load %arg16[%swap3A, %swap3A_291] {strides = array<i32>} : memref<40x128xf32, #tpu.memory_space<vmem>>, vector<16xf32>,
        tpu.vector_store %arg16[%swap3A, %swap3A_291], %mul3A_290 {strides = array<i32>} : memref<40x128xf32, #tpu.memory_space<vmem>>, vector<16xf32>,
        %get3A_293 = arith.index_cast %add3A_278 : i32 to index
        %get3A_294 = arith.constant 16 : index
        %get3A_295 = tpu.vector_load %arg12[%get3A_293, %get3A_294] {strides = array<i32>} : memref<40x128xf32, #tpu.memory_space<vmem>>, vector<16xf32>,
        %get3A_296 = arith.index_cast %add3A_278 : i32 to index
        %get3A_297 = arith.constant 16 : index
        %get3A_298 = tpu.vector_load %arg14[%get3A_296, %get3A_297] {strides = array<i32>} : memref<40x256xf32, #tpu.memory_space<vmem>>, vector<16xf32>,
        %add3A_299 = arith.addf %get3A_295, %get3A_298 : vector<16xf32>
        %max3A_300 = arith.constant 0.000000e+00 : f32
        %max3A_301 = vector.broadcast %max3A_300 : f32 to vector<16xf32>
        %max3A_302 = arith.maximumf %add3A_299, %max3A_301 : vector<16xf32>
        %mul3A_303 = arith.mulf %max3A_302, %get3A_280 : vector<16xf32>
        %swap3A_304 = arith.index_cast %add3A_278 : i32 to index
        %swap3A_305 = arith.constant 16 : index
        %swap3A_306 = tpu.vector_load %arg16[%swap3A_304, %swap3A_305] {strides = array<i32>} : memref<40x128xf32, #tpu.memory_space<vmem>>, vector<16xf32>,
        tpu.vector_store %arg16[%swap3A_304, %swap3A_305], %mul3A_303 {strides = array<i32>} : memref<40x128xf32, #tpu.memory_space<vmem>>, vector<16xf32>,
        %get3A_307 = arith.index_cast %add3A_278 : i32 to index
        %get3A_308 = arith.constant 32 : index
        %get3A_309 = tpu.vector_load %arg12[%get3A_307, %get3A_308] {strides = array<i32>} : memref<40x128xf32, #tpu.memory_space<vmem>>, vector<16xf32>,
        %get3A_310 = arith.index_cast %add3A_278 : i32 to index
        %get3A_311 = arith.constant 32 : index
        %get3A_312 = tpu.vector_load %arg14[%get3A_310, %get3A_311] {strides = array<i32>} : memref<40x256xf32, #tpu.memory_space<vmem>>, vector<16xf32>,
        %add3A_313 = arith.addf %get3A_309, %get3A_312 : vector<16xf32>
        %max3A_314 = arith.constant 0.000000e+00 : f32
        %max3A_315 = vector.broadcast %max3A_314 : f32 to vector<16xf32>
        %max3A_316 = arith.maximumf %add3A_313, %max3A_315 : vector<16xf32>
        %mul3A_317 = arith.mulf %max3A_316, %get3A_280 : vector<16xf32>
        %swap3A_318 = arith.index_cast %add3A_278 : i32 to index
        %swap3A_319 = arith.constant 32 : index
        %swap3A_320 = tpu.vector_load %arg16[%swap3A_318, %swap3A_319] {strides = array<i32>} : memref<40x128xf32, #tpu.memory_space<vmem>>, vector<16xf32>,
        tpu.vector_store %arg16[%swap3A_318, %swap3A_319], %mul3A_317 {strides = array<i32>} : memref<40x128xf32, #tpu.memory_space<vmem>>, vector<16xf32>,
        %get3A_321 = arith.index_cast %add3A_278 : i32 to index
        %get3A_322 = arith.constant 48 : index
        %get3A_323 = tpu.vector_load %arg12[%get3A_321, %get3A_322] {strides = array<i32>} : memref<40x128xf32, #tpu.memory_space<vmem>>, vector<16xf32>,
        %get3A_324 = arith.index_cast %add3A_278 : i32 to index
        %get3A_325 = arith.constant 48 : index
        %get3A_326 = tpu.vector_load %arg14[%get3A_324, %get3A_325] {strides = array<i32>} : memref<40x256xf32, #tpu.memory_space<vmem>>, vector<16xf32>,
        %add3A_327 = arith.addf %get3A_323, %get3A_326 : vector<16xf32>
        %max3A_328 = arith.constant 0.000000e+00 : f32
        %max3A_329 = vector.broadcast %max3A_328 : f32 to vector<16xf32>
        %max3A_330 = arith.maximumf %add3A_327, %max3A_329 : vector<16xf32>
        %mul3A_331 = arith.mulf %max3A_330, %get3A_280 : vector<16xf32>
        %swap3A_332 = arith.index_cast %add3A_278 : i32 to index
        %swap3A_333 = arith.constant 48 : index
        %swap3A_334 = tpu.vector_load %arg16[%swap3A_332, %swap3A_333] {strides = array<i32>} : memref<40x128xf32, #tpu.memory_space<vmem>>, vector<16xf32>,
        tpu.vector_store %arg16[%swap3A_332, %swap3A_333], %mul3A_331 {strides = array<i32>} : memref<40x128xf32, #tpu.memory_space<vmem>>, vector<16xf32>,
        %get3A_335 = arith.index_cast %add3A_278 : i32 to index
        %get3A_336 = arith.constant 64 : index
        %get3A_337 = tpu.vector_load %arg12[%get3A_335, %get3A_336] {strides = array<i32>} : memref<40x128xf32, #tpu.memory_space<vmem>>, vector<16xf32>,
        %get3A_338 = arith.index_cast %add3A_278 : i32 to index
        %get3A_339 = arith.constant 64 : index
        %get3A_340 = tpu.vector_load %arg14[%get3A_338, %get3A_339] {strides = array<i32>} : memref<40x256xf32, #tpu.memory_space<vmem>>, vector<16xf32>,
        %add3A_341 = arith.addf %get3A_337, %get3A_340 : vector<16xf32>
        %max3A_342 = arith.constant 0.000000e+00 : f32
        %max3A_343 = vector.broadcast %max3A_342 : f32 to vector<16xf32>
        %max3A_344 = arith.maximumf %add3A_341, %max3A_343 : vector<16xf32>
        %mul3A_345 = arith.mulf %max3A_344, %get3A_280 : vector<16xf32>
        %swap3A_346 = arith.index_cast %add3A_278 : i32 to index
        %swap3A_347 = arith.constant 64 : index
        %swap3A_348 = tpu.vector_load %arg16[%swap3A_346, %swap3A_347] {strides = array<i32>} : memref<40x128xf32, #tpu.memory_space<vmem>>, vector<16xf32>,
        tpu.vector_store %arg16[%swap3A_346, %swap3A_347], %mul3A_345 {strides = array<i32>} : memref<40x128xf32, #tpu.memory_space<vmem>>, vector<16xf32>,
        %get3A_349 = arith.index_cast %add3A_278 : i32 to index
        %get3A_350 = arith.constant 80 : index
        %get3A_351 = tpu.vector_load %arg12[%get3A_349, %get3A_350] {strides = array<i32>} : memref<40x128xf32, #tpu.memory_space<vmem>>, vector<16xf32>,
        %get3A_352 = arith.index_cast %add3A_278 : i32 to index
        %get3A_353 = arith.constant 80 : index
        %get3A_354 = tpu.vector_load %arg14[%get3A_352, %get3A_353] {strides = array<i32>} : memref<40x256xf32, #tpu.memory_space<vmem>>, vector<16xf32>,
        %add3A_355 = arith.addf %get3A_351, %get3A_354 : vector<16xf32>
        %max3A_356 = arith.constant 0.000000e+00 : f32
        %max3A_357 = vector.broadcast %max3A_356 : f32 to vector<16xf32>
        %max3A_358 = arith.maximumf %add3A_355, %max3A_357 : vector<16xf32>
        %mul3A_359 = arith.mulf %max3A_358, %get3A_280 : vector<16xf32>
        %swap3A_360 = arith.index_cast %add3A_278 : i32 to index
        %swap3A_361 = arith.constant 80 : index
        %swap3A_362 = tpu.vector_load %arg16[%swap3A_360, %swap3A_361] {strides = array<i32>} : memref<40x128xf32, #tpu.memory_space<vmem>>, vector<16xf32>,
        tpu.vector_store %arg16[%swap3A_360, %swap3A_361], %mul3A_359 {strides = array<i32>} : memref<40x128xf32, #tpu.memory_space<vmem>>, vector<16xf32>,
        %get3A_363 = arith.index_cast %add3A_278 : i32 to index
        %get3A_364 = arith.constant 96 : index
        %get3A_365 = tpu.vector_load %arg12[%get3A_363, %get3A_364] {strides = array<i32>} : memref<40x128xf32, #tpu.memory_space<vmem>>, vector<16xf32>,
        %get3A_366 = arith.index_cast %add3A_278 : i32 to index
        %get3A_367 = arith.constant 96 : index
        %get3A_368 = tpu.vector_load %arg14[%get3A_366, %get3A_367] {strides = array<i32>} : memref<40x256xf32, #tpu.memory_space<vmem>>, vector<16xf32>,
        %add3A_369 = arith.addf %get3A_365, %get3A_368 : vector<16xf32>
        %max3A_370 = arith.constant 0.000000e+00 : f32
        %max3A_371 = vector.broadcast %max3A_370 : f32 to vector<16xf32>
        %max3A_372 = arith.maximumf %add3A_369, %max3A_371 : vector<16xf32>
        %mul3A_373 = arith.mulf %max3A_372, %get3A_280 : vector<16xf32>
        %swap3A_374 = arith.index_cast %add3A_278 : i32 to index
        %swap3A_375 = arith.constant 96 : index
        %swap3A_376 = tpu.vector_load %arg16[%swap3A_374, %swap3A_375] {strides = array<i32>} : memref<40x128xf32, #tpu.memory_space<vmem>>, vector<16xf32>,
        tpu.vector_store %arg16[%swap3A_374, %swap3A_375], %mul3A_373 {strides = array<i32>} : memref<40x128xf32, #tpu.memory_space<vmem>>, vector<16xf32>,
        %get3A_377 = arith.index_cast %add3A_278 : i32 to index
        %get3A_378 = arith.constant 112 : index
        %get3A_379 = tpu.vector_load %arg12[%get3A_377, %get3A_378] {strides = array<i32>} : memref<40x128xf32, #tpu.memory_space<vmem>>, vector<16xf32>,
        %get3A_380 = arith.index_cast %add3A_278 : i32 to index
        %get3A_381 = arith.constant 112 : index
        %get3A_382 = tpu.vector_load %arg14[%get3A_380, %get3A_381] {strides = array<i32>} : memref<40x256xf32, #tpu.memory_space<vmem>>, vector<16xf32>,
        %add3A_383 = arith.addf %get3A_379, %get3A_382 : vector<16xf32>
        %max3A_384 = arith.constant 0.000000e+00 : f32
        %max3A_385 = vector.broadcast %max3A_384 : f32 to vector<16xf32>
        %max3A_386 = arith.maximumf %add3A_383, %max3A_385 : vector<16xf32>
        %mul3A_387 = arith.mulf %max3A_386, %get3A_280 : vector<16xf32>
        %swap3A_388 = arith.index_cast %add3A_278 : i32 to index
        %swap3A_389 = arith.constant 112 : index
        %swap3A_390 = tpu.vector_load %arg16[%swap3A_388, %swap3A_389] {strides = array<i32>} : memref<40x128xf32, #tpu.memory_space<vmem>>, vector<16xf32>,
        tpu.vector_store %arg16[%swap3A_388, %swap3A_389], %mul3A_387 {strides = array<i32>} : memref<40x128xf32, #tpu.memory_space<vmem>>, vector<16xf32>,
      }
      %scan3A_192 = arith.constant 40 : i32
      %add3A_193 = arith.constant 2 : i32
      %add3A_194 = arith.addi %mul3A_165, %add3A_193 : i32
      %lt3A_195 = arith.constant 250 : i32
      %lt3A_196 = arith.cmpi slt, %add3A_194, %lt3A_195 : i32
      %convert_element_type3A_197 = arith.extui %lt3A_196 : i1 to i32
      %cond3A_198 = arith.constant 0 : i32
      %cond3A_199 = arith.cmpi ne, %convert_element_type3A_197, %cond3A_198 : i32
      scf.if %cond3A_199 {
        %dma_wait3A_274 = arith.constant 0 : i32
        %dma_wait3A_275 = arith.constant 0 : i32
        %dma_wait3A_276 = arith.constant 0 : i32
        %dma_wait3A_277 = arith.constant 0 : i32
        %dma_wait3A_278 = tpu.memref_slice %arg4[%add3A, %dma_wait3A_275, %dma_wait3A_276, %dma_wait3A_277] : memref<32x250x2x40xi32, #tpu.memory_space<hbm>> -> memref<1x250x2x40xi32, #tpu.memory_space<hbm>>
        %dma_wait3A_279 = tpu.memref_squeeze %dma_wait3A_278 : memref<1x250x2x40xi32, #tpu.memory_space<hbm>> -> memref<250x2x40xi32, #tpu.memory_space<hbm>>
        %dma_wait3A_280 = arith.constant 0 : i32
        %dma_wait3A_281 = arith.constant 0 : i32
        %dma_wait3A_282 = tpu.memref_slice %dma_wait3A_279[%dma_wait3A_274, %dma_wait3A_280, %dma_wait3A_281] : memref<250x2x40xi32, #tpu.memory_space<hbm>> -> memref<1x2x40xi32, #tpu.memory_space<hbm>>
        %dma_wait3A_283 = tpu.memref_squeeze %dma_wait3A_282 : memref<1x2x40xi32, #tpu.memory_space<hbm>> -> memref<2x40xi32, #tpu.memory_space<hbm>>
        %dma_wait3A_284 = arith.constant 0 : i32
        %dma_wait3A_285 = arith.constant 0 : i32
        %dma_wait3A_286 = arith.constant 0 : i32
        %dma_wait3A_287 = tpu.memref_slice %arg4[%add3A, %dma_wait3A_284, %dma_wait3A_285, %dma_wait3A_286] : memref<32x250x2x40xi32, #tpu.memory_space<hbm>> -> memref<1x250x2x40xi32, #tpu.memory_space<hbm>>
        %dma_wait3A_288 = tpu.memref_squeeze %dma_wait3A_287 : memref<1x250x2x40xi32, #tpu.memory_space<hbm>> -> memref<250x2x40xi32, #tpu.memory_space<hbm>>
        %dma_wait3A_289 = arith.constant 0 : i32
        %dma_wait3A_290 = arith.constant 0 : i32
        %dma_wait3A_291 = tpu.memref_slice %dma_wait3A_288[%dma_wait3A_274, %dma_wait3A_289, %dma_wait3A_290] : memref<250x2x40xi32, #tpu.memory_space<hbm>> -> memref<1x2x40xi32, #tpu.memory_space<hbm>>
        %dma_wait3A_292 = tpu.memref_squeeze %dma_wait3A_291 : memref<1x2x40xi32, #tpu.memory_space<hbm>> -> memref<2x40xi32, #tpu.memory_space<hbm>>
        tpu.wait_dma2 semaphore(%arg20 : memref<!tpu.dma_semaphore, #tpu.memory_space<semaphore_mem>>) src(%dma_wait3A_292 : memref<2x40xi32, #tpu.memory_space<hbm>>) dst(%arg10 : memref<2x40xi32, #tpu.memory_space<vmem>>)
        %dma_start3A_293 = arith.constant 0 : i32
        %dma_start3A_294 = arith.constant 0 : i32
        %dma_start3A_295 = tpu.memref_slice %arg10[%dma_start3A_293, %dma_start3A_294] : memref<2x40xi32, #tpu.memory_space<vmem>> -> memref<1x40xi32, #tpu.memory_space<vmem>>
        %dma_start3A_296 = tpu.memref_squeeze %dma_start3A_295 : memref<1x40xi32, #tpu.memory_space<vmem>> -> memref<40xi32, #tpu.memory_space<vmem>>
        %dma_start3A_297 = arith.constant 0 : i32
        %dma_start3A_298 = arith.constant 0 : i32
        %dma_start3A_299 = tpu.memref_slice %arg2[%dma_start3A_297, %dma_start3A_298] : memref<10000x128xf32, #tpu.memory_space<hbm>> -> memref<10000x128xf32, #tpu.memory_space<hbm>>
        tpu.enqueue_indirect_dma source(%dma_start3A_299 : memref<10000x128xf32, #tpu.memory_space<hbm>>) target(%arg12 : memref<40x128xf32, #tpu.memory_space<vmem>>) offsets(%dma_start3A_296 : memref<40xi32, #tpu.memory_space<vmem>>) semaphore(%arg22 : memref<!tpu.dma_semaphore, #tpu.memory_space<semaphore_mem>>)
        %dma_start3A_300 = arith.constant 1 : i32
        %dma_start3A_301 = arith.constant 0 : i32
        %dma_start3A_302 = tpu.memref_slice %arg10[%dma_start3A_300, %dma_start3A_301] : memref<2x40xi32, #tpu.memory_space<vmem>> -> memref<1x40xi32, #tpu.memory_space<vmem>>
        %dma_start3A_303 = tpu.memref_squeeze %dma_start3A_302 : memref<1x40xi32, #tpu.memory_space<vmem>> -> memref<40xi32, #tpu.memory_space<vmem>>
        %dma_start3A_304 = arith.constant 0 : i32
        %dma_start3A_305 = arith.constant 0 : i32
        %dma_start3A_306 = tpu.memref_slice %arg3[%dma_start3A_304, %dma_start3A_305] : memref<512x256xf32, #tpu.memory_space<hbm>> -> memref<512x256xf32, #tpu.memory_space<hbm>>
        tpu.enqueue_indirect_dma source(%dma_start3A_306 : memref<512x256xf32, #tpu.memory_space<hbm>>) target(%arg14 : memref<40x256xf32, #tpu.memory_space<vmem>>) offsets(%dma_start3A_303 : memref<40xi32, #tpu.memory_space<vmem>>) semaphore(%arg24 : memref<!tpu.dma_semaphore, #tpu.memory_space<semaphore_mem>>)
      } else {
      }
      %dma_wait3A_200 = arith.constant 0 : i32
      %dma_wait3A_201 = arith.constant 0 : i32
      %dma_wait3A_202 = arith.constant 0 : i32
      %dma_wait3A_203 = tpu.memref_slice %arg5[%add3A, %dma_wait3A_201, %dma_wait3A_202] : memref<32x250x40xi32, #tpu.memory_space<hbm>> -> memref<1x250x40xi32, #tpu.memory_space<hbm>>
      %dma_wait3A_204 = tpu.memref_squeeze %dma_wait3A_203 : memref<1x250x40xi32, #tpu.memory_space<hbm>> -> memref<250x40xi32, #tpu.memory_space<hbm>>
      %dma_wait3A_205 = arith.constant 0 : i32
      %dma_wait3A_206 = tpu.memref_slice %dma_wait3A_204[%dma_wait3A_200, %dma_wait3A_205] : memref<250x40xi32, #tpu.memory_space<hbm>> -> memref<1x40xi32, #tpu.memory_space<hbm>>
      %dma_wait3A_207 = tpu.memref_squeeze %dma_wait3A_206 : memref<1x40xi32, #tpu.memory_space<hbm>> -> memref<40xi32, #tpu.memory_space<hbm>>
      %dma_wait3A_208 = arith.constant 0 : i32
      %dma_wait3A_209 = arith.constant 0 : i32
      %dma_wait3A_210 = tpu.memref_slice %arg5[%add3A, %dma_wait3A_208, %dma_wait3A_209] : memref<32x250x40xi32, #tpu.memory_space<hbm>> -> memref<1x250x40xi32, #tpu.memory_space<hbm>>
      %dma_wait3A_211 = tpu.memref_squeeze %dma_wait3A_210 : memref<1x250x40xi32, #tpu.memory_space<hbm>> -> memref<250x40xi32, #tpu.memory_space<hbm>>
      %dma_wait3A_212 = arith.constant 0 : i32
      %dma_wait3A_213 = tpu.memref_slice %dma_wait3A_211[%dma_wait3A_200, %dma_wait3A_212] : memref<250x40xi32, #tpu.memory_space<hbm>> -> memref<1x40xi32, #tpu.memory_space<hbm>>
      %dma_wait3A_214 = tpu.memref_squeeze %dma_wait3A_213 : memref<1x40xi32, #tpu.memory_space<hbm>> -> memref<40xi32, #tpu.memory_space<hbm>>
      tpu.wait_dma2 semaphore(%arg18 : memref<!tpu.dma_semaphore, #tpu.memory_space<semaphore_mem>>) src(%dma_wait3A_214 : memref<40xi32, #tpu.memory_space<hbm>>) dst(%arg8 : memref<40xi32, #tpu.memory_space<vmem>>)
      %dma_start3A_215 = arith.constant 0 : i32
      %dma_start3A_216 = arith.constant 0 : i32
      %dma_start3A_217 = tpu.memref_slice %arg7[%dma_start3A_215, %dma_start3A_216] : memref<10000x128xf32, #tpu.memory_space<vmem_shared>> -> memref<10000x128xf32, #tpu.memory_space<vmem_shared>>
      tpu.enqueue_indirect_dma source(%arg16 : memref<40x128xf32, #tpu.memory_space<vmem>>) target(%dma_start3A_217 : memref<10000x128xf32, #tpu.memory_space<vmem_shared>>) offsets(%arg8 : memref<40xi32, #tpu.memory_space<vmem>>) semaphore(%arg26 : memref<!tpu.dma_semaphore, #tpu.memory_space<semaphore_mem>>) {add = true}
      %dma_wait3A_218 = arith.constant 0 : i32
      %dma_wait3A_219 = arith.constant 0 : i32
      %dma_wait3A_220 = tpu.memref_slice %arg11[%dma_wait3A_218, %dma_wait3A_219] : memref<2x40xi32, #tpu.memory_space<vmem>> -> memref<1x40xi32, #tpu.memory_space<vmem>>
      %dma_wait3A_221 = tpu.memref_squeeze %dma_wait3A_220 : memref<1x40xi32, #tpu.memory_space<vmem>> -> memref<40xi32, #tpu.memory_space<vmem>>
      %dma_wait3A_222 = arith.constant 0 : i32
      %dma_wait3A_223 = arith.constant 0 : i32
      %dma_wait3A_224 = tpu.memref_slice %arg2[%dma_wait3A_222, %dma_wait3A_223] : memref<10000x128xf32, #tpu.memory_space<hbm>> -> memref<10000x128xf32, #tpu.memory_space<hbm>>
      tpu.wait_indirect_dma semaphore(%arg23 : memref<!tpu.dma_semaphore, #tpu.memory_space<semaphore_mem>>) src(%dma_wait3A_224 : memref<10000x128xf32, #tpu.memory_space<hbm>>) dst(%arg13 : memref<40x128xf32, #tpu.memory_space<vmem>>)
      %dma_wait3A_225 = arith.constant 1 : i32
      %dma_wait3A_226 = arith.constant 0 : i32
      %dma_wait3A_227 = tpu.memref_slice %arg11[%dma_wait3A_225, %dma_wait3A_226] : memref<2x40xi32, #tpu.memory_space<vmem>> -> memref<1x40xi32, #tpu.memory_space<vmem>>
      %dma_wait3A_228 = tpu.memref_squeeze %dma_wait3A_227 : memref<1x40xi32, #tpu.memory_space<vmem>> -> memref<40xi32, #tpu.memory_space<vmem>>
      %dma_wait3A_229 = arith.constant 0 : i32
      %dma_wait3A_230 = arith.constant 0 : i32
      %dma_wait3A_231 = tpu.memref_slice %arg3[%dma_wait3A_229, %dma_wait3A_230] : memref<512x256xf32, #tpu.memory_space<hbm>> -> memref<512x256xf32, #tpu.memory_space<hbm>>
      tpu.wait_indirect_dma semaphore(%arg25 : memref<!tpu.dma_semaphore, #tpu.memory_space<semaphore_mem>>) src(%dma_wait3A_231 : memref<512x256xf32, #tpu.memory_space<hbm>>) dst(%arg15 : memref<40x256xf32, #tpu.memory_space<vmem>>)
      %add3A_232 = arith.constant 3 : i32
      %add3A_233 = arith.addi %mul3A_165, %add3A_232 : i32
      %lt3A_234 = arith.constant 250 : i32
      %lt3A_235 = arith.cmpi slt, %add3A_233, %lt3A_234 : i32
      %convert_element_type3A_236 = arith.extui %lt3A_235 : i1 to i32
      %cond3A_237 = arith.constant 0 : i32
      %cond3A_238 = arith.cmpi ne, %convert_element_type3A_236, %cond3A_237 : i32
      scf.if %cond3A_238 {
        %add3A_274 = arith.constant 3 : i32
        %add3A_275 = arith.addi %mul3A_165, %add3A_274 : i32
        %dma_start3A_276 = arith.constant 0 : i32
        %dma_start3A_277 = arith.constant 0 : i32
        %dma_start3A_278 = arith.constant 0 : i32
        %dma_start3A_279 = tpu.memref_slice %arg4[%add3A, %dma_start3A_276, %dma_start3A_277, %dma_start3A_278] : memref<32x250x2x40xi32, #tpu.memory_space<hbm>> -> memref<1x250x2x40xi32, #tpu.memory_space<hbm>>
        %dma_start3A_280 = tpu.memref_squeeze %dma_start3A_279 : memref<1x250x2x40xi32, #tpu.memory_space<hbm>> -> memref<250x2x40xi32, #tpu.memory_space<hbm>>
        %dma_start3A_281 = arith.constant 0 : i32
        %dma_start3A_282 = arith.constant 0 : i32
        %dma_start3A_283 = tpu.memref_slice %dma_start3A_280[%add3A_275, %dma_start3A_281, %dma_start3A_282] : memref<250x2x40xi32, #tpu.memory_space<hbm>> -> memref<1x2x40xi32, #tpu.memory_space<hbm>>
        %dma_start3A_284 = tpu.memref_squeeze %dma_start3A_283 : memref<1x2x40xi32, #tpu.memory_space<hbm>> -> memref<2x40xi32, #tpu.memory_space<hbm>>
        %dma_start3A_285 = arith.constant 0 : i32
        %dma_start3A_286 = arith.constant 0 : i32
        %dma_start3A_287 = arith.constant 0 : i32
        %dma_start3A_288 = tpu.memref_slice %arg4[%add3A, %dma_start3A_285, %dma_start3A_286, %dma_start3A_287] : memref<32x250x2x40xi32, #tpu.memory_space<hbm>> -> memref<1x250x2x40xi32, #tpu.memory_space<hbm>>
        %dma_start3A_289 = tpu.memref_squeeze %dma_start3A_288 : memref<1x250x2x40xi32, #tpu.memory_space<hbm>> -> memref<250x2x40xi32, #tpu.memory_space<hbm>>
        %dma_start3A_290 = arith.constant 0 : i32
        %dma_start3A_291 = arith.constant 0 : i32
        %dma_start3A_292 = tpu.memref_slice %dma_start3A_289[%add3A_275, %dma_start3A_290, %dma_start3A_291] : memref<250x2x40xi32, #tpu.memory_space<hbm>> -> memref<1x2x40xi32, #tpu.memory_space<hbm>>
        %dma_start3A_293 = tpu.memref_squeeze %dma_start3A_292 : memref<1x2x40xi32, #tpu.memory_space<hbm>> -> memref<2x40xi32, #tpu.memory_space<hbm>>
        tpu.enqueue_dma source(%dma_start3A_293 : memref<2x40xi32, #tpu.memory_space<hbm>>) target(%arg11 : memref<2x40xi32, #tpu.memory_space<vmem>>) target_semaphore(%arg21 : memref<!tpu.dma_semaphore, #tpu.memory_space<semaphore_mem>>)
      } else {
      }
      %gt3A_239 = arith.constant 0 : i32
      %gt3A_240 = arith.cmpi sgt, %add3A_163, %gt3A_239 : i32
      %convert_element_type3A_241 = arith.extui %gt3A_240 : i1 to i32
      %cond3A_242 = arith.constant 0 : i32
      %cond3A_243 = arith.cmpi ne, %convert_element_type3A_241, %cond3A_242 : i32
      scf.if %cond3A_243 {
        %dma_wait3A_274 = arith.constant 0 : i32
        %dma_wait3A_275 = arith.constant 0 : i32
        %dma_wait3A_276 = tpu.memref_slice %arg7[%dma_wait3A_274, %dma_wait3A_275] : memref<10000x128xf32, #tpu.memory_space<vmem_shared>> -> memref<10000x128xf32, #tpu.memory_space<vmem_shared>>
        tpu.wait_indirect_dma semaphore(%arg27 : memref<!tpu.dma_semaphore, #tpu.memory_space<semaphore_mem>>) src(%arg17 : memref<40x128xf32, #tpu.memory_space<vmem>>) dst(%dma_wait3A_276 : memref<10000x128xf32, #tpu.memory_space<vmem_shared>>)
        %add3A_277 = arith.constant 1 : i32
        %add3A_278 = arith.addi %mul3A_165, %add3A_277 : i32
        %dma_start3A_279 = arith.constant 0 : i32
        %dma_start3A_280 = arith.constant 0 : i32
        %dma_start3A_281 = tpu.memref_slice %arg5[%add3A, %dma_start3A_279, %dma_start3A_280] : memref<32x250x40xi32, #tpu.memory_space<hbm>> -> memref<1x250x40xi32, #tpu.memory_space<hbm>>
        %dma_start3A_282 = tpu.memref_squeeze %dma_start3A_281 : memref<1x250x40xi32, #tpu.memory_space<hbm>> -> memref<250x40xi32, #tpu.memory_space<hbm>>
        %dma_start3A_283 = arith.constant 0 : i32
        %dma_start3A_284 = tpu.memref_slice %dma_start3A_282[%add3A_278, %dma_start3A_283] : memref<250x40xi32, #tpu.memory_space<hbm>> -> memref<1x40xi32, #tpu.memory_space<hbm>>
        %dma_start3A_285 = tpu.memref_squeeze %dma_start3A_284 : memref<1x40xi32, #tpu.memory_space<hbm>> -> memref<40xi32, #tpu.memory_space<hbm>>
        %dma_start3A_286 = arith.constant 0 : i32
        %dma_start3A_287 = arith.constant 0 : i32
        %dma_start3A_288 = tpu.memref_slice %arg5[%add3A, %dma_start3A_286, %dma_start3A_287] : memref<32x250x40xi32, #tpu.memory_space<hbm>> -> memref<1x250x40xi32, #tpu.memory_space<hbm>>
        %dma_start3A_289 = tpu.memref_squeeze %dma_start3A_288 : memref<1x250x40xi32, #tpu.memory_space<hbm>> -> memref<250x40xi32, #tpu.memory_space<hbm>>
        %dma_start3A_290 = arith.constant 0 : i32
        %dma_start3A_291 = tpu.memref_slice %dma_start3A_289[%add3A_278, %dma_start3A_290] : memref<250x40xi32, #tpu.memory_space<hbm>> -> memref<1x40xi32, #tpu.memory_space<hbm>>
        %dma_start3A_292 = tpu.memref_squeeze %dma_start3A_291 : memref<1x40xi32, #tpu.memory_space<hbm>> -> memref<40xi32, #tpu.memory_space<hbm>>
        tpu.enqueue_dma source(%dma_start3A_292 : memref<40xi32, #tpu.memory_space<hbm>>) target(%arg9 : memref<40xi32, #tpu.memory_space<vmem>>) target_semaphore(%arg19 : memref<!tpu.dma_semaphore, #tpu.memory_space<semaphore_mem>>)
      } else {
      }
      %scan3A_244 = arith.constant 0 : i32
      %scan3A_245 = arith.constant 40 : i32
      %scan3A_246 = arith.addi %scan3A_244, %scan3A_245 : i32
      %scan3A_247 = arith.constant 1 : i32
      scf.for %scan3A_274 = %scan3A_244 to %scan3A_246 step %scan3A_247  : i32 {
        %mul3A_275 = arith.constant 1 : i32
        %mul3A_276 = arith.muli %scan3A_274, %mul3A_275 : i32
        %add3A_277 = arith.constant 0 : i32
        %add3A_278 = arith.addi %add3A_277, %mul3A_276 : i32
        %get3A = arith.index_cast %add3A_278 : i32 to index
        %get3A_279 = arith.constant 128 : index
        %get3A_280 = tpu.vector_load %arg15[%get3A, %get3A_279] {strides = array<i32>} : memref<40x256xf32, #tpu.memory_space<vmem>>, vector<16xf32>,
        %get3A_281 = arith.index_cast %add3A_278 : i32 to index
        %get3A_282 = arith.constant 0 : index
        %get3A_283 = tpu.vector_load %arg13[%get3A_281, %get3A_282] {strides = array<i32>} : memref<40x128xf32, #tpu.memory_space<vmem>>, vector<16xf32>,
        %get3A_284 = arith.index_cast %add3A_278 : i32 to index
        %get3A_285 = arith.constant 0 : index
        %get3A_286 = tpu.vector_load %arg15[%get3A_284, %get3A_285] {strides = array<i32>} : memref<40x256xf32, #tpu.memory_space<vmem>>, vector<16xf32>,
        %add3A_287 = arith.addf %get3A_283, %get3A_286 : vector<16xf32>
        %max3A = arith.constant 0.000000e+00 : f32
        %max3A_288 = vector.broadcast %max3A : f32 to vector<16xf32>
        %max3A_289 = arith.maximumf %add3A_287, %max3A_288 : vector<16xf32>
        %mul3A_290 = arith.mulf %max3A_289, %get3A_280 : vector<16xf32>
        %swap3A = arith.index_cast %add3A_278 : i32 to index
        %swap3A_291 = arith.constant 0 : index
        %swap3A_292 = tpu.vector_load %arg17[%swap3A, %swap3A_291] {strides = array<i32>} : memref<40x128xf32, #tpu.memory_space<vmem>>, vector<16xf32>,
        tpu.vector_store %arg17[%swap3A, %swap3A_291], %mul3A_290 {strides = array<i32>} : memref<40x128xf32, #tpu.memory_space<vmem>>, vector<16xf32>,
        %get3A_293 = arith.index_cast %add3A_278 : i32 to index
        %get3A_294 = arith.constant 16 : index
        %get3A_295 = tpu.vector_load %arg13[%get3A_293, %get3A_294] {strides = array<i32>} : memref<40x128xf32, #tpu.memory_space<vmem>>, vector<16xf32>,
        %get3A_296 = arith.index_cast %add3A_278 : i32 to index
        %get3A_297 = arith.constant 16 : index
        %get3A_298 = tpu.vector_load %arg15[%get3A_296, %get3A_297] {strides = array<i32>} : memref<40x256xf32, #tpu.memory_space<vmem>>, vector<16xf32>,
        %add3A_299 = arith.addf %get3A_295, %get3A_298 : vector<16xf32>
        %max3A_300 = arith.constant 0.000000e+00 : f32
        %max3A_301 = vector.broadcast %max3A_300 : f32 to vector<16xf32>
        %max3A_302 = arith.maximumf %add3A_299, %max3A_301 : vector<16xf32>
        %mul3A_303 = arith.mulf %max3A_302, %get3A_280 : vector<16xf32>
        %swap3A_304 = arith.index_cast %add3A_278 : i32 to index
        %swap3A_305 = arith.constant 16 : index
        %swap3A_306 = tpu.vector_load %arg17[%swap3A_304, %swap3A_305] {strides = array<i32>} : memref<40x128xf32, #tpu.memory_space<vmem>>, vector<16xf32>,
        tpu.vector_store %arg17[%swap3A_304, %swap3A_305], %mul3A_303 {strides = array<i32>} : memref<40x128xf32, #tpu.memory_space<vmem>>, vector<16xf32>,
        %get3A_307 = arith.index_cast %add3A_278 : i32 to index
        %get3A_308 = arith.constant 32 : index
        %get3A_309 = tpu.vector_load %arg13[%get3A_307, %get3A_308] {strides = array<i32>} : memref<40x128xf32, #tpu.memory_space<vmem>>, vector<16xf32>,
        %get3A_310 = arith.index_cast %add3A_278 : i32 to index
        %get3A_311 = arith.constant 32 : index
        %get3A_312 = tpu.vector_load %arg15[%get3A_310, %get3A_311] {strides = array<i32>} : memref<40x256xf32, #tpu.memory_space<vmem>>, vector<16xf32>,
        %add3A_313 = arith.addf %get3A_309, %get3A_312 : vector<16xf32>
        %max3A_314 = arith.constant 0.000000e+00 : f32
        %max3A_315 = vector.broadcast %max3A_314 : f32 to vector<16xf32>
        %max3A_316 = arith.maximumf %add3A_313, %max3A_315 : vector<16xf32>
        %mul3A_317 = arith.mulf %max3A_316, %get3A_280 : vector<16xf32>
        %swap3A_318 = arith.index_cast %add3A_278 : i32 to index
        %swap3A_319 = arith.constant 32 : index
        %swap3A_320 = tpu.vector_load %arg17[%swap3A_318, %swap3A_319] {strides = array<i32>} : memref<40x128xf32, #tpu.memory_space<vmem>>, vector<16xf32>,
        tpu.vector_store %arg17[%swap3A_318, %swap3A_319], %mul3A_317 {strides = array<i32>} : memref<40x128xf32, #tpu.memory_space<vmem>>, vector<16xf32>,
        %get3A_321 = arith.index_cast %add3A_278 : i32 to index
        %get3A_322 = arith.constant 48 : index
        %get3A_323 = tpu.vector_load %arg13[%get3A_321, %get3A_322] {strides = array<i32>} : memref<40x128xf32, #tpu.memory_space<vmem>>, vector<16xf32>,
        %get3A_324 = arith.index_cast %add3A_278 : i32 to index
        %get3A_325 = arith.constant 48 : index
        %get3A_326 = tpu.vector_load %arg15[%get3A_324, %get3A_325] {strides = array<i32>} : memref<40x256xf32, #tpu.memory_space<vmem>>, vector<16xf32>,
        %add3A_327 = arith.addf %get3A_323, %get3A_326 : vector<16xf32>
        %max3A_328 = arith.constant 0.000000e+00 : f32
        %max3A_329 = vector.broadcast %max3A_328 : f32 to vector<16xf32>
        %max3A_330 = arith.maximumf %add3A_327, %max3A_329 : vector<16xf32>
        %mul3A_331 = arith.mulf %max3A_330, %get3A_280 : vector<16xf32>
        %swap3A_332 = arith.index_cast %add3A_278 : i32 to index
        %swap3A_333 = arith.constant 48 : index
        %swap3A_334 = tpu.vector_load %arg17[%swap3A_332, %swap3A_333] {strides = array<i32>} : memref<40x128xf32, #tpu.memory_space<vmem>>, vector<16xf32>,
        tpu.vector_store %arg17[%swap3A_332, %swap3A_333], %mul3A_331 {strides = array<i32>} : memref<40x128xf32, #tpu.memory_space<vmem>>, vector<16xf32>,
        %get3A_335 = arith.index_cast %add3A_278 : i32 to index
        %get3A_336 = arith.constant 64 : index
        %get3A_337 = tpu.vector_load %arg13[%get3A_335, %get3A_336] {strides = array<i32>} : memref<40x128xf32, #tpu.memory_space<vmem>>, vector<16xf32>,
        %get3A_338 = arith.index_cast %add3A_278 : i32 to index
        %get3A_339 = arith.constant 64 : index
        %get3A_340 = tpu.vector_load %arg15[%get3A_338, %get3A_339] {strides = array<i32>} : memref<40x256xf32, #tpu.memory_space<vmem>>, vector<16xf32>,
        %add3A_341 = arith.addf %get3A_337, %get3A_340 : vector<16xf32>
        %max3A_342 = arith.constant 0.000000e+00 : f32
        %max3A_343 = vector.broadcast %max3A_342 : f32 to vector<16xf32>
        %max3A_344 = arith.maximumf %add3A_341, %max3A_343 : vector<16xf32>
        %mul3A_345 = arith.mulf %max3A_344, %get3A_280 : vector<16xf32>
        %swap3A_346 = arith.index_cast %add3A_278 : i32 to index
        %swap3A_347 = arith.constant 64 : index
        %swap3A_348 = tpu.vector_load %arg17[%swap3A_346, %swap3A_347] {strides = array<i32>} : memref<40x128xf32, #tpu.memory_space<vmem>>, vector<16xf32>,
        tpu.vector_store %arg17[%swap3A_346, %swap3A_347], %mul3A_345 {strides = array<i32>} : memref<40x128xf32, #tpu.memory_space<vmem>>, vector<16xf32>,
        %get3A_349 = arith.index_cast %add3A_278 : i32 to index
        %get3A_350 = arith.constant 80 : index
        %get3A_351 = tpu.vector_load %arg13[%get3A_349, %get3A_350] {strides = array<i32>} : memref<40x128xf32, #tpu.memory_space<vmem>>, vector<16xf32>,
        %get3A_352 = arith.index_cast %add3A_278 : i32 to index
        %get3A_353 = arith.constant 80 : index
        %get3A_354 = tpu.vector_load %arg15[%get3A_352, %get3A_353] {strides = array<i32>} : memref<40x256xf32, #tpu.memory_space<vmem>>, vector<16xf32>,
        %add3A_355 = arith.addf %get3A_351, %get3A_354 : vector<16xf32>
        %max3A_356 = arith.constant 0.000000e+00 : f32
        %max3A_357 = vector.broadcast %max3A_356 : f32 to vector<16xf32>
        %max3A_358 = arith.maximumf %add3A_355, %max3A_357 : vector<16xf32>
        %mul3A_359 = arith.mulf %max3A_358, %get3A_280 : vector<16xf32>
        %swap3A_360 = arith.index_cast %add3A_278 : i32 to index
        %swap3A_361 = arith.constant 80 : index
        %swap3A_362 = tpu.vector_load %arg17[%swap3A_360, %swap3A_361] {strides = array<i32>} : memref<40x128xf32, #tpu.memory_space<vmem>>, vector<16xf32>,
        tpu.vector_store %arg17[%swap3A_360, %swap3A_361], %mul3A_359 {strides = array<i32>} : memref<40x128xf32, #tpu.memory_space<vmem>>, vector<16xf32>,
        %get3A_363 = arith.index_cast %add3A_278 : i32 to index
        %get3A_364 = arith.constant 96 : index
        %get3A_365 = tpu.vector_load %arg13[%get3A_363, %get3A_364] {strides = array<i32>} : memref<40x128xf32, #tpu.memory_space<vmem>>, vector<16xf32>,
        %get3A_366 = arith.index_cast %add3A_278 : i32 to index
        %get3A_367 = arith.constant 96 : index
        %get3A_368 = tpu.vector_load %arg15[%get3A_366, %get3A_367] {strides = array<i32>} : memref<40x256xf32, #tpu.memory_space<vmem>>, vector<16xf32>,
        %add3A_369 = arith.addf %get3A_365, %get3A_368 : vector<16xf32>
        %max3A_370 = arith.constant 0.000000e+00 : f32
        %max3A_371 = vector.broadcast %max3A_370 : f32 to vector<16xf32>
        %max3A_372 = arith.maximumf %add3A_369, %max3A_371 : vector<16xf32>
        %mul3A_373 = arith.mulf %max3A_372, %get3A_280 : vector<16xf32>
        %swap3A_374 = arith.index_cast %add3A_278 : i32 to index
        %swap3A_375 = arith.constant 96 : index
        %swap3A_376 = tpu.vector_load %arg17[%swap3A_374, %swap3A_375] {strides = array<i32>} : memref<40x128xf32, #tpu.memory_space<vmem>>, vector<16xf32>,
        tpu.vector_store %arg17[%swap3A_374, %swap3A_375], %mul3A_373 {strides = array<i32>} : memref<40x128xf32, #tpu.memory_space<vmem>>, vector<16xf32>,
        %get3A_377 = arith.index_cast %add3A_278 : i32 to index
        %get3A_378 = arith.constant 112 : index
        %get3A_379 = tpu.vector_load %arg13[%get3A_377, %get3A_378] {strides = array<i32>} : memref<40x128xf32, #tpu.memory_space<vmem>>, vector<16xf32>,
        %get3A_380 = arith.index_cast %add3A_278 : i32 to index
        %get3A_381 = arith.constant 112 : index
        %get3A_382 = tpu.vector_load %arg15[%get3A_380, %get3A_381] {strides = array<i32>} : memref<40x256xf32, #tpu.memory_space<vmem>>, vector<16xf32>,
        %add3A_383 = arith.addf %get3A_379, %get3A_382 : vector<16xf32>
        %max3A_384 = arith.constant 0.000000e+00 : f32
        %max3A_385 = vector.broadcast %max3A_384 : f32 to vector<16xf32>
        %max3A_386 = arith.maximumf %add3A_383, %max3A_385 : vector<16xf32>
        %mul3A_387 = arith.mulf %max3A_386, %get3A_280 : vector<16xf32>
        %swap3A_388 = arith.index_cast %add3A_278 : i32 to index
        %swap3A_389 = arith.constant 112 : index
        %swap3A_390 = tpu.vector_load %arg17[%swap3A_388, %swap3A_389] {strides = array<i32>} : memref<40x128xf32, #tpu.memory_space<vmem>>, vector<16xf32>,
        tpu.vector_store %arg17[%swap3A_388, %swap3A_389], %mul3A_387 {strides = array<i32>} : memref<40x128xf32, #tpu.memory_space<vmem>>, vector<16xf32>,
      }
      %scan3A_248 = arith.constant 40 : i32
      %add3A_249 = arith.constant 3 : i32
      %add3A_250 = arith.addi %mul3A_165, %add3A_249 : i32
      %lt3A_251 = arith.constant 250 : i32
      %lt3A_252 = arith.cmpi slt, %add3A_250, %lt3A_251 : i32
      %convert_element_type3A_253 = arith.extui %lt3A_252 : i1 to i32
      %cond3A_254 = arith.constant 0 : i32
      %cond3A_255 = arith.cmpi ne, %convert_element_type3A_253, %cond3A_254 : i32
      scf.if %cond3A_255 {
        %dma_wait3A_274 = arith.constant 0 : i32
        %dma_wait3A_275 = arith.constant 0 : i32
        %dma_wait3A_276 = arith.constant 0 : i32
        %dma_wait3A_277 = arith.constant 0 : i32
        %dma_wait3A_278 = tpu.memref_slice %arg4[%add3A, %dma_wait3A_275, %dma_wait3A_276, %dma_wait3A_277] : memref<32x250x2x40xi32, #tpu.memory_space<hbm>> -> memref<1x250x2x40xi32, #tpu.memory_space<hbm>>
        %dma_wait3A_279 = tpu.memref_squeeze %dma_wait3A_278 : memref<1x250x2x40xi32, #tpu.memory_space<hbm>> -> memref<250x2x40xi32, #tpu.memory_space<hbm>>
        %dma_wait3A_280 = arith.constant 0 : i32
        %dma_wait3A_281 = arith.constant 0 : i32
        %dma_wait3A_282 = tpu.memref_slice %dma_wait3A_279[%dma_wait3A_274, %dma_wait3A_280, %dma_wait3A_281] : memref<250x2x40xi32, #tpu.memory_space<hbm>> -> memref<1x2x40xi32, #tpu.memory_space<hbm>>
        %dma_wait3A_283 = tpu.memref_squeeze %dma_wait3A_282 : memref<1x2x40xi32, #tpu.memory_space<hbm>> -> memref<2x40xi32, #tpu.memory_space<hbm>>
        %dma_wait3A_284 = arith.constant 0 : i32
        %dma_wait3A_285 = arith.constant 0 : i32
        %dma_wait3A_286 = arith.constant 0 : i32
        %dma_wait3A_287 = tpu.memref_slice %arg4[%add3A, %dma_wait3A_284, %dma_wait3A_285, %dma_wait3A_286] : memref<32x250x2x40xi32, #tpu.memory_space<hbm>> -> memref<1x250x2x40xi32, #tpu.memory_space<hbm>>
        %dma_wait3A_288 = tpu.memref_squeeze %dma_wait3A_287 : memref<1x250x2x40xi32, #tpu.memory_space<hbm>> -> memref<250x2x40xi32, #tpu.memory_space<hbm>>
        %dma_wait3A_289 = arith.constant 0 : i32
        %dma_wait3A_290 = arith.constant 0 : i32
        %dma_wait3A_291 = tpu.memref_slice %dma_wait3A_288[%dma_wait3A_274, %dma_wait3A_289, %dma_wait3A_290] : memref<250x2x40xi32, #tpu.memory_space<hbm>> -> memref<1x2x40xi32, #tpu.memory_space<hbm>>
        %dma_wait3A_292 = tpu.memref_squeeze %dma_wait3A_291 : memref<1x2x40xi32, #tpu.memory_space<hbm>> -> memref<2x40xi32, #tpu.memory_space<hbm>>
        tpu.wait_dma2 semaphore(%arg21 : memref<!tpu.dma_semaphore, #tpu.memory_space<semaphore_mem>>) src(%dma_wait3A_292 : memref<2x40xi32, #tpu.memory_space<hbm>>) dst(%arg11 : memref<2x40xi32, #tpu.memory_space<vmem>>)
        %dma_start3A_293 = arith.constant 0 : i32
        %dma_start3A_294 = arith.constant 0 : i32
        %dma_start3A_295 = tpu.memref_slice %arg11[%dma_start3A_293, %dma_start3A_294] : memref<2x40xi32, #tpu.memory_space<vmem>> -> memref<1x40xi32, #tpu.memory_space<vmem>>
        %dma_start3A_296 = tpu.memref_squeeze %dma_start3A_295 : memref<1x40xi32, #tpu.memory_space<vmem>> -> memref<40xi32, #tpu.memory_space<vmem>>
        %dma_start3A_297 = arith.constant 0 : i32
        %dma_start3A_298 = arith.constant 0 : i32
        %dma_start3A_299 = tpu.memref_slice %arg2[%dma_start3A_297, %dma_start3A_298] : memref<10000x128xf32, #tpu.memory_space<hbm>> -> memref<10000x128xf32, #tpu.memory_space<hbm>>
        tpu.enqueue_indirect_dma source(%dma_start3A_299 : memref<10000x128xf32, #tpu.memory_space<hbm>>) target(%arg13 : memref<40x128xf32, #tpu.memory_space<vmem>>) offsets(%dma_start3A_296 : memref<40xi32, #tpu.memory_space<vmem>>) semaphore(%arg23 : memref<!tpu.dma_semaphore, #tpu.memory_space<semaphore_mem>>)
        %dma_start3A_300 = arith.constant 1 : i32
        %dma_start3A_301 = arith.constant 0 : i32
        %dma_start3A_302 = tpu.memref_slice %arg11[%dma_start3A_300, %dma_start3A_301] : memref<2x40xi32, #tpu.memory_space<vmem>> -> memref<1x40xi32, #tpu.memory_space<vmem>>
        %dma_start3A_303 = tpu.memref_squeeze %dma_start3A_302 : memref<1x40xi32, #tpu.memory_space<vmem>> -> memref<40xi32, #tpu.memory_space<vmem>>
        %dma_start3A_304 = arith.constant 0 : i32
        %dma_start3A_305 = arith.constant 0 : i32
        %dma_start3A_306 = tpu.memref_slice %arg3[%dma_start3A_304, %dma_start3A_305] : memref<512x256xf32, #tpu.memory_space<hbm>> -> memref<512x256xf32, #tpu.memory_space<hbm>>
        tpu.enqueue_indirect_dma source(%dma_start3A_306 : memref<512x256xf32, #tpu.memory_space<hbm>>) target(%arg15 : memref<40x256xf32, #tpu.memory_space<vmem>>) offsets(%dma_start3A_303 : memref<40xi32, #tpu.memory_space<vmem>>) semaphore(%arg25 : memref<!tpu.dma_semaphore, #tpu.memory_space<semaphore_mem>>)
      } else {
      }
      %dma_wait3A_256 = arith.constant 0 : i32
      %dma_wait3A_257 = arith.constant 0 : i32
      %dma_wait3A_258 = arith.constant 0 : i32
      %dma_wait3A_259 = tpu.memref_slice %arg5[%add3A, %dma_wait3A_257, %dma_wait3A_258] : memref<32x250x40xi32, #tpu.memory_space<hbm>> -> memref<1x250x40xi32, #tpu.memory_space<hbm>>
      %dma_wait3A_260 = tpu.memref_squeeze %dma_wait3A_259 : memref<1x250x40xi32, #tpu.memory_space<hbm>> -> memref<250x40xi32, #tpu.memory_space<hbm>>
      %dma_wait3A_261 = arith.constant 0 : i32
      %dma_wait3A_262 = tpu.memref_slice %dma_wait3A_260[%dma_wait3A_256, %dma_wait3A_261] : memref<250x40xi32, #tpu.memory_space<hbm>> -> memref<1x40xi32, #tpu.memory_space<hbm>>
      %dma_wait3A_263 = tpu.memref_squeeze %dma_wait3A_262 : memref<1x40xi32, #tpu.memory_space<hbm>> -> memref<40xi32, #tpu.memory_space<hbm>>
      %dma_wait3A_264 = arith.constant 0 : i32
      %dma_wait3A_265 = arith.constant 0 : i32
      %dma_wait3A_266 = tpu.memref_slice %arg5[%add3A, %dma_wait3A_264, %dma_wait3A_265] : memref<32x250x40xi32, #tpu.memory_space<hbm>> -> memref<1x250x40xi32, #tpu.memory_space<hbm>>
      %dma_wait3A_267 = tpu.memref_squeeze %dma_wait3A_266 : memref<1x250x40xi32, #tpu.memory_space<hbm>> -> memref<250x40xi32, #tpu.memory_space<hbm>>
      %dma_wait3A_268 = arith.constant 0 : i32
      %dma_wait3A_269 = tpu.memref_slice %dma_wait3A_267[%dma_wait3A_256, %dma_wait3A_268] : memref<250x40xi32, #tpu.memory_space<hbm>> -> memref<1x40xi32, #tpu.memory_space<hbm>>
      %dma_wait3A_270 = tpu.memref_squeeze %dma_wait3A_269 : memref<1x40xi32, #tpu.memory_space<hbm>> -> memref<40xi32, #tpu.memory_space<hbm>>
      tpu.wait_dma2 semaphore(%arg19 : memref<!tpu.dma_semaphore, #tpu.memory_space<semaphore_mem>>) src(%dma_wait3A_270 : memref<40xi32, #tpu.memory_space<hbm>>) dst(%arg9 : memref<40xi32, #tpu.memory_space<vmem>>)
      %dma_start3A_271 = arith.constant 0 : i32
      %dma_start3A_272 = arith.constant 0 : i32
      %dma_start3A_273 = tpu.memref_slice %arg7[%dma_start3A_271, %dma_start3A_272] : memref<10000x128xf32, #tpu.memory_space<vmem_shared>> -> memref<10000x128xf32, #tpu.memory_space<vmem_shared>>
      tpu.enqueue_indirect_dma source(%arg17 : memref<40x128xf32, #tpu.memory_space<vmem>>) target(%dma_start3A_273 : memref<10000x128xf32, #tpu.memory_space<vmem_shared>>) offsets(%arg9 : memref<40xi32, #tpu.memory_space<vmem>>) semaphore(%arg27 : memref<!tpu.dma_semaphore, #tpu.memory_space<semaphore_mem>>) {add = true}
    }
    %scan3A_146 = arith.constant 125 : i32
    %dma_wait3A_147 = arith.constant 0 : i32
    %dma_wait3A_148 = arith.constant 0 : i32
    %dma_wait3A_149 = tpu.memref_slice %arg7[%dma_wait3A_147, %dma_wait3A_148] : memref<10000x128xf32, #tpu.memory_space<vmem_shared>> -> memref<10000x128xf32, #tpu.memory_space<vmem_shared>>
    tpu.wait_indirect_dma semaphore(%arg26 : memref<!tpu.dma_semaphore, #tpu.memory_space<semaphore_mem>>) src(%arg16 : memref<40x128xf32, #tpu.memory_space<vmem>>) dst(%dma_wait3A_149 : memref<10000x128xf32, #tpu.memory_space<vmem_shared>>)
    %dma_wait3A_150 = arith.constant 0 : i32
    %dma_wait3A_151 = arith.constant 0 : i32
    %dma_wait3A_152 = tpu.memref_slice %arg7[%dma_wait3A_150, %dma_wait3A_151] : memref<10000x128xf32, #tpu.memory_space<vmem_shared>> -> memref<10000x128xf32, #tpu.memory_space<vmem_shared>>
    tpu.wait_indirect_dma semaphore(%arg27 : memref<!tpu.dma_semaphore, #tpu.memory_space<semaphore_mem>>) src(%arg17 : memref<40x128xf32, #tpu.memory_space<vmem>>) dst(%dma_wait3A_152 : memref<10000x128xf32, #tpu.memory_space<vmem_shared>>)
    %barrier3A_153 = arith.constant 0 : index
    tpu.barrier barrier_id(%barrier3A_153)
    %scan3A_154 = arith.constant 0 : i32
    %scan3A_155 = arith.constant 16 : i32
    %scan3A_156 = arith.addi %scan3A_154, %scan3A_155 : i32
    %scan3A_157 = arith.constant 1 : i32
    scf.for %scan3A_159 = %scan3A_154 to %scan3A_156 step %scan3A_157  : i32 {
      %mul3A_160 = arith.constant 1 : i32
      %mul3A_161 = arith.muli %scan3A_159, %mul3A_160 : i32
      %add3A_162 = arith.constant 0 : i32
      %add3A_163 = arith.addi %add3A_162, %mul3A_161 : i32
      %mul3A_164 = arith.constant 16 : i32
      %mul3A_165 = arith.muli %add3A_163, %mul3A_164 : i32
      %add3A_166 = arith.addi %mul3A_165, %arg1 : i32
      %lt3A = arith.constant 250 : i32
      %lt3A_167 = arith.cmpi slt, %add3A_166, %lt3A : i32
      %convert_element_type3A = arith.extui %lt3A_167 : i1 to i32
      %cond3A = arith.constant 0 : i32
      %cond3A_168 = arith.cmpi ne, %convert_element_type3A, %cond3A : i32
      scf.if %cond3A_168 {
        %mul3A_169 = arith.constant 40 : i32
        %mul3A_170 = arith.muli %add3A_166, %mul3A_169 : i32
        "tpu.region"() ({
          %run_scoped3A = tpu.sem_alloc : memref<!tpu.dma_semaphore, #tpu.memory_space<semaphore_mem>>
          %dma_start3A_171 = arith.constant 0 : i32
          %dma_start3A_172 = arith.constant 0 : i32
          %dma_start3A_173 = tpu.memref_slice %arg6[%arg0, %dma_start3A_171, %dma_start3A_172] : memref<2x10000x128xf32, #tpu.memory_space<hbm>> -> memref<1x10000x128xf32, #tpu.memory_space<hbm>>
          %dma_start3A_174 = tpu.memref_squeeze %dma_start3A_173 : memref<1x10000x128xf32, #tpu.memory_space<hbm>> -> memref<10000x128xf32, #tpu.memory_space<hbm>>
          %dma_start3A_175 = arith.constant 0 : i32
          %dma_start3A_176 = tpu.memref_slice %dma_start3A_174[%mul3A_170, %dma_start3A_175] : memref<10000x128xf32, #tpu.memory_space<hbm>> -> memref<40x128xf32, #tpu.memory_space<hbm>>
          %dma_start3A_177 = arith.constant 0 : i32
          %dma_start3A_178 = tpu.memref_slice %arg7[%mul3A_170, %dma_start3A_177] : memref<10000x128xf32, #tpu.memory_space<vmem_shared>> -> memref<40x128xf32, #tpu.memory_space<vmem_shared>>
          tpu.enqueue_dma source(%dma_start3A_178 : memref<40x128xf32, #tpu.memory_space<vmem_shared>>) target(%dma_start3A_176 : memref<40x128xf32, #tpu.memory_space<hbm>>) target_semaphore(%run_scoped3A : memref<!tpu.dma_semaphore, #tpu.memory_space<semaphore_mem>>)
          %dma_wait3A_179 = arith.constant 0 : i32
          %dma_wait3A_180 = arith.constant 0 : i32
          %dma_wait3A_181 = tpu.memref_slice %arg6[%arg0, %dma_wait3A_179, %dma_wait3A_180] : memref<2x10000x128xf32, #tpu.memory_space<hbm>> -> memref<1x10000x128xf32, #tpu.memory_space<hbm>>
          %dma_wait3A_182 = tpu.memref_squeeze %dma_wait3A_181 : memref<1x10000x128xf32, #tpu.memory_space<hbm>> -> memref<10000x128xf32, #tpu.memory_space<hbm>>
          %dma_wait3A_183 = arith.constant 0 : i32
          %dma_wait3A_184 = tpu.memref_slice %dma_wait3A_182[%mul3A_170, %dma_wait3A_183] : memref<10000x128xf32, #tpu.memory_space<hbm>> -> memref<40x128xf32, #tpu.memory_space<hbm>>
          %dma_wait3A_185 = arith.constant 0 : i32
          %dma_wait3A_186 = tpu.memref_slice %arg7[%mul3A_170, %dma_wait3A_185] : memref<10000x128xf32, #tpu.memory_space<vmem_shared>> -> memref<40x128xf32, #tpu.memory_space<vmem_shared>>
          tpu.wait_dma2 semaphore(%run_scoped3A : memref<!tpu.dma_semaphore, #tpu.memory_space<semaphore_mem>>) src(%dma_wait3A_186 : memref<40x128xf32, #tpu.memory_space<vmem_shared>>) dst(%dma_wait3A_184 : memref<40x128xf32, #tpu.memory_space<hbm>>)
          tpu.yield
        }) : () -> ()
      } else {
      }
    }
    %scan3A_158 = arith.constant 16 : i32
    return
  }
}

#map = affine_map<(d0, d1) -> (0, 0)>
#map1 = affine_map<(d0, d1) -> (0)>
module attributes {stable_mosaic.version = 14 : i64} {
  func.func @k(%arg0: i32, %arg1: i32, %arg2: memref<50000x128xf32, #tpu.memory_space<hbm>>, %arg3: memref<10000xi32, #tpu.memory_space<hbm>>, %arg4: memref<10000x128xf32, #tpu.memory_space<hbm>>, %arg5: memref<40xi32, #tpu.memory_space<vmem>>, %arg6: memref<40x128xf32, #tpu.memory_space<vmem>>, %arg7: memref<!tpu.dma_semaphore, #tpu.memory_space<semaphore_mem>>) attributes {dimension_semantics = [#tpu.dimension_semantics<core_parallel>, #tpu.dimension_semantics<subcore_parallel>], iteration_bounds = array<i64: 2, 16>, scalar_prefetch = 0 : i64, scratch_operands = 3 : i64, tpu.core_type = #tpu.core_type<sc_vector_subcore>, window_params = [{transform_indices = #map}, {transform_indices = #map1}, {transform_indices = #map}]} {
    %mul3A = arith.constant 16 : i32
    %mul3A_0 = arith.muli %arg0, %mul3A : i32
    %add3A = arith.addi %mul3A_0, %arg1 : i32
    %scan3A = arith.constant 0 : i32
    %scan3A_1 = arith.constant 8 : i32
    %scan3A_2 = arith.addi %scan3A, %scan3A_1 : i32
    %scan3A_3 = arith.constant 1 : i32
    scf.for %scan3A_5 = %scan3A to %scan3A_2 step %scan3A_3  : i32 {
      %mul3A_6 = arith.constant 1 : i32
      %mul3A_7 = arith.muli %scan3A_5, %mul3A_6 : i32
      %add3A_8 = arith.constant 0 : i32
      %add3A_9 = arith.addi %add3A_8, %mul3A_7 : i32
      %mul3A_10 = arith.constant 32 : i32
      %mul3A_11 = arith.muli %add3A_9, %mul3A_10 : i32
      %add3A_12 = arith.addi %mul3A_11, %add3A : i32
      %lt3A = arith.constant 250 : i32
      %lt3A_13 = arith.cmpi slt, %add3A_12, %lt3A : i32
      %convert_element_type3A = arith.extui %lt3A_13 : i1 to i32
      %cond3A = arith.constant 0 : i32
      %cond3A_14 = arith.cmpi ne, %convert_element_type3A, %cond3A : i32
      scf.if %cond3A_14 {
        %mul3A_15 = arith.constant 40 : i32
        %mul3A_16 = arith.muli %add3A_12, %mul3A_15 : i32
        "tpu.region"() ({
          %run_scoped3A = tpu.sem_alloc : memref<!tpu.dma_semaphore, #tpu.memory_space<semaphore_mem>>
          %dma_start3A_21 = tpu.memref_slice %arg3[%mul3A_16] : memref<10000xi32, #tpu.memory_space<hbm>> -> memref<40xi32, #tpu.memory_space<hbm>>
          %dma_start3A_22 = tpu.memref_slice %arg3[%mul3A_16] : memref<10000xi32, #tpu.memory_space<hbm>> -> memref<40xi32, #tpu.memory_space<hbm>>
          tpu.enqueue_dma source(%dma_start3A_22 : memref<40xi32, #tpu.memory_space<hbm>>) target(%arg5 : memref<40xi32, #tpu.memory_space<vmem>>) target_semaphore(%run_scoped3A : memref<!tpu.dma_semaphore, #tpu.memory_space<semaphore_mem>>)
          %dma_wait3A_23 = tpu.memref_slice %arg3[%mul3A_16] : memref<10000xi32, #tpu.memory_space<hbm>> -> memref<40xi32, #tpu.memory_space<hbm>>
          %dma_wait3A_24 = tpu.memref_slice %arg3[%mul3A_16] : memref<10000xi32, #tpu.memory_space<hbm>> -> memref<40xi32, #tpu.memory_space<hbm>>
          tpu.wait_dma2 semaphore(%run_scoped3A : memref<!tpu.dma_semaphore, #tpu.memory_space<semaphore_mem>>) src(%dma_wait3A_24 : memref<40xi32, #tpu.memory_space<hbm>>) dst(%arg5 : memref<40xi32, #tpu.memory_space<vmem>>)
          tpu.yield
        }) : () -> ()
        %dma_start3A = arith.constant 0 : i32
        %dma_start3A_17 = arith.constant 0 : i32
        %dma_start3A_18 = tpu.memref_slice %arg2[%dma_start3A, %dma_start3A_17] : memref<50000x128xf32, #tpu.memory_space<hbm>> -> memref<50000x128xf32, #tpu.memory_space<hbm>>
        tpu.enqueue_indirect_dma source(%dma_start3A_18 : memref<50000x128xf32, #tpu.memory_space<hbm>>) target(%arg6 : memref<40x128xf32, #tpu.memory_space<vmem>>) offsets(%arg5 : memref<40xi32, #tpu.memory_space<vmem>>) semaphore(%arg7 : memref<!tpu.dma_semaphore, #tpu.memory_space<semaphore_mem>>)
        %dma_wait3A = arith.constant 0 : i32
        %dma_wait3A_19 = arith.constant 0 : i32
        %dma_wait3A_20 = tpu.memref_slice %arg2[%dma_wait3A, %dma_wait3A_19] : memref<50000x128xf32, #tpu.memory_space<hbm>> -> memref<50000x128xf32, #tpu.memory_space<hbm>>
        tpu.wait_indirect_dma semaphore(%arg7 : memref<!tpu.dma_semaphore, #tpu.memory_space<semaphore_mem>>) src(%dma_wait3A_20 : memref<50000x128xf32, #tpu.memory_space<hbm>>) dst(%arg6 : memref<40x128xf32, #tpu.memory_space<vmem>>)
        "tpu.region"() ({
          %run_scoped3A = tpu.sem_alloc : memref<!tpu.dma_semaphore, #tpu.memory_space<semaphore_mem>>
          %dma_start3A_21 = arith.constant 0 : i32
          %dma_start3A_22 = tpu.memref_slice %arg4[%mul3A_16, %dma_start3A_21] : memref<10000x128xf32, #tpu.memory_space<hbm>> -> memref<40x128xf32, #tpu.memory_space<hbm>>
          %dma_start3A_23 = arith.constant 0 : i32
          %dma_start3A_24 = tpu.memref_slice %arg4[%mul3A_16, %dma_start3A_23] : memref<10000x128xf32, #tpu.memory_space<hbm>> -> memref<40x128xf32, #tpu.memory_space<hbm>>
          tpu.enqueue_dma source(%arg6 : memref<40x128xf32, #tpu.memory_space<vmem>>) target(%dma_start3A_24 : memref<40x128xf32, #tpu.memory_space<hbm>>) target_semaphore(%run_scoped3A : memref<!tpu.dma_semaphore, #tpu.memory_space<semaphore_mem>>)
          %dma_wait3A_25 = arith.constant 0 : i32
          %dma_wait3A_26 = tpu.memref_slice %arg4[%mul3A_16, %dma_wait3A_25] : memref<10000x128xf32, #tpu.memory_space<hbm>> -> memref<40x128xf32, #tpu.memory_space<hbm>>
          %dma_wait3A_27 = arith.constant 0 : i32
          %dma_wait3A_28 = tpu.memref_slice %arg4[%mul3A_16, %dma_wait3A_27] : memref<10000x128xf32, #tpu.memory_space<hbm>> -> memref<40x128xf32, #tpu.memory_space<hbm>>
          tpu.wait_dma2 semaphore(%run_scoped3A : memref<!tpu.dma_semaphore, #tpu.memory_space<semaphore_mem>>) src(%arg6 : memref<40x128xf32, #tpu.memory_space<vmem>>) dst(%dma_wait3A_28 : memref<40x128xf32, #tpu.memory_space<hbm>>)
          tpu.yield
        }) : () -> ()
      } else {
      }
    }
    %scan3A_4 = arith.constant 8 : i32
    return
  }
}

#map = affine_map<(d0, d1) -> (0, 0)>
#map1 = affine_map<(d0, d1) -> (0, 0, 0, 0)>
#map2 = affine_map<(d0, d1) -> (0, 0, 0)>
module attributes {stable_mosaic.version = 14 : i64} {
  func.func @k(%arg0: i32, %arg1: i32, %arg2: memref<10000x128xf32, #tpu.memory_space<hbm>>, %arg3: memref<512x256xf32, #tpu.memory_space<hbm>>, %arg4: memref<32x250x2x40xi32, #tpu.memory_space<hbm>>, %arg5: memref<32x250x40xi32, #tpu.memory_space<hbm>>, %arg6: memref<2x10000x128xf32, #tpu.memory_space<hbm>>, %arg7: memref<10000x128xf32, #tpu.memory_space<vmem_shared>>, %arg8: memref<40xi32, #tpu.memory_space<vmem>>, %arg9: memref<40xi32, #tpu.memory_space<vmem>>, %arg10: memref<2x40xi32, #tpu.memory_space<vmem>>, %arg11: memref<2x40xi32, #tpu.memory_space<vmem>>, %arg12: memref<40x128xf32, #tpu.memory_space<vmem>>, %arg13: memref<40x128xf32, #tpu.memory_space<vmem>>, %arg14: memref<40x256xf32, #tpu.memory_space<vmem>>, %arg15: memref<40x256xf32, #tpu.memory_space<vmem>>, %arg16: memref<40x128xf32, #tpu.memory_space<vmem>>, %arg17: memref<40x128xf32, #tpu.memory_space<vmem>>, %arg18: memref<!tpu.dma_semaphore, #tpu.memory_space<semaphore_mem>>, %arg19: memref<!tpu.dma_semaphore, #tpu.memory_space<semaphore_mem>>, %arg20: memref<!tpu.dma_semaphore, #tpu.memory_space<semaphore_mem>>, %arg21: memref<!tpu.dma_semaphore, #tpu.memory_space<semaphore_mem>>, %arg22: memref<!tpu.dma_semaphore, #tpu.memory_space<semaphore_mem>>, %arg23: memref<!tpu.dma_semaphore, #tpu.memory_space<semaphore_mem>>, %arg24: memref<!tpu.dma_semaphore, #tpu.memory_space<semaphore_mem>>, %arg25: memref<!tpu.dma_semaphore, #tpu.memory_space<semaphore_mem>>, %arg26: memref<!tpu.dma_semaphore, #tpu.memory_space<semaphore_mem>>, %arg27: memref<!tpu.dma_semaphore, #tpu.memory_space<semaphore_mem>>) attributes {dimension_semantics = [#tpu.dimension_semantics<core_parallel>, #tpu.dimension_semantics<subcore_parallel>], iteration_bounds = array<i64: 2, 16>, scalar_prefetch = 0 : i64, scratch_operands = 21 : i64, tpu.core_type = #tpu.core_type<sc_vector_subcore>, window_params = [{transform_indices = #map}, {transform_indices = #map}, {transform_indices = #map1}, {transform_indices = #map2}, {transform_indices = #map2}]} {
    %mul3A = arith.constant 16 : i32
    %mul3A_0 = arith.muli %arg0, %mul3A : i32
    %add3A = arith.addi %mul3A_0, %arg1 : i32
    %scan3A = arith.constant 0 : i32
    %scan3A_1 = arith.constant 40 : i32
    %scan3A_2 = arith.addi %scan3A, %scan3A_1 : i32
    %scan3A_3 = arith.constant 1 : i32
    scf.for %scan3A_159 = %scan3A to %scan3A_2 step %scan3A_3  : i32 {
      %mul3A_160 = arith.constant 1 : i32
      %mul3A_161 = arith.muli %scan3A_159, %mul3A_160 : i32
      %add3A_162 = arith.constant 0 : i32
      %add3A_163 = arith.addi %add3A_162, %mul3A_161 : i32
      %broadcast_in_dim3A = arith.constant 0.000000e+00 : f32
      %broadcast_in_dim3A_164 = vector.broadcast %broadcast_in_dim3A : f32 to vector<16xf32>
      %swap3A = arith.index_cast %add3A_163 : i32 to index
      %swap3A_165 = arith.constant 0 : index
      %swap3A_166 = tpu.vector_load %arg12[%swap3A, %swap3A_165] {strides = array<i32>} : memref<40x128xf32, #tpu.memory_space<vmem>>, vector<16xf32>,
      tpu.vector_store %arg12[%swap3A, %swap3A_165], %broadcast_in_dim3A_164 {strides = array<i32>} : memref<40x128xf32, #tpu.memory_space<vmem>>, vector<16xf32>,
      %broadcast_in_dim3A_167 = arith.constant 0.000000e+00 : f32
      %broadcast_in_dim3A_168 = vector.broadcast %broadcast_in_dim3A_167 : f32 to vector<16xf32>
      %swap3A_169 = arith.index_cast %add3A_163 : i32 to index
      %swap3A_170 = arith.constant 16 : index
      %swap3A_171 = tpu.vector_load %arg12[%swap3A_169, %swap3A_170] {strides = array<i32>} : memref<40x128xf32, #tpu.memory_space<vmem>>, vector<16xf32>,
      tpu.vector_store %arg12[%swap3A_169, %swap3A_170], %broadcast_in_dim3A_168 {strides = array<i32>} : memref<40x128xf32, #tpu.memory_space<vmem>>, vector<16xf32>,
      %broadcast_in_dim3A_172 = arith.constant 0.000000e+00 : f32
      %broadcast_in_dim3A_173 = vector.broadcast %broadcast_in_dim3A_172 : f32 to vector<16xf32>
      %swap3A_174 = arith.index_cast %add3A_163 : i32 to index
      %swap3A_175 = arith.constant 32 : index
      %swap3A_176 = tpu.vector_load %arg12[%swap3A_174, %swap3A_175] {strides = array<i32>} : memref<40x128xf32, #tpu.memory_space<vmem>>, vector<16xf32>,
      tpu.vector_store %arg12[%swap3A_174, %swap3A_175], %broadcast_in_dim3A_173 {strides = array<i32>} : memref<40x128xf32, #tpu.memory_space<vmem>>, vector<16xf32>,
      %broadcast_in_dim3A_177 = arith.constant 0.000000e+00 : f32
      %broadcast_in_dim3A_178 = vector.broadcast %broadcast_in_dim3A_177 : f32 to vector<16xf32>
      %swap3A_179 = arith.index_cast %add3A_163 : i32 to index
      %swap3A_180 = arith.constant 48 : index
      %swap3A_181 = tpu.vector_load %arg12[%swap3A_179, %swap3A_180] {strides = array<i32>} : memref<40x128xf32, #tpu.memory_space<vmem>>, vector<16xf32>,
      tpu.vector_store %arg12[%swap3A_179, %swap3A_180], %broadcast_in_dim3A_178 {strides = array<i32>} : memref<40x128xf32, #tpu.memory_space<vmem>>, vector<16xf32>,
      %broadcast_in_dim3A_182 = arith.constant 0.000000e+00 : f32
      %broadcast_in_dim3A_183 = vector.broadcast %broadcast_in_dim3A_182 : f32 to vector<16xf32>
      %swap3A_184 = arith.index_cast %add3A_163 : i32 to index
      %swap3A_185 = arith.constant 64 : index
      %swap3A_186 = tpu.vector_load %arg12[%swap3A_184, %swap3A_185] {strides = array<i32>} : memref<40x128xf32, #tpu.memory_space<vmem>>, vector<16xf32>,
      tpu.vector_store %arg12[%swap3A_184, %swap3A_185], %broadcast_in_dim3A_183 {strides = array<i32>} : memref<40x128xf32, #tpu.memory_space<vmem>>, vector<16xf32>,
      %broadcast_in_dim3A_187 = arith.constant 0.000000e+00 : f32
      %broadcast_in_dim3A_188 = vector.broadcast %broadcast_in_dim3A_187 : f32 to vector<16xf32>
      %swap3A_189 = arith.index_cast %add3A_163 : i32 to index
      %swap3A_190 = arith.constant 80 : index
      %swap3A_191 = tpu.vector_load %arg12[%swap3A_189, %swap3A_190] {strides = array<i32>} : memref<40x128xf32, #tpu.memory_space<vmem>>, vector<16xf32>,
      tpu.vector_store %arg12[%swap3A_189, %swap3A_190], %broadcast_in_dim3A_188 {strides = array<i32>} : memref<40x128xf32, #tpu.memory_space<vmem>>, vector<16xf32>,
      %broadcast_in_dim3A_192 = arith.constant 0.000000e+00 : f32
      %broadcast_in_dim3A_193 = vector.broadcast %broadcast_in_dim3A_192 : f32 to vector<16xf32>
      %swap3A_194 = arith.index_cast %add3A_163 : i32 to index
      %swap3A_195 = arith.constant 96 : index
      %swap3A_196 = tpu.vector_load %arg12[%swap3A_194, %swap3A_195] {strides = array<i32>} : memref<40x128xf32, #tpu.memory_space<vmem>>, vector<16xf32>,
      tpu.vector_store %arg12[%swap3A_194, %swap3A_195], %broadcast_in_dim3A_193 {strides = array<i32>} : memref<40x128xf32, #tpu.memory_space<vmem>>, vector<16xf32>,
      %broadcast_in_dim3A_197 = arith.constant 0.000000e+00 : f32
      %broadcast_in_dim3A_198 = vector.broadcast %broadcast_in_dim3A_197 : f32 to vector<16xf32>
      %swap3A_199 = arith.index_cast %add3A_163 : i32 to index
      %swap3A_200 = arith.constant 112 : index
      %swap3A_201 = tpu.vector_load %arg12[%swap3A_199, %swap3A_200] {strides = array<i32>} : memref<40x128xf32, #tpu.memory_space<vmem>>, vector<16xf32>,
      tpu.vector_store %arg12[%swap3A_199, %swap3A_200], %broadcast_in_dim3A_198 {strides = array<i32>} : memref<40x128xf32, #tpu.memory_space<vmem>>, vector<16xf32>,
    }
    %scan3A_4 = arith.constant 40 : i32
    %scan3A_5 = arith.constant 0 : i32
    %scan3A_6 = arith.constant 16 : i32
    %scan3A_7 = arith.addi %scan3A_5, %scan3A_6 : i32
    %scan3A_8 = arith.constant 1 : i32
    scf.for %scan3A_159 = %scan3A_5 to %scan3A_7 step %scan3A_8  : i32 {
      %mul3A_160 = arith.constant 1 : i32
      %mul3A_161 = arith.muli %scan3A_159, %mul3A_160 : i32
      %add3A_162 = arith.constant 0 : i32
      %add3A_163 = arith.addi %add3A_162, %mul3A_161 : i32
      %mul3A_164 = arith.constant 16 : i32
      %mul3A_165 = arith.muli %add3A_163, %mul3A_164 : i32
      %add3A_166 = arith.addi %mul3A_165, %arg1 : i32
      %lt3A = arith.constant 250 : i32
      %lt3A_167 = arith.cmpi slt, %add3A_166, %lt3A : i32
      %convert_element_type3A = arith.extui %lt3A_167 : i1 to i32
      %cond3A = arith.constant 0 : i32
      %cond3A_168 = arith.cmpi ne, %convert_element_type3A, %cond3A : i32
      scf.if %cond3A_168 {
        %mul3A_169 = arith.constant 40 : i32
        %mul3A_170 = arith.muli %add3A_166, %mul3A_169 : i32
        "tpu.region"() ({
          %run_scoped3A = tpu.sem_alloc : memref<!tpu.dma_semaphore, #tpu.memory_space<semaphore_mem>>
          %dma_start3A_171 = arith.constant 0 : i32
          %dma_start3A_172 = arith.constant 0 : i32
          %dma_start3A_173 = tpu.memref_slice %arg12[%dma_start3A_171, %dma_start3A_172] : memref<40x128xf32, #tpu.memory_space<vmem>> -> memref<40x128xf32, #tpu.memory_space<vmem>>
          %dma_start3A_174 = arith.constant 0 : i32
          %dma_start3A_175 = tpu.memref_slice %arg7[%mul3A_170, %dma_start3A_174] : memref<10000x128xf32, #tpu.memory_space<vmem_shared>> -> memref<40x128xf32, #tpu.memory_space<vmem_shared>>
          %dma_start3A_176 = arith.constant 0 : i32
          %dma_start3A_177 = tpu.memref_slice %arg7[%mul3A_170, %dma_start3A_176] : memref<10000x128xf32, #tpu.memory_space<vmem_shared>> -> memref<40x128xf32, #tpu.memory_space<vmem_shared>>
          %dma_start3A_178 = arith.constant 0 : i32
          %dma_start3A_179 = arith.constant 0 : i32
          %dma_start3A_180 = tpu.memref_slice %arg12[%dma_start3A_178, %dma_start3A_179] : memref<40x128xf32, #tpu.memory_space<vmem>> -> memref<40x128xf32, #tpu.memory_space<vmem>>
          tpu.enqueue_dma source(%dma_start3A_180 : memref<40x128xf32, #tpu.memory_space<vmem>>) target(%dma_start3A_177 : memref<40x128xf32, #tpu.memory_space<vmem_shared>>) target_semaphore(%run_scoped3A : memref<!tpu.dma_semaphore, #tpu.memory_space<semaphore_mem>>)
          %dma_wait3A_181 = arith.constant 0 : i32
          %dma_wait3A_182 = arith.constant 0 : i32
          %dma_wait3A_183 = tpu.memref_slice %arg12[%dma_wait3A_181, %dma_wait3A_182] : memref<40x128xf32, #tpu.memory_space<vmem>> -> memref<40x128xf32, #tpu.memory_space<vmem>>
          %dma_wait3A_184 = arith.constant 0 : i32
          %dma_wait3A_185 = tpu.memref_slice %arg7[%mul3A_170, %dma_wait3A_184] : memref<10000x128xf32, #tpu.memory_space<vmem_shared>> -> memref<40x128xf32, #tpu.memory_space<vmem_shared>>
          %dma_wait3A_186 = arith.constant 0 : i32
          %dma_wait3A_187 = tpu.memref_slice %arg7[%mul3A_170, %dma_wait3A_186] : memref<10000x128xf32, #tpu.memory_space<vmem_shared>> -> memref<40x128xf32, #tpu.memory_space<vmem_shared>>
          %dma_wait3A_188 = arith.constant 0 : i32
          %dma_wait3A_189 = arith.constant 0 : i32
          %dma_wait3A_190 = tpu.memref_slice %arg12[%dma_wait3A_188, %dma_wait3A_189] : memref<40x128xf32, #tpu.memory_space<vmem>> -> memref<40x128xf32, #tpu.memory_space<vmem>>
          tpu.wait_dma2 semaphore(%run_scoped3A : memref<!tpu.dma_semaphore, #tpu.memory_space<semaphore_mem>>) src(%dma_wait3A_190 : memref<40x128xf32, #tpu.memory_space<vmem>>) dst(%dma_wait3A_187 : memref<40x128xf32, #tpu.memory_space<vmem_shared>>)
          tpu.yield
        }) : () -> ()
      } else {
      }
    }
    %scan3A_9 = arith.constant 16 : i32
    %barrier3A = arith.constant 0 : index
    tpu.barrier barrier_id(%barrier3A)
    %dma_start3A = arith.constant 0 : i32
    %dma_start3A_10 = arith.constant 0 : i32
    %dma_start3A_11 = arith.constant 0 : i32
    %dma_start3A_12 = arith.constant 0 : i32
    %dma_start3A_13 = tpu.memref_slice %arg4[%add3A, %dma_start3A_10, %dma_start3A_11, %dma_start3A_12] : memref<32x250x2x40xi32, #tpu.memory_space<hbm>> -> memref<1x250x2x40xi32, #tpu.memory_space<hbm>>
    %dma_start3A_14 = tpu.memref_squeeze %dma_start3A_13 : memref<1x250x2x40xi32, #tpu.memory_space<hbm>> -> memref<250x2x40xi32, #tpu.memory_space<hbm>>
    %dma_start3A_15 = arith.constant 0 : i32
    %dma_start3A_16 = arith.constant 0 : i32
    %dma_start3A_17 = tpu.memref_slice %dma_start3A_14[%dma_start3A, %dma_start3A_15, %dma_start3A_16] : memref<250x2x40xi32, #tpu.memory_space<hbm>> -> memref<1x2x40xi32, #tpu.memory_space<hbm>>
    %dma_start3A_18 = tpu.memref_squeeze %dma_start3A_17 : memref<1x2x40xi32, #tpu.memory_space<hbm>> -> memref<2x40xi32, #tpu.memory_space<hbm>>
    %dma_start3A_19 = arith.constant 0 : i32
    %dma_start3A_20 = arith.constant 0 : i32
    %dma_start3A_21 = arith.constant 0 : i32
    %dma_start3A_22 = tpu.memref_slice %arg4[%add3A, %dma_start3A_19, %dma_start3A_20, %dma_start3A_21] : memref<32x250x2x40xi32, #tpu.memory_space<hbm>> -> memref<1x250x2x40xi32, #tpu.memory_space<hbm>>
    %dma_start3A_23 = tpu.memref_squeeze %dma_start3A_22 : memref<1x250x2x40xi32, #tpu.memory_space<hbm>> -> memref<250x2x40xi32, #tpu.memory_space<hbm>>
    %dma_start3A_24 = arith.constant 0 : i32
    %dma_start3A_25 = arith.constant 0 : i32
    %dma_start3A_26 = tpu.memref_slice %dma_start3A_23[%dma_start3A, %dma_start3A_24, %dma_start3A_25] : memref<250x2x40xi32, #tpu.memory_space<hbm>> -> memref<1x2x40xi32, #tpu.memory_space<hbm>>
    %dma_start3A_27 = tpu.memref_squeeze %dma_start3A_26 : memref<1x2x40xi32, #tpu.memory_space<hbm>> -> memref<2x40xi32, #tpu.memory_space<hbm>>
    tpu.enqueue_dma source(%dma_start3A_27 : memref<2x40xi32, #tpu.memory_space<hbm>>) target(%arg10 : memref<2x40xi32, #tpu.memory_space<vmem>>) target_semaphore(%arg20 : memref<!tpu.dma_semaphore, #tpu.memory_space<semaphore_mem>>)
    %dma_start3A_28 = arith.constant 1 : i32
    %dma_start3A_29 = arith.constant 0 : i32
    %dma_start3A_30 = arith.constant 0 : i32
    %dma_start3A_31 = arith.constant 0 : i32
    %dma_start3A_32 = tpu.memref_slice %arg4[%add3A, %dma_start3A_29, %dma_start3A_30, %dma_start3A_31] : memref<32x250x2x40xi32, #tpu.memory_space<hbm>> -> memref<1x250x2x40xi32, #tpu.memory_space<hbm>>
    %dma_start3A_33 = tpu.memref_squeeze %dma_start3A_32 : memref<1x250x2x40xi32, #tpu.memory_space<hbm>> -> memref<250x2x40xi32, #tpu.memory_space<hbm>>
    %dma_start3A_34 = arith.constant 0 : i32
    %dma_start3A_35 = arith.constant 0 : i32
    %dma_start3A_36 = tpu.memref_slice %dma_start3A_33[%dma_start3A_28, %dma_start3A_34, %dma_start3A_35] : memref<250x2x40xi32, #tpu.memory_space<hbm>> -> memref<1x2x40xi32, #tpu.memory_space<hbm>>
    %dma_start3A_37 = tpu.memref_squeeze %dma_start3A_36 : memref<1x2x40xi32, #tpu.memory_space<hbm>> -> memref<2x40xi32, #tpu.memory_space<hbm>>
    %dma_start3A_38 = arith.constant 0 : i32
    %dma_start3A_39 = arith.constant 0 : i32
    %dma_start3A_40 = arith.constant 0 : i32
    %dma_start3A_41 = tpu.memref_slice %arg4[%add3A, %dma_start3A_38, %dma_start3A_39, %dma_start3A_40] : memref<32x250x2x40xi32, #tpu.memory_space<hbm>> -> memref<1x250x2x40xi32, #tpu.memory_space<hbm>>
    %dma_start3A_42 = tpu.memref_squeeze %dma_start3A_41 : memref<1x250x2x40xi32, #tpu.memory_space<hbm>> -> memref<250x2x40xi32, #tpu.memory_space<hbm>>
    %dma_start3A_43 = arith.constant 0 : i32
    %dma_start3A_44 = arith.constant 0 : i32
    %dma_start3A_45 = tpu.memref_slice %dma_start3A_42[%dma_start3A_28, %dma_start3A_43, %dma_start3A_44] : memref<250x2x40xi32, #tpu.memory_space<hbm>> -> memref<1x2x40xi32, #tpu.memory_space<hbm>>
    %dma_start3A_46 = tpu.memref_squeeze %dma_start3A_45 : memref<1x2x40xi32, #tpu.memory_space<hbm>> -> memref<2x40xi32, #tpu.memory_space<hbm>>
    tpu.enqueue_dma source(%dma_start3A_46 : memref<2x40xi32, #tpu.memory_space<hbm>>) target(%arg11 : memref<2x40xi32, #tpu.memory_space<vmem>>) target_semaphore(%arg21 : memref<!tpu.dma_semaphore, #tpu.memory_space<semaphore_mem>>)
    %dma_start3A_47 = arith.constant 0 : i32
    %dma_start3A_48 = arith.constant 0 : i32
    %dma_start3A_49 = arith.constant 0 : i32
    %dma_start3A_50 = tpu.memref_slice %arg5[%add3A, %dma_start3A_48, %dma_start3A_49] : memref<32x250x40xi32, #tpu.memory_space<hbm>> -> memref<1x250x40xi32, #tpu.memory_space<hbm>>
    %dma_start3A_51 = tpu.memref_squeeze %dma_start3A_50 : memref<1x250x40xi32, #tpu.memory_space<hbm>> -> memref<250x40xi32, #tpu.memory_space<hbm>>
    %dma_start3A_52 = arith.constant 0 : i32
    %dma_start3A_53 = tpu.memref_slice %dma_start3A_51[%dma_start3A_47, %dma_start3A_52] : memref<250x40xi32, #tpu.memory_space<hbm>> -> memref<1x40xi32, #tpu.memory_space<hbm>>
    %dma_start3A_54 = tpu.memref_squeeze %dma_start3A_53 : memref<1x40xi32, #tpu.memory_space<hbm>> -> memref<40xi32, #tpu.memory_space<hbm>>
    %dma_start3A_55 = arith.constant 0 : i32
    %dma_start3A_56 = arith.constant 0 : i32
    %dma_start3A_57 = tpu.memref_slice %arg5[%add3A, %dma_start3A_55, %dma_start3A_56] : memref<32x250x40xi32, #tpu.memory_space<hbm>> -> memref<1x250x40xi32, #tpu.memory_space<hbm>>
    %dma_start3A_58 = tpu.memref_squeeze %dma_start3A_57 : memref<1x250x40xi32, #tpu.memory_space<hbm>> -> memref<250x40xi32, #tpu.memory_space<hbm>>
    %dma_start3A_59 = arith.constant 0 : i32
    %dma_start3A_60 = tpu.memref_slice %dma_start3A_58[%dma_start3A_47, %dma_start3A_59] : memref<250x40xi32, #tpu.memory_space<hbm>> -> memref<1x40xi32, #tpu.memory_space<hbm>>
    %dma_start3A_61 = tpu.memref_squeeze %dma_start3A_60 : memref<1x40xi32, #tpu.memory_space<hbm>> -> memref<40xi32, #tpu.memory_space<hbm>>
    tpu.enqueue_dma source(%dma_start3A_61 : memref<40xi32, #tpu.memory_space<hbm>>) target(%arg8 : memref<40xi32, #tpu.memory_space<vmem>>) target_semaphore(%arg18 : memref<!tpu.dma_semaphore, #tpu.memory_space<semaphore_mem>>)
    %dma_start3A_62 = arith.constant 1 : i32
    %dma_start3A_63 = arith.constant 0 : i32
    %dma_start3A_64 = arith.constant 0 : i32
    %dma_start3A_65 = tpu.memref_slice %arg5[%add3A, %dma_start3A_63, %dma_start3A_64] : memref<32x250x40xi32, #tpu.memory_space<hbm>> -> memref<1x250x40xi32, #tpu.memory_space<hbm>>
    %dma_start3A_66 = tpu.memref_squeeze %dma_start3A_65 : memref<1x250x40xi32, #tpu.memory_space<hbm>> -> memref<250x40xi32, #tpu.memory_space<hbm>>
    %dma_start3A_67 = arith.constant 0 : i32
    %dma_start3A_68 = tpu.memref_slice %dma_start3A_66[%dma_start3A_62, %dma_start3A_67] : memref<250x40xi32, #tpu.memory_space<hbm>> -> memref<1x40xi32, #tpu.memory_space<hbm>>
    %dma_start3A_69 = tpu.memref_squeeze %dma_start3A_68 : memref<1x40xi32, #tpu.memory_space<hbm>> -> memref<40xi32, #tpu.memory_space<hbm>>
    %dma_start3A_70 = arith.constant 0 : i32
    %dma_start3A_71 = arith.constant 0 : i32
    %dma_start3A_72 = tpu.memref_slice %arg5[%add3A, %dma_start3A_70, %dma_start3A_71] : memref<32x250x40xi32, #tpu.memory_space<hbm>> -> memref<1x250x40xi32, #tpu.memory_space<hbm>>
    %dma_start3A_73 = tpu.memref_squeeze %dma_start3A_72 : memref<1x250x40xi32, #tpu.memory_space<hbm>> -> memref<250x40xi32, #tpu.memory_space<hbm>>
    %dma_start3A_74 = arith.constant 0 : i32
    %dma_start3A_75 = tpu.memref_slice %dma_start3A_73[%dma_start3A_62, %dma_start3A_74] : memref<250x40xi32, #tpu.memory_space<hbm>> -> memref<1x40xi32, #tpu.memory_space<hbm>>
    %dma_start3A_76 = tpu.memref_squeeze %dma_start3A_75 : memref<1x40xi32, #tpu.memory_space<hbm>> -> memref<40xi32, #tpu.memory_space<hbm>>
    tpu.enqueue_dma source(%dma_start3A_76 : memref<40xi32, #tpu.memory_space<hbm>>) target(%arg9 : memref<40xi32, #tpu.memory_space<vmem>>) target_semaphore(%arg19 : memref<!tpu.dma_semaphore, #tpu.memory_space<semaphore_mem>>)
    %dma_wait3A = arith.constant 0 : i32
    %dma_wait3A_77 = arith.constant 0 : i32
    %dma_wait3A_78 = arith.constant 0 : i32
    %dma_wait3A_79 = arith.constant 0 : i32
    %dma_wait3A_80 = tpu.memref_slice %arg4[%add3A, %dma_wait3A_77, %dma_wait3A_78, %dma_wait3A_79] : memref<32x250x2x40xi32, #tpu.memory_space<hbm>> -> memref<1x250x2x40xi32, #tpu.memory_space<hbm>>
    %dma_wait3A_81 = tpu.memref_squeeze %dma_wait3A_80 : memref<1x250x2x40xi32, #tpu.memory_space<hbm>> -> memref<250x2x40xi32, #tpu.memory_space<hbm>>
    %dma_wait3A_82 = arith.constant 0 : i32
    %dma_wait3A_83 = arith.constant 0 : i32
    %dma_wait3A_84 = tpu.memref_slice %dma_wait3A_81[%dma_wait3A, %dma_wait3A_82, %dma_wait3A_83] : memref<250x2x40xi32, #tpu.memory_space<hbm>> -> memref<1x2x40xi32, #tpu.memory_space<hbm>>
    %dma_wait3A_85 = tpu.memref_squeeze %dma_wait3A_84 : memref<1x2x40xi32, #tpu.memory_space<hbm>> -> memref<2x40xi32, #tpu.memory_space<hbm>>
    %dma_wait3A_86 = arith.constant 0 : i32
    %dma_wait3A_87 = arith.constant 0 : i32
    %dma_wait3A_88 = arith.constant 0 : i32
    %dma_wait3A_89 = tpu.memref_slice %arg4[%add3A, %dma_wait3A_86, %dma_wait3A_87, %dma_wait3A_88] : memref<32x250x2x40xi32, #tpu.memory_space<hbm>> -> memref<1x250x2x40xi32, #tpu.memory_space<hbm>>
    %dma_wait3A_90 = tpu.memref_squeeze %dma_wait3A_89 : memref<1x250x2x40xi32, #tpu.memory_space<hbm>> -> memref<250x2x40xi32, #tpu.memory_space<hbm>>
    %dma_wait3A_91 = arith.constant 0 : i32
    %dma_wait3A_92 = arith.constant 0 : i32
    %dma_wait3A_93 = tpu.memref_slice %dma_wait3A_90[%dma_wait3A, %dma_wait3A_91, %dma_wait3A_92] : memref<250x2x40xi32, #tpu.memory_space<hbm>> -> memref<1x2x40xi32, #tpu.memory_space<hbm>>
    %dma_wait3A_94 = tpu.memref_squeeze %dma_wait3A_93 : memref<1x2x40xi32, #tpu.memory_space<hbm>> -> memref<2x40xi32, #tpu.memory_space<hbm>>
    tpu.wait_dma2 semaphore(%arg20 : memref<!tpu.dma_semaphore, #tpu.memory_space<semaphore_mem>>) src(%dma_wait3A_94 : memref<2x40xi32, #tpu.memory_space<hbm>>) dst(%arg10 : memref<2x40xi32, #tpu.memory_space<vmem>>)
    %dma_start3A_95 = arith.constant 0 : i32
    %dma_start3A_96 = arith.constant 0 : i32
    %dma_start3A_97 = tpu.memref_slice %arg10[%dma_start3A_95, %dma_start3A_96] : memref<2x40xi32, #tpu.memory_space<vmem>> -> memref<1x40xi32, #tpu.memory_space<vmem>>
    %dma_start3A_98 = tpu.memref_squeeze %dma_start3A_97 : memref<1x40xi32, #tpu.memory_space<vmem>> -> memref<40xi32, #tpu.memory_space<vmem>>
    %dma_start3A_99 = arith.constant 0 : i32
    %dma_start3A_100 = arith.constant 0 : i32
    %dma_start3A_101 = tpu.memref_slice %arg2[%dma_start3A_99, %dma_start3A_100] : memref<10000x128xf32, #tpu.memory_space<hbm>> -> memref<10000x128xf32, #tpu.memory_space<hbm>>
    tpu.enqueue_indirect_dma source(%dma_start3A_101 : memref<10000x128xf32, #tpu.memory_space<hbm>>) target(%arg12 : memref<40x128xf32, #tpu.memory_space<vmem>>) offsets(%dma_start3A_98 : memref<40xi32, #tpu.memory_space<vmem>>) semaphore(%arg22 : memref<!tpu.dma_semaphore, #tpu.memory_space<semaphore_mem>>)
    %dma_start3A_102 = arith.constant 1 : i32
    %dma_start3A_103 = arith.constant 0 : i32
    %dma_start3A_104 = tpu.memref_slice %arg10[%dma_start3A_102, %dma_start3A_103] : memref<2x40xi32, #tpu.memory_space<vmem>> -> memref<1x40xi32, #tpu.memory_space<vmem>>
    %dma_start3A_105 = tpu.memref_squeeze %dma_start3A_104 : memref<1x40xi32, #tpu.memory_space<vmem>> -> memref<40xi32, #tpu.memory_space<vmem>>
    %dma_start3A_106 = arith.constant 0 : i32
    %dma_start3A_107 = arith.constant 0 : i32
    %dma_start3A_108 = tpu.memref_slice %arg3[%dma_start3A_106, %dma_start3A_107] : memref<512x256xf32, #tpu.memory_space<hbm>> -> memref<512x256xf32, #tpu.memory_space<hbm>>
    tpu.enqueue_indirect_dma source(%dma_start3A_108 : memref<512x256xf32, #tpu.memory_space<hbm>>) target(%arg14 : memref<40x256xf32, #tpu.memory_space<vmem>>) offsets(%dma_start3A_105 : memref<40xi32, #tpu.memory_space<vmem>>) semaphore(%arg24 : memref<!tpu.dma_semaphore, #tpu.memory_space<semaphore_mem>>)
    %dma_wait3A_109 = arith.constant 0 : i32
    %dma_wait3A_110 = arith.constant 0 : i32
    %dma_wait3A_111 = arith.constant 0 : i32
    %dma_wait3A_112 = arith.constant 0 : i32
    %dma_wait3A_113 = tpu.memref_slice %arg4[%add3A, %dma_wait3A_110, %dma_wait3A_111, %dma_wait3A_112] : memref<32x250x2x40xi32, #tpu.memory_space<hbm>> -> memref<1x250x2x40xi32, #tpu.memory_space<hbm>>
    %dma_wait3A_114 = tpu.memref_squeeze %dma_wait3A_113 : memref<1x250x2x40xi32, #tpu.memory_space<hbm>> -> memref<250x2x40xi32, #tpu.memory_space<hbm>>
    %dma_wait3A_115 = arith.constant 0 : i32
    %dma_wait3A_116 = arith.constant 0 : i32
    %dma_wait3A_117 = tpu.memref_slice %dma_wait3A_114[%dma_wait3A_109, %dma_wait3A_115, %dma_wait3A_116] : memref<250x2x40xi32, #tpu.memory_space<hbm>> -> memref<1x2x40xi32, #tpu.memory_space<hbm>>
    %dma_wait3A_118 = tpu.memref_squeeze %dma_wait3A_117 : memref<1x2x40xi32, #tpu.memory_space<hbm>> -> memref<2x40xi32, #tpu.memory_space<hbm>>
    %dma_wait3A_119 = arith.constant 0 : i32
    %dma_wait3A_120 = arith.constant 0 : i32
    %dma_wait3A_121 = arith.constant 0 : i32
    %dma_wait3A_122 = tpu.memref_slice %arg4[%add3A, %dma_wait3A_119, %dma_wait3A_120, %dma_wait3A_121] : memref<32x250x2x40xi32, #tpu.memory_space<hbm>> -> memref<1x250x2x40xi32, #tpu.memory_space<hbm>>
    %dma_wait3A_123 = tpu.memref_squeeze %dma_wait3A_122 : memref<1x250x2x40xi32, #tpu.memory_space<hbm>> -> memref<250x2x40xi32, #tpu.memory_space<hbm>>
    %dma_wait3A_124 = arith.constant 0 : i32
    %dma_wait3A_125 = arith.constant 0 : i32
    %dma_wait3A_126 = tpu.memref_slice %dma_wait3A_123[%dma_wait3A_109, %dma_wait3A_124, %dma_wait3A_125] : memref<250x2x40xi32, #tpu.memory_space<hbm>> -> memref<1x2x40xi32, #tpu.memory_space<hbm>>
    %dma_wait3A_127 = tpu.memref_squeeze %dma_wait3A_126 : memref<1x2x40xi32, #tpu.memory_space<hbm>> -> memref<2x40xi32, #tpu.memory_space<hbm>>
    tpu.wait_dma2 semaphore(%arg21 : memref<!tpu.dma_semaphore, #tpu.memory_space<semaphore_mem>>) src(%dma_wait3A_127 : memref<2x40xi32, #tpu.memory_space<hbm>>) dst(%arg11 : memref<2x40xi32, #tpu.memory_space<vmem>>)
    %dma_start3A_128 = arith.constant 0 : i32
    %dma_start3A_129 = arith.constant 0 : i32
    %dma_start3A_130 = tpu.memref_slice %arg11[%dma_start3A_128, %dma_start3A_129] : memref<2x40xi32, #tpu.memory_space<vmem>> -> memref<1x40xi32, #tpu.memory_space<vmem>>
    %dma_start3A_131 = tpu.memref_squeeze %dma_start3A_130 : memref<1x40xi32, #tpu.memory_space<vmem>> -> memref<40xi32, #tpu.memory_space<vmem>>
    %dma_start3A_132 = arith.constant 0 : i32
    %dma_start3A_133 = arith.constant 0 : i32
    %dma_start3A_134 = tpu.memref_slice %arg2[%dma_start3A_132, %dma_start3A_133] : memref<10000x128xf32, #tpu.memory_space<hbm>> -> memref<10000x128xf32, #tpu.memory_space<hbm>>
    tpu.enqueue_indirect_dma source(%dma_start3A_134 : memref<10000x128xf32, #tpu.memory_space<hbm>>) target(%arg13 : memref<40x128xf32, #tpu.memory_space<vmem>>) offsets(%dma_start3A_131 : memref<40xi32, #tpu.memory_space<vmem>>) semaphore(%arg23 : memref<!tpu.dma_semaphore, #tpu.memory_space<semaphore_mem>>)
    %dma_start3A_135 = arith.constant 1 : i32
    %dma_start3A_136 = arith.constant 0 : i32
    %dma_start3A_137 = tpu.memref_slice %arg11[%dma_start3A_135, %dma_start3A_136] : memref<2x40xi32, #tpu.memory_space<vmem>> -> memref<1x40xi32, #tpu.memory_space<vmem>>
    %dma_start3A_138 = tpu.memref_squeeze %dma_start3A_137 : memref<1x40xi32, #tpu.memory_space<vmem>> -> memref<40xi32, #tpu.memory_space<vmem>>
    %dma_start3A_139 = arith.constant 0 : i32
    %dma_start3A_140 = arith.constant 0 : i32
    %dma_start3A_141 = tpu.memref_slice %arg3[%dma_start3A_139, %dma_start3A_140] : memref<512x256xf32, #tpu.memory_space<hbm>> -> memref<512x256xf32, #tpu.memory_space<hbm>>
    tpu.enqueue_indirect_dma source(%dma_start3A_141 : memref<512x256xf32, #tpu.memory_space<hbm>>) target(%arg15 : memref<40x256xf32, #tpu.memory_space<vmem>>) offsets(%dma_start3A_138 : memref<40xi32, #tpu.memory_space<vmem>>) semaphore(%arg25 : memref<!tpu.dma_semaphore, #tpu.memory_space<semaphore_mem>>)
    %scan3A_142 = arith.constant 0 : i32
    %scan3A_143 = arith.constant 125 : i32
    %scan3A_144 = arith.addi %scan3A_142, %scan3A_143 : i32
    %scan3A_145 = arith.constant 1 : i32
    scf.for %scan3A_159 = %scan3A_142 to %scan3A_144 step %scan3A_145  : i32 {
      %mul3A_160 = arith.constant 1 : i32
      %mul3A_161 = arith.muli %scan3A_159, %mul3A_160 : i32
      %add3A_162 = arith.constant 0 : i32
      %add3A_163 = arith.addi %add3A_162, %mul3A_161 : i32
      %mul3A_164 = arith.constant 2 : i32
      %mul3A_165 = arith.muli %mul3A_164, %add3A_163 : i32
      %dma_wait3A_166 = arith.constant 0 : i32
      %dma_wait3A_167 = arith.constant 0 : i32
      %dma_wait3A_168 = tpu.memref_slice %arg10[%dma_wait3A_166, %dma_wait3A_167] : memref<2x40xi32, #tpu.memory_space<vmem>> -> memref<1x40xi32, #tpu.memory_space<vmem>>
      %dma_wait3A_169 = tpu.memref_squeeze %dma_wait3A_168 : memref<1x40xi32, #tpu.memory_space<vmem>> -> memref<40xi32, #tpu.memory_space<vmem>>
      %dma_wait3A_170 = arith.constant 0 : i32
      %dma_wait3A_171 = arith.constant 0 : i32
      %dma_wait3A_172 = tpu.memref_slice %arg2[%dma_wait3A_170, %dma_wait3A_171] : memref<10000x128xf32, #tpu.memory_space<hbm>> -> memref<10000x128xf32, #tpu.memory_space<hbm>>
      tpu.wait_indirect_dma semaphore(%arg22 : memref<!tpu.dma_semaphore, #tpu.memory_space<semaphore_mem>>) src(%dma_wait3A_172 : memref<10000x128xf32, #tpu.memory_space<hbm>>) dst(%arg12 : memref<40x128xf32, #tpu.memory_space<vmem>>)
      %dma_wait3A_173 = arith.constant 1 : i32
      %dma_wait3A_174 = arith.constant 0 : i32
      %dma_wait3A_175 = tpu.memref_slice %arg10[%dma_wait3A_173, %dma_wait3A_174] : memref<2x40xi32, #tpu.memory_space<vmem>> -> memref<1x40xi32, #tpu.memory_space<vmem>>
      %dma_wait3A_176 = tpu.memref_squeeze %dma_wait3A_175 : memref<1x40xi32, #tpu.memory_space<vmem>> -> memref<40xi32, #tpu.memory_space<vmem>>
      %dma_wait3A_177 = arith.constant 0 : i32
      %dma_wait3A_178 = arith.constant 0 : i32
      %dma_wait3A_179 = tpu.memref_slice %arg3[%dma_wait3A_177, %dma_wait3A_178] : memref<512x256xf32, #tpu.memory_space<hbm>> -> memref<512x256xf32, #tpu.memory_space<hbm>>
      tpu.wait_indirect_dma semaphore(%arg24 : memref<!tpu.dma_semaphore, #tpu.memory_space<semaphore_mem>>) src(%dma_wait3A_179 : memref<512x256xf32, #tpu.memory_space<hbm>>) dst(%arg14 : memref<40x256xf32, #tpu.memory_space<vmem>>)
      %add3A_180 = arith.constant 2 : i32
      %add3A_181 = arith.addi %mul3A_165, %add3A_180 : i32
      %lt3A = arith.constant 250 : i32
      %lt3A_182 = arith.cmpi slt, %add3A_181, %lt3A : i32
      %convert_element_type3A = arith.extui %lt3A_182 : i1 to i32
      %cond3A = arith.constant 0 : i32
      %cond3A_183 = arith.cmpi ne, %convert_element_type3A, %cond3A : i32
      scf.if %cond3A_183 {
        %add3A_274 = arith.constant 2 : i32
        %add3A_275 = arith.addi %mul3A_165, %add3A_274 : i32
        %dma_start3A_276 = arith.constant 0 : i32
        %dma_start3A_277 = arith.constant 0 : i32
        %dma_start3A_278 = arith.constant 0 : i32
        %dma_start3A_279 = tpu.memref_slice %arg4[%add3A, %dma_start3A_276, %dma_start3A_277, %dma_start3A_278] : memref<32x250x2x40xi32, #tpu.memory_space<hbm>> -> memref<1x250x2x40xi32, #tpu.memory_space<hbm>>
        %dma_start3A_280 = tpu.memref_squeeze %dma_start3A_279 : memref<1x250x2x40xi32, #tpu.memory_space<hbm>> -> memref<250x2x40xi32, #tpu.memory_space<hbm>>
        %dma_start3A_281 = arith.constant 0 : i32
        %dma_start3A_282 = arith.constant 0 : i32
        %dma_start3A_283 = tpu.memref_slice %dma_start3A_280[%add3A_275, %dma_start3A_281, %dma_start3A_282] : memref<250x2x40xi32, #tpu.memory_space<hbm>> -> memref<1x2x40xi32, #tpu.memory_space<hbm>>
        %dma_start3A_284 = tpu.memref_squeeze %dma_start3A_283 : memref<1x2x40xi32, #tpu.memory_space<hbm>> -> memref<2x40xi32, #tpu.memory_space<hbm>>
        %dma_start3A_285 = arith.constant 0 : i32
        %dma_start3A_286 = arith.constant 0 : i32
        %dma_start3A_287 = arith.constant 0 : i32
        %dma_start3A_288 = tpu.memref_slice %arg4[%add3A, %dma_start3A_285, %dma_start3A_286, %dma_start3A_287] : memref<32x250x2x40xi32, #tpu.memory_space<hbm>> -> memref<1x250x2x40xi32, #tpu.memory_space<hbm>>
        %dma_start3A_289 = tpu.memref_squeeze %dma_start3A_288 : memref<1x250x2x40xi32, #tpu.memory_space<hbm>> -> memref<250x2x40xi32, #tpu.memory_space<hbm>>
        %dma_start3A_290 = arith.constant 0 : i32
        %dma_start3A_291 = arith.constant 0 : i32
        %dma_start3A_292 = tpu.memref_slice %dma_start3A_289[%add3A_275, %dma_start3A_290, %dma_start3A_291] : memref<250x2x40xi32, #tpu.memory_space<hbm>> -> memref<1x2x40xi32, #tpu.memory_space<hbm>>
        %dma_start3A_293 = tpu.memref_squeeze %dma_start3A_292 : memref<1x2x40xi32, #tpu.memory_space<hbm>> -> memref<2x40xi32, #tpu.memory_space<hbm>>
        tpu.enqueue_dma source(%dma_start3A_293 : memref<2x40xi32, #tpu.memory_space<hbm>>) target(%arg10 : memref<2x40xi32, #tpu.memory_space<vmem>>) target_semaphore(%arg20 : memref<!tpu.dma_semaphore, #tpu.memory_space<semaphore_mem>>)
      } else {
      }
      %gt3A = arith.constant 0 : i32
      %gt3A_184 = arith.cmpi sgt, %add3A_163, %gt3A : i32
      %convert_element_type3A_185 = arith.extui %gt3A_184 : i1 to i32
      %cond3A_186 = arith.constant 0 : i32
      %cond3A_187 = arith.cmpi ne, %convert_element_type3A_185, %cond3A_186 : i32
      scf.if %cond3A_187 {
        %dma_wait3A_274 = arith.constant 0 : i32
        %dma_wait3A_275 = arith.constant 0 : i32
        %dma_wait3A_276 = tpu.memref_slice %arg7[%dma_wait3A_274, %dma_wait3A_275] : memref<10000x128xf32, #tpu.memory_space<vmem_shared>> -> memref<10000x128xf32, #tpu.memory_space<vmem_shared>>
        tpu.wait_indirect_dma semaphore(%arg26 : memref<!tpu.dma_semaphore, #tpu.memory_space<semaphore_mem>>) src(%arg16 : memref<40x128xf32, #tpu.memory_space<vmem>>) dst(%dma_wait3A_276 : memref<10000x128xf32, #tpu.memory_space<vmem_shared>>)
        %dma_start3A_277 = arith.constant 0 : i32
        %dma_start3A_278 = arith.constant 0 : i32
        %dma_start3A_279 = tpu.memref_slice %arg5[%add3A, %dma_start3A_277, %dma_start3A_278] : memref<32x250x40xi32, #tpu.memory_space<hbm>> -> memref<1x250x40xi32, #tpu.memory_space<hbm>>
        %dma_start3A_280 = tpu.memref_squeeze %dma_start3A_279 : memref<1x250x40xi32, #tpu.memory_space<hbm>> -> memref<250x40xi32, #tpu.memory_space<hbm>>
        %dma_start3A_281 = arith.constant 0 : i32
        %dma_start3A_282 = tpu.memref_slice %dma_start3A_280[%mul3A_165, %dma_start3A_281] : memref<250x40xi32, #tpu.memory_space<hbm>> -> memref<1x40xi32, #tpu.memory_space<hbm>>
        %dma_start3A_283 = tpu.memref_squeeze %dma_start3A_282 : memref<1x40xi32, #tpu.memory_space<hbm>> -> memref<40xi32, #tpu.memory_space<hbm>>
        %dma_start3A_284 = arith.constant 0 : i32
        %dma_start3A_285 = arith.constant 0 : i32
        %dma_start3A_286 = tpu.memref_slice %arg5[%add3A, %dma_start3A_284, %dma_start3A_285] : memref<32x250x40xi32, #tpu.memory_space<hbm>> -> memref<1x250x40xi32, #tpu.memory_space<hbm>>
        %dma_start3A_287 = tpu.memref_squeeze %dma_start3A_286 : memref<1x250x40xi32, #tpu.memory_space<hbm>> -> memref<250x40xi32, #tpu.memory_space<hbm>>
        %dma_start3A_288 = arith.constant 0 : i32
        %dma_start3A_289 = tpu.memref_slice %dma_start3A_287[%mul3A_165, %dma_start3A_288] : memref<250x40xi32, #tpu.memory_space<hbm>> -> memref<1x40xi32, #tpu.memory_space<hbm>>
        %dma_start3A_290 = tpu.memref_squeeze %dma_start3A_289 : memref<1x40xi32, #tpu.memory_space<hbm>> -> memref<40xi32, #tpu.memory_space<hbm>>
        tpu.enqueue_dma source(%dma_start3A_290 : memref<40xi32, #tpu.memory_space<hbm>>) target(%arg8 : memref<40xi32, #tpu.memory_space<vmem>>) target_semaphore(%arg18 : memref<!tpu.dma_semaphore, #tpu.memory_space<semaphore_mem>>)
      } else {
      }
      %scan3A_188 = arith.constant 0 : i32
      %scan3A_189 = arith.constant 40 : i32
      %scan3A_190 = arith.addi %scan3A_188, %scan3A_189 : i32
      %scan3A_191 = arith.constant 1 : i32
      scf.for %scan3A_274 = %scan3A_188 to %scan3A_190 step %scan3A_191  : i32 {
        %mul3A_275 = arith.constant 1 : i32
        %mul3A_276 = arith.muli %scan3A_274, %mul3A_275 : i32
        %add3A_277 = arith.constant 0 : i32
        %add3A_278 = arith.addi %add3A_277, %mul3A_276 : i32
        %get3A = arith.index_cast %add3A_278 : i32 to index
        %get3A_279 = arith.constant 128 : index
        %get3A_280 = tpu.vector_load %arg14[%get3A, %get3A_279] {strides = array<i32>} : memref<40x256xf32, #tpu.memory_space<vmem>>, vector<16xf32>,
        %get3A_281 = arith.index_cast %add3A_278 : i32 to index
        %get3A_282 = arith.constant 0 : index
        %get3A_283 = tpu.vector_load %arg12[%get3A_281, %get3A_282] {strides = array<i32>} : memref<40x128xf32, #tpu.memory_space<vmem>>, vector<16xf32>,
        %get3A_284 = arith.index_cast %add3A_278 : i32 to index
        %get3A_285 = arith.constant 0 : index
        %get3A_286 = tpu.vector_load %arg14[%get3A_284, %get3A_285] {strides = array<i32>} : memref<40x256xf32, #tpu.memory_space<vmem>>, vector<16xf32>,
        %add3A_287 = arith.addf %get3A_283, %get3A_286 : vector<16xf32>
        %max3A = arith.constant 0.000000e+00 : f32
        %max3A_288 = vector.broadcast %max3A : f32 to vector<16xf32>
        %max3A_289 = arith.maximumf %add3A_287, %max3A_288 : vector<16xf32>
        %mul3A_290 = arith.mulf %max3A_289, %get3A_280 : vector<16xf32>
        %swap3A = arith.index_cast %add3A_278 : i32 to index
        %swap3A_291 = arith.constant 0 : index
        %swap3A_292 = tpu.vector_load %arg16[%swap3A, %swap3A_291] {strides = array<i32>} : memref<40x128xf32, #tpu.memory_space<vmem>>, vector<16xf32>,
        tpu.vector_store %arg16[%swap3A, %swap3A_291], %mul3A_290 {strides = array<i32>} : memref<40x128xf32, #tpu.memory_space<vmem>>, vector<16xf32>,
        %get3A_293 = arith.index_cast %add3A_278 : i32 to index
        %get3A_294 = arith.constant 16 : index
        %get3A_295 = tpu.vector_load %arg12[%get3A_293, %get3A_294] {strides = array<i32>} : memref<40x128xf32, #tpu.memory_space<vmem>>, vector<16xf32>,
        %get3A_296 = arith.index_cast %add3A_278 : i32 to index
        %get3A_297 = arith.constant 16 : index
        %get3A_298 = tpu.vector_load %arg14[%get3A_296, %get3A_297] {strides = array<i32>} : memref<40x256xf32, #tpu.memory_space<vmem>>, vector<16xf32>,
        %add3A_299 = arith.addf %get3A_295, %get3A_298 : vector<16xf32>
        %max3A_300 = arith.constant 0.000000e+00 : f32
        %max3A_301 = vector.broadcast %max3A_300 : f32 to vector<16xf32>
        %max3A_302 = arith.maximumf %add3A_299, %max3A_301 : vector<16xf32>
        %mul3A_303 = arith.mulf %max3A_302, %get3A_280 : vector<16xf32>
        %swap3A_304 = arith.index_cast %add3A_278 : i32 to index
        %swap3A_305 = arith.constant 16 : index
        %swap3A_306 = tpu.vector_load %arg16[%swap3A_304, %swap3A_305] {strides = array<i32>} : memref<40x128xf32, #tpu.memory_space<vmem>>, vector<16xf32>,
        tpu.vector_store %arg16[%swap3A_304, %swap3A_305], %mul3A_303 {strides = array<i32>} : memref<40x128xf32, #tpu.memory_space<vmem>>, vector<16xf32>,
        %get3A_307 = arith.index_cast %add3A_278 : i32 to index
        %get3A_308 = arith.constant 32 : index
        %get3A_309 = tpu.vector_load %arg12[%get3A_307, %get3A_308] {strides = array<i32>} : memref<40x128xf32, #tpu.memory_space<vmem>>, vector<16xf32>,
        %get3A_310 = arith.index_cast %add3A_278 : i32 to index
        %get3A_311 = arith.constant 32 : index
        %get3A_312 = tpu.vector_load %arg14[%get3A_310, %get3A_311] {strides = array<i32>} : memref<40x256xf32, #tpu.memory_space<vmem>>, vector<16xf32>,
        %add3A_313 = arith.addf %get3A_309, %get3A_312 : vector<16xf32>
        %max3A_314 = arith.constant 0.000000e+00 : f32
        %max3A_315 = vector.broadcast %max3A_314 : f32 to vector<16xf32>
        %max3A_316 = arith.maximumf %add3A_313, %max3A_315 : vector<16xf32>
        %mul3A_317 = arith.mulf %max3A_316, %get3A_280 : vector<16xf32>
        %swap3A_318 = arith.index_cast %add3A_278 : i32 to index
        %swap3A_319 = arith.constant 32 : index
        %swap3A_320 = tpu.vector_load %arg16[%swap3A_318, %swap3A_319] {strides = array<i32>} : memref<40x128xf32, #tpu.memory_space<vmem>>, vector<16xf32>,
        tpu.vector_store %arg16[%swap3A_318, %swap3A_319], %mul3A_317 {strides = array<i32>} : memref<40x128xf32, #tpu.memory_space<vmem>>, vector<16xf32>,
        %get3A_321 = arith.index_cast %add3A_278 : i32 to index
        %get3A_322 = arith.constant 48 : index
        %get3A_323 = tpu.vector_load %arg12[%get3A_321, %get3A_322] {strides = array<i32>} : memref<40x128xf32, #tpu.memory_space<vmem>>, vector<16xf32>,
        %get3A_324 = arith.index_cast %add3A_278 : i32 to index
        %get3A_325 = arith.constant 48 : index
        %get3A_326 = tpu.vector_load %arg14[%get3A_324, %get3A_325] {strides = array<i32>} : memref<40x256xf32, #tpu.memory_space<vmem>>, vector<16xf32>,
        %add3A_327 = arith.addf %get3A_323, %get3A_326 : vector<16xf32>
        %max3A_328 = arith.constant 0.000000e+00 : f32
        %max3A_329 = vector.broadcast %max3A_328 : f32 to vector<16xf32>
        %max3A_330 = arith.maximumf %add3A_327, %max3A_329 : vector<16xf32>
        %mul3A_331 = arith.mulf %max3A_330, %get3A_280 : vector<16xf32>
        %swap3A_332 = arith.index_cast %add3A_278 : i32 to index
        %swap3A_333 = arith.constant 48 : index
        %swap3A_334 = tpu.vector_load %arg16[%swap3A_332, %swap3A_333] {strides = array<i32>} : memref<40x128xf32, #tpu.memory_space<vmem>>, vector<16xf32>,
        tpu.vector_store %arg16[%swap3A_332, %swap3A_333], %mul3A_331 {strides = array<i32>} : memref<40x128xf32, #tpu.memory_space<vmem>>, vector<16xf32>,
        %get3A_335 = arith.index_cast %add3A_278 : i32 to index
        %get3A_336 = arith.constant 64 : index
        %get3A_337 = tpu.vector_load %arg12[%get3A_335, %get3A_336] {strides = array<i32>} : memref<40x128xf32, #tpu.memory_space<vmem>>, vector<16xf32>,
        %get3A_338 = arith.index_cast %add3A_278 : i32 to index
        %get3A_339 = arith.constant 64 : index
        %get3A_340 = tpu.vector_load %arg14[%get3A_338, %get3A_339] {strides = array<i32>} : memref<40x256xf32, #tpu.memory_space<vmem>>, vector<16xf32>,
        %add3A_341 = arith.addf %get3A_337, %get3A_340 : vector<16xf32>
        %max3A_342 = arith.constant 0.000000e+00 : f32
        %max3A_343 = vector.broadcast %max3A_342 : f32 to vector<16xf32>
        %max3A_344 = arith.maximumf %add3A_341, %max3A_343 : vector<16xf32>
        %mul3A_345 = arith.mulf %max3A_344, %get3A_280 : vector<16xf32>
        %swap3A_346 = arith.index_cast %add3A_278 : i32 to index
        %swap3A_347 = arith.constant 64 : index
        %swap3A_348 = tpu.vector_load %arg16[%swap3A_346, %swap3A_347] {strides = array<i32>} : memref<40x128xf32, #tpu.memory_space<vmem>>, vector<16xf32>,
        tpu.vector_store %arg16[%swap3A_346, %swap3A_347], %mul3A_345 {strides = array<i32>} : memref<40x128xf32, #tpu.memory_space<vmem>>, vector<16xf32>,
        %get3A_349 = arith.index_cast %add3A_278 : i32 to index
        %get3A_350 = arith.constant 80 : index
        %get3A_351 = tpu.vector_load %arg12[%get3A_349, %get3A_350] {strides = array<i32>} : memref<40x128xf32, #tpu.memory_space<vmem>>, vector<16xf32>,
        %get3A_352 = arith.index_cast %add3A_278 : i32 to index
        %get3A_353 = arith.constant 80 : index
        %get3A_354 = tpu.vector_load %arg14[%get3A_352, %get3A_353] {strides = array<i32>} : memref<40x256xf32, #tpu.memory_space<vmem>>, vector<16xf32>,
        %add3A_355 = arith.addf %get3A_351, %get3A_354 : vector<16xf32>
        %max3A_356 = arith.constant 0.000000e+00 : f32
        %max3A_357 = vector.broadcast %max3A_356 : f32 to vector<16xf32>
        %max3A_358 = arith.maximumf %add3A_355, %max3A_357 : vector<16xf32>
        %mul3A_359 = arith.mulf %max3A_358, %get3A_280 : vector<16xf32>
        %swap3A_360 = arith.index_cast %add3A_278 : i32 to index
        %swap3A_361 = arith.constant 80 : index
        %swap3A_362 = tpu.vector_load %arg16[%swap3A_360, %swap3A_361] {strides = array<i32>} : memref<40x128xf32, #tpu.memory_space<vmem>>, vector<16xf32>,
        tpu.vector_store %arg16[%swap3A_360, %swap3A_361], %mul3A_359 {strides = array<i32>} : memref<40x128xf32, #tpu.memory_space<vmem>>, vector<16xf32>,
        %get3A_363 = arith.index_cast %add3A_278 : i32 to index
        %get3A_364 = arith.constant 96 : index
        %get3A_365 = tpu.vector_load %arg12[%get3A_363, %get3A_364] {strides = array<i32>} : memref<40x128xf32, #tpu.memory_space<vmem>>, vector<16xf32>,
        %get3A_366 = arith.index_cast %add3A_278 : i32 to index
        %get3A_367 = arith.constant 96 : index
        %get3A_368 = tpu.vector_load %arg14[%get3A_366, %get3A_367] {strides = array<i32>} : memref<40x256xf32, #tpu.memory_space<vmem>>, vector<16xf32>,
        %add3A_369 = arith.addf %get3A_365, %get3A_368 : vector<16xf32>
        %max3A_370 = arith.constant 0.000000e+00 : f32
        %max3A_371 = vector.broadcast %max3A_370 : f32 to vector<16xf32>
        %max3A_372 = arith.maximumf %add3A_369, %max3A_371 : vector<16xf32>
        %mul3A_373 = arith.mulf %max3A_372, %get3A_280 : vector<16xf32>
        %swap3A_374 = arith.index_cast %add3A_278 : i32 to index
        %swap3A_375 = arith.constant 96 : index
        %swap3A_376 = tpu.vector_load %arg16[%swap3A_374, %swap3A_375] {strides = array<i32>} : memref<40x128xf32, #tpu.memory_space<vmem>>, vector<16xf32>,
        tpu.vector_store %arg16[%swap3A_374, %swap3A_375], %mul3A_373 {strides = array<i32>} : memref<40x128xf32, #tpu.memory_space<vmem>>, vector<16xf32>,
        %get3A_377 = arith.index_cast %add3A_278 : i32 to index
        %get3A_378 = arith.constant 112 : index
        %get3A_379 = tpu.vector_load %arg12[%get3A_377, %get3A_378] {strides = array<i32>} : memref<40x128xf32, #tpu.memory_space<vmem>>, vector<16xf32>,
        %get3A_380 = arith.index_cast %add3A_278 : i32 to index
        %get3A_381 = arith.constant 112 : index
        %get3A_382 = tpu.vector_load %arg14[%get3A_380, %get3A_381] {strides = array<i32>} : memref<40x256xf32, #tpu.memory_space<vmem>>, vector<16xf32>,
        %add3A_383 = arith.addf %get3A_379, %get3A_382 : vector<16xf32>
        %max3A_384 = arith.constant 0.000000e+00 : f32
        %max3A_385 = vector.broadcast %max3A_384 : f32 to vector<16xf32>
        %max3A_386 = arith.maximumf %add3A_383, %max3A_385 : vector<16xf32>
        %mul3A_387 = arith.mulf %max3A_386, %get3A_280 : vector<16xf32>
        %swap3A_388 = arith.index_cast %add3A_278 : i32 to index
        %swap3A_389 = arith.constant 112 : index
        %swap3A_390 = tpu.vector_load %arg16[%swap3A_388, %swap3A_389] {strides = array<i32>} : memref<40x128xf32, #tpu.memory_space<vmem>>, vector<16xf32>,
        tpu.vector_store %arg16[%swap3A_388, %swap3A_389], %mul3A_387 {strides = array<i32>} : memref<40x128xf32, #tpu.memory_space<vmem>>, vector<16xf32>,
      }
      %scan3A_192 = arith.constant 40 : i32
      %add3A_193 = arith.constant 2 : i32
      %add3A_194 = arith.addi %mul3A_165, %add3A_193 : i32
      %lt3A_195 = arith.constant 250 : i32
      %lt3A_196 = arith.cmpi slt, %add3A_194, %lt3A_195 : i32
      %convert_element_type3A_197 = arith.extui %lt3A_196 : i1 to i32
      %cond3A_198 = arith.constant 0 : i32
      %cond3A_199 = arith.cmpi ne, %convert_element_type3A_197, %cond3A_198 : i32
      scf.if %cond3A_199 {
        %dma_wait3A_274 = arith.constant 0 : i32
        %dma_wait3A_275 = arith.constant 0 : i32
        %dma_wait3A_276 = arith.constant 0 : i32
        %dma_wait3A_277 = arith.constant 0 : i32
        %dma_wait3A_278 = tpu.memref_slice %arg4[%add3A, %dma_wait3A_275, %dma_wait3A_276, %dma_wait3A_277] : memref<32x250x2x40xi32, #tpu.memory_space<hbm>> -> memref<1x250x2x40xi32, #tpu.memory_space<hbm>>
        %dma_wait3A_279 = tpu.memref_squeeze %dma_wait3A_278 : memref<1x250x2x40xi32, #tpu.memory_space<hbm>> -> memref<250x2x40xi32, #tpu.memory_space<hbm>>
        %dma_wait3A_280 = arith.constant 0 : i32
        %dma_wait3A_281 = arith.constant 0 : i32
        %dma_wait3A_282 = tpu.memref_slice %dma_wait3A_279[%dma_wait3A_274, %dma_wait3A_280, %dma_wait3A_281] : memref<250x2x40xi32, #tpu.memory_space<hbm>> -> memref<1x2x40xi32, #tpu.memory_space<hbm>>
        %dma_wait3A_283 = tpu.memref_squeeze %dma_wait3A_282 : memref<1x2x40xi32, #tpu.memory_space<hbm>> -> memref<2x40xi32, #tpu.memory_space<hbm>>
        %dma_wait3A_284 = arith.constant 0 : i32
        %dma_wait3A_285 = arith.constant 0 : i32
        %dma_wait3A_286 = arith.constant 0 : i32
        %dma_wait3A_287 = tpu.memref_slice %arg4[%add3A, %dma_wait3A_284, %dma_wait3A_285, %dma_wait3A_286] : memref<32x250x2x40xi32, #tpu.memory_space<hbm>> -> memref<1x250x2x40xi32, #tpu.memory_space<hbm>>
        %dma_wait3A_288 = tpu.memref_squeeze %dma_wait3A_287 : memref<1x250x2x40xi32, #tpu.memory_space<hbm>> -> memref<250x2x40xi32, #tpu.memory_space<hbm>>
        %dma_wait3A_289 = arith.constant 0 : i32
        %dma_wait3A_290 = arith.constant 0 : i32
        %dma_wait3A_291 = tpu.memref_slice %dma_wait3A_288[%dma_wait3A_274, %dma_wait3A_289, %dma_wait3A_290] : memref<250x2x40xi32, #tpu.memory_space<hbm>> -> memref<1x2x40xi32, #tpu.memory_space<hbm>>
        %dma_wait3A_292 = tpu.memref_squeeze %dma_wait3A_291 : memref<1x2x40xi32, #tpu.memory_space<hbm>> -> memref<2x40xi32, #tpu.memory_space<hbm>>
        tpu.wait_dma2 semaphore(%arg20 : memref<!tpu.dma_semaphore, #tpu.memory_space<semaphore_mem>>) src(%dma_wait3A_292 : memref<2x40xi32, #tpu.memory_space<hbm>>) dst(%arg10 : memref<2x40xi32, #tpu.memory_space<vmem>>)
        %dma_start3A_293 = arith.constant 0 : i32
        %dma_start3A_294 = arith.constant 0 : i32
        %dma_start3A_295 = tpu.memref_slice %arg10[%dma_start3A_293, %dma_start3A_294] : memref<2x40xi32, #tpu.memory_space<vmem>> -> memref<1x40xi32, #tpu.memory_space<vmem>>
        %dma_start3A_296 = tpu.memref_squeeze %dma_start3A_295 : memref<1x40xi32, #tpu.memory_space<vmem>> -> memref<40xi32, #tpu.memory_space<vmem>>
        %dma_start3A_297 = arith.constant 0 : i32
        %dma_start3A_298 = arith.constant 0 : i32
        %dma_start3A_299 = tpu.memref_slice %arg2[%dma_start3A_297, %dma_start3A_298] : memref<10000x128xf32, #tpu.memory_space<hbm>> -> memref<10000x128xf32, #tpu.memory_space<hbm>>
        tpu.enqueue_indirect_dma source(%dma_start3A_299 : memref<10000x128xf32, #tpu.memory_space<hbm>>) target(%arg12 : memref<40x128xf32, #tpu.memory_space<vmem>>) offsets(%dma_start3A_296 : memref<40xi32, #tpu.memory_space<vmem>>) semaphore(%arg22 : memref<!tpu.dma_semaphore, #tpu.memory_space<semaphore_mem>>)
        %dma_start3A_300 = arith.constant 1 : i32
        %dma_start3A_301 = arith.constant 0 : i32
        %dma_start3A_302 = tpu.memref_slice %arg10[%dma_start3A_300, %dma_start3A_301] : memref<2x40xi32, #tpu.memory_space<vmem>> -> memref<1x40xi32, #tpu.memory_space<vmem>>
        %dma_start3A_303 = tpu.memref_squeeze %dma_start3A_302 : memref<1x40xi32, #tpu.memory_space<vmem>> -> memref<40xi32, #tpu.memory_space<vmem>>
        %dma_start3A_304 = arith.constant 0 : i32
        %dma_start3A_305 = arith.constant 0 : i32
        %dma_start3A_306 = tpu.memref_slice %arg3[%dma_start3A_304, %dma_start3A_305] : memref<512x256xf32, #tpu.memory_space<hbm>> -> memref<512x256xf32, #tpu.memory_space<hbm>>
        tpu.enqueue_indirect_dma source(%dma_start3A_306 : memref<512x256xf32, #tpu.memory_space<hbm>>) target(%arg14 : memref<40x256xf32, #tpu.memory_space<vmem>>) offsets(%dma_start3A_303 : memref<40xi32, #tpu.memory_space<vmem>>) semaphore(%arg24 : memref<!tpu.dma_semaphore, #tpu.memory_space<semaphore_mem>>)
      } else {
      }
      %dma_wait3A_200 = arith.constant 0 : i32
      %dma_wait3A_201 = arith.constant 0 : i32
      %dma_wait3A_202 = arith.constant 0 : i32
      %dma_wait3A_203 = tpu.memref_slice %arg5[%add3A, %dma_wait3A_201, %dma_wait3A_202] : memref<32x250x40xi32, #tpu.memory_space<hbm>> -> memref<1x250x40xi32, #tpu.memory_space<hbm>>
      %dma_wait3A_204 = tpu.memref_squeeze %dma_wait3A_203 : memref<1x250x40xi32, #tpu.memory_space<hbm>> -> memref<250x40xi32, #tpu.memory_space<hbm>>
      %dma_wait3A_205 = arith.constant 0 : i32
      %dma_wait3A_206 = tpu.memref_slice %dma_wait3A_204[%dma_wait3A_200, %dma_wait3A_205] : memref<250x40xi32, #tpu.memory_space<hbm>> -> memref<1x40xi32, #tpu.memory_space<hbm>>
      %dma_wait3A_207 = tpu.memref_squeeze %dma_wait3A_206 : memref<1x40xi32, #tpu.memory_space<hbm>> -> memref<40xi32, #tpu.memory_space<hbm>>
      %dma_wait3A_208 = arith.constant 0 : i32
      %dma_wait3A_209 = arith.constant 0 : i32
      %dma_wait3A_210 = tpu.memref_slice %arg5[%add3A, %dma_wait3A_208, %dma_wait3A_209] : memref<32x250x40xi32, #tpu.memory_space<hbm>> -> memref<1x250x40xi32, #tpu.memory_space<hbm>>
      %dma_wait3A_211 = tpu.memref_squeeze %dma_wait3A_210 : memref<1x250x40xi32, #tpu.memory_space<hbm>> -> memref<250x40xi32, #tpu.memory_space<hbm>>
      %dma_wait3A_212 = arith.constant 0 : i32
      %dma_wait3A_213 = tpu.memref_slice %dma_wait3A_211[%dma_wait3A_200, %dma_wait3A_212] : memref<250x40xi32, #tpu.memory_space<hbm>> -> memref<1x40xi32, #tpu.memory_space<hbm>>
      %dma_wait3A_214 = tpu.memref_squeeze %dma_wait3A_213 : memref<1x40xi32, #tpu.memory_space<hbm>> -> memref<40xi32, #tpu.memory_space<hbm>>
      tpu.wait_dma2 semaphore(%arg18 : memref<!tpu.dma_semaphore, #tpu.memory_space<semaphore_mem>>) src(%dma_wait3A_214 : memref<40xi32, #tpu.memory_space<hbm>>) dst(%arg8 : memref<40xi32, #tpu.memory_space<vmem>>)
      %dma_start3A_215 = arith.constant 0 : i32
      %dma_start3A_216 = arith.constant 0 : i32
      %dma_start3A_217 = tpu.memref_slice %arg7[%dma_start3A_215, %dma_start3A_216] : memref<10000x128xf32, #tpu.memory_space<vmem_shared>> -> memref<10000x128xf32, #tpu.memory_space<vmem_shared>>
      tpu.enqueue_indirect_dma source(%arg16 : memref<40x128xf32, #tpu.memory_space<vmem>>) target(%dma_start3A_217 : memref<10000x128xf32, #tpu.memory_space<vmem_shared>>) offsets(%arg8 : memref<40xi32, #tpu.memory_space<vmem>>) semaphore(%arg26 : memref<!tpu.dma_semaphore, #tpu.memory_space<semaphore_mem>>) {add = true}
      %dma_wait3A_218 = arith.constant 0 : i32
      %dma_wait3A_219 = arith.constant 0 : i32
      %dma_wait3A_220 = tpu.memref_slice %arg11[%dma_wait3A_218, %dma_wait3A_219] : memref<2x40xi32, #tpu.memory_space<vmem>> -> memref<1x40xi32, #tpu.memory_space<vmem>>
      %dma_wait3A_221 = tpu.memref_squeeze %dma_wait3A_220 : memref<1x40xi32, #tpu.memory_space<vmem>> -> memref<40xi32, #tpu.memory_space<vmem>>
      %dma_wait3A_222 = arith.constant 0 : i32
      %dma_wait3A_223 = arith.constant 0 : i32
      %dma_wait3A_224 = tpu.memref_slice %arg2[%dma_wait3A_222, %dma_wait3A_223] : memref<10000x128xf32, #tpu.memory_space<hbm>> -> memref<10000x128xf32, #tpu.memory_space<hbm>>
      tpu.wait_indirect_dma semaphore(%arg23 : memref<!tpu.dma_semaphore, #tpu.memory_space<semaphore_mem>>) src(%dma_wait3A_224 : memref<10000x128xf32, #tpu.memory_space<hbm>>) dst(%arg13 : memref<40x128xf32, #tpu.memory_space<vmem>>)
      %dma_wait3A_225 = arith.constant 1 : i32
      %dma_wait3A_226 = arith.constant 0 : i32
      %dma_wait3A_227 = tpu.memref_slice %arg11[%dma_wait3A_225, %dma_wait3A_226] : memref<2x40xi32, #tpu.memory_space<vmem>> -> memref<1x40xi32, #tpu.memory_space<vmem>>
      %dma_wait3A_228 = tpu.memref_squeeze %dma_wait3A_227 : memref<1x40xi32, #tpu.memory_space<vmem>> -> memref<40xi32, #tpu.memory_space<vmem>>
      %dma_wait3A_229 = arith.constant 0 : i32
      %dma_wait3A_230 = arith.constant 0 : i32
      %dma_wait3A_231 = tpu.memref_slice %arg3[%dma_wait3A_229, %dma_wait3A_230] : memref<512x256xf32, #tpu.memory_space<hbm>> -> memref<512x256xf32, #tpu.memory_space<hbm>>
      tpu.wait_indirect_dma semaphore(%arg25 : memref<!tpu.dma_semaphore, #tpu.memory_space<semaphore_mem>>) src(%dma_wait3A_231 : memref<512x256xf32, #tpu.memory_space<hbm>>) dst(%arg15 : memref<40x256xf32, #tpu.memory_space<vmem>>)
      %add3A_232 = arith.constant 3 : i32
      %add3A_233 = arith.addi %mul3A_165, %add3A_232 : i32
      %lt3A_234 = arith.constant 250 : i32
      %lt3A_235 = arith.cmpi slt, %add3A_233, %lt3A_234 : i32
      %convert_element_type3A_236 = arith.extui %lt3A_235 : i1 to i32
      %cond3A_237 = arith.constant 0 : i32
      %cond3A_238 = arith.cmpi ne, %convert_element_type3A_236, %cond3A_237 : i32
      scf.if %cond3A_238 {
        %add3A_274 = arith.constant 3 : i32
        %add3A_275 = arith.addi %mul3A_165, %add3A_274 : i32
        %dma_start3A_276 = arith.constant 0 : i32
        %dma_start3A_277 = arith.constant 0 : i32
        %dma_start3A_278 = arith.constant 0 : i32
        %dma_start3A_279 = tpu.memref_slice %arg4[%add3A, %dma_start3A_276, %dma_start3A_277, %dma_start3A_278] : memref<32x250x2x40xi32, #tpu.memory_space<hbm>> -> memref<1x250x2x40xi32, #tpu.memory_space<hbm>>
        %dma_start3A_280 = tpu.memref_squeeze %dma_start3A_279 : memref<1x250x2x40xi32, #tpu.memory_space<hbm>> -> memref<250x2x40xi32, #tpu.memory_space<hbm>>
        %dma_start3A_281 = arith.constant 0 : i32
        %dma_start3A_282 = arith.constant 0 : i32
        %dma_start3A_283 = tpu.memref_slice %dma_start3A_280[%add3A_275, %dma_start3A_281, %dma_start3A_282] : memref<250x2x40xi32, #tpu.memory_space<hbm>> -> memref<1x2x40xi32, #tpu.memory_space<hbm>>
        %dma_start3A_284 = tpu.memref_squeeze %dma_start3A_283 : memref<1x2x40xi32, #tpu.memory_space<hbm>> -> memref<2x40xi32, #tpu.memory_space<hbm>>
        %dma_start3A_285 = arith.constant 0 : i32
        %dma_start3A_286 = arith.constant 0 : i32
        %dma_start3A_287 = arith.constant 0 : i32
        %dma_start3A_288 = tpu.memref_slice %arg4[%add3A, %dma_start3A_285, %dma_start3A_286, %dma_start3A_287] : memref<32x250x2x40xi32, #tpu.memory_space<hbm>> -> memref<1x250x2x40xi32, #tpu.memory_space<hbm>>
        %dma_start3A_289 = tpu.memref_squeeze %dma_start3A_288 : memref<1x250x2x40xi32, #tpu.memory_space<hbm>> -> memref<250x2x40xi32, #tpu.memory_space<hbm>>
        %dma_start3A_290 = arith.constant 0 : i32
        %dma_start3A_291 = arith.constant 0 : i32
        %dma_start3A_292 = tpu.memref_slice %dma_start3A_289[%add3A_275, %dma_start3A_290, %dma_start3A_291] : memref<250x2x40xi32, #tpu.memory_space<hbm>> -> memref<1x2x40xi32, #tpu.memory_space<hbm>>
        %dma_start3A_293 = tpu.memref_squeeze %dma_start3A_292 : memref<1x2x40xi32, #tpu.memory_space<hbm>> -> memref<2x40xi32, #tpu.memory_space<hbm>>
        tpu.enqueue_dma source(%dma_start3A_293 : memref<2x40xi32, #tpu.memory_space<hbm>>) target(%arg11 : memref<2x40xi32, #tpu.memory_space<vmem>>) target_semaphore(%arg21 : memref<!tpu.dma_semaphore, #tpu.memory_space<semaphore_mem>>)
      } else {
      }
      %gt3A_239 = arith.constant 0 : i32
      %gt3A_240 = arith.cmpi sgt, %add3A_163, %gt3A_239 : i32
      %convert_element_type3A_241 = arith.extui %gt3A_240 : i1 to i32
      %cond3A_242 = arith.constant 0 : i32
      %cond3A_243 = arith.cmpi ne, %convert_element_type3A_241, %cond3A_242 : i32
      scf.if %cond3A_243 {
        %dma_wait3A_274 = arith.constant 0 : i32
        %dma_wait3A_275 = arith.constant 0 : i32
        %dma_wait3A_276 = tpu.memref_slice %arg7[%dma_wait3A_274, %dma_wait3A_275] : memref<10000x128xf32, #tpu.memory_space<vmem_shared>> -> memref<10000x128xf32, #tpu.memory_space<vmem_shared>>
        tpu.wait_indirect_dma semaphore(%arg27 : memref<!tpu.dma_semaphore, #tpu.memory_space<semaphore_mem>>) src(%arg17 : memref<40x128xf32, #tpu.memory_space<vmem>>) dst(%dma_wait3A_276 : memref<10000x128xf32, #tpu.memory_space<vmem_shared>>)
        %add3A_277 = arith.constant 1 : i32
        %add3A_278 = arith.addi %mul3A_165, %add3A_277 : i32
        %dma_start3A_279 = arith.constant 0 : i32
        %dma_start3A_280 = arith.constant 0 : i32
        %dma_start3A_281 = tpu.memref_slice %arg5[%add3A, %dma_start3A_279, %dma_start3A_280] : memref<32x250x40xi32, #tpu.memory_space<hbm>> -> memref<1x250x40xi32, #tpu.memory_space<hbm>>
        %dma_start3A_282 = tpu.memref_squeeze %dma_start3A_281 : memref<1x250x40xi32, #tpu.memory_space<hbm>> -> memref<250x40xi32, #tpu.memory_space<hbm>>
        %dma_start3A_283 = arith.constant 0 : i32
        %dma_start3A_284 = tpu.memref_slice %dma_start3A_282[%add3A_278, %dma_start3A_283] : memref<250x40xi32, #tpu.memory_space<hbm>> -> memref<1x40xi32, #tpu.memory_space<hbm>>
        %dma_start3A_285 = tpu.memref_squeeze %dma_start3A_284 : memref<1x40xi32, #tpu.memory_space<hbm>> -> memref<40xi32, #tpu.memory_space<hbm>>
        %dma_start3A_286 = arith.constant 0 : i32
        %dma_start3A_287 = arith.constant 0 : i32
        %dma_start3A_288 = tpu.memref_slice %arg5[%add3A, %dma_start3A_286, %dma_start3A_287] : memref<32x250x40xi32, #tpu.memory_space<hbm>> -> memref<1x250x40xi32, #tpu.memory_space<hbm>>
        %dma_start3A_289 = tpu.memref_squeeze %dma_start3A_288 : memref<1x250x40xi32, #tpu.memory_space<hbm>> -> memref<250x40xi32, #tpu.memory_space<hbm>>
        %dma_start3A_290 = arith.constant 0 : i32
        %dma_start3A_291 = tpu.memref_slice %dma_start3A_289[%add3A_278, %dma_start3A_290] : memref<250x40xi32, #tpu.memory_space<hbm>> -> memref<1x40xi32, #tpu.memory_space<hbm>>
        %dma_start3A_292 = tpu.memref_squeeze %dma_start3A_291 : memref<1x40xi32, #tpu.memory_space<hbm>> -> memref<40xi32, #tpu.memory_space<hbm>>
        tpu.enqueue_dma source(%dma_start3A_292 : memref<40xi32, #tpu.memory_space<hbm>>) target(%arg9 : memref<40xi32, #tpu.memory_space<vmem>>) target_semaphore(%arg19 : memref<!tpu.dma_semaphore, #tpu.memory_space<semaphore_mem>>)
      } else {
      }
      %scan3A_244 = arith.constant 0 : i32
      %scan3A_245 = arith.constant 40 : i32
      %scan3A_246 = arith.addi %scan3A_244, %scan3A_245 : i32
      %scan3A_247 = arith.constant 1 : i32
      scf.for %scan3A_274 = %scan3A_244 to %scan3A_246 step %scan3A_247  : i32 {
        %mul3A_275 = arith.constant 1 : i32
        %mul3A_276 = arith.muli %scan3A_274, %mul3A_275 : i32
        %add3A_277 = arith.constant 0 : i32
        %add3A_278 = arith.addi %add3A_277, %mul3A_276 : i32
        %get3A = arith.index_cast %add3A_278 : i32 to index
        %get3A_279 = arith.constant 128 : index
        %get3A_280 = tpu.vector_load %arg15[%get3A, %get3A_279] {strides = array<i32>} : memref<40x256xf32, #tpu.memory_space<vmem>>, vector<16xf32>,
        %get3A_281 = arith.index_cast %add3A_278 : i32 to index
        %get3A_282 = arith.constant 0 : index
        %get3A_283 = tpu.vector_load %arg13[%get3A_281, %get3A_282] {strides = array<i32>} : memref<40x128xf32, #tpu.memory_space<vmem>>, vector<16xf32>,
        %get3A_284 = arith.index_cast %add3A_278 : i32 to index
        %get3A_285 = arith.constant 0 : index
        %get3A_286 = tpu.vector_load %arg15[%get3A_284, %get3A_285] {strides = array<i32>} : memref<40x256xf32, #tpu.memory_space<vmem>>, vector<16xf32>,
        %add3A_287 = arith.addf %get3A_283, %get3A_286 : vector<16xf32>
        %max3A = arith.constant 0.000000e+00 : f32
        %max3A_288 = vector.broadcast %max3A : f32 to vector<16xf32>
        %max3A_289 = arith.maximumf %add3A_287, %max3A_288 : vector<16xf32>
        %mul3A_290 = arith.mulf %max3A_289, %get3A_280 : vector<16xf32>
        %swap3A = arith.index_cast %add3A_278 : i32 to index
        %swap3A_291 = arith.constant 0 : index
        %swap3A_292 = tpu.vector_load %arg17[%swap3A, %swap3A_291] {strides = array<i32>} : memref<40x128xf32, #tpu.memory_space<vmem>>, vector<16xf32>,
        tpu.vector_store %arg17[%swap3A, %swap3A_291], %mul3A_290 {strides = array<i32>} : memref<40x128xf32, #tpu.memory_space<vmem>>, vector<16xf32>,
        %get3A_293 = arith.index_cast %add3A_278 : i32 to index
        %get3A_294 = arith.constant 16 : index
        %get3A_295 = tpu.vector_load %arg13[%get3A_293, %get3A_294] {strides = array<i32>} : memref<40x128xf32, #tpu.memory_space<vmem>>, vector<16xf32>,
        %get3A_296 = arith.index_cast %add3A_278 : i32 to index
        %get3A_297 = arith.constant 16 : index
        %get3A_298 = tpu.vector_load %arg15[%get3A_296, %get3A_297] {strides = array<i32>} : memref<40x256xf32, #tpu.memory_space<vmem>>, vector<16xf32>,
        %add3A_299 = arith.addf %get3A_295, %get3A_298 : vector<16xf32>
        %max3A_300 = arith.constant 0.000000e+00 : f32
        %max3A_301 = vector.broadcast %max3A_300 : f32 to vector<16xf32>
        %max3A_302 = arith.maximumf %add3A_299, %max3A_301 : vector<16xf32>
        %mul3A_303 = arith.mulf %max3A_302, %get3A_280 : vector<16xf32>
        %swap3A_304 = arith.index_cast %add3A_278 : i32 to index
        %swap3A_305 = arith.constant 16 : index
        %swap3A_306 = tpu.vector_load %arg17[%swap3A_304, %swap3A_305] {strides = array<i32>} : memref<40x128xf32, #tpu.memory_space<vmem>>, vector<16xf32>,
        tpu.vector_store %arg17[%swap3A_304, %swap3A_305], %mul3A_303 {strides = array<i32>} : memref<40x128xf32, #tpu.memory_space<vmem>>, vector<16xf32>,
        %get3A_307 = arith.index_cast %add3A_278 : i32 to index
        %get3A_308 = arith.constant 32 : index
        %get3A_309 = tpu.vector_load %arg13[%get3A_307, %get3A_308] {strides = array<i32>} : memref<40x128xf32, #tpu.memory_space<vmem>>, vector<16xf32>,
        %get3A_310 = arith.index_cast %add3A_278 : i32 to index
        %get3A_311 = arith.constant 32 : index
        %get3A_312 = tpu.vector_load %arg15[%get3A_310, %get3A_311] {strides = array<i32>} : memref<40x256xf32, #tpu.memory_space<vmem>>, vector<16xf32>,
        %add3A_313 = arith.addf %get3A_309, %get3A_312 : vector<16xf32>
        %max3A_314 = arith.constant 0.000000e+00 : f32
        %max3A_315 = vector.broadcast %max3A_314 : f32 to vector<16xf32>
        %max3A_316 = arith.maximumf %add3A_313, %max3A_315 : vector<16xf32>
        %mul3A_317 = arith.mulf %max3A_316, %get3A_280 : vector<16xf32>
        %swap3A_318 = arith.index_cast %add3A_278 : i32 to index
        %swap3A_319 = arith.constant 32 : index
        %swap3A_320 = tpu.vector_load %arg17[%swap3A_318, %swap3A_319] {strides = array<i32>} : memref<40x128xf32, #tpu.memory_space<vmem>>, vector<16xf32>,
        tpu.vector_store %arg17[%swap3A_318, %swap3A_319], %mul3A_317 {strides = array<i32>} : memref<40x128xf32, #tpu.memory_space<vmem>>, vector<16xf32>,
        %get3A_321 = arith.index_cast %add3A_278 : i32 to index
        %get3A_322 = arith.constant 48 : index
        %get3A_323 = tpu.vector_load %arg13[%get3A_321, %get3A_322] {strides = array<i32>} : memref<40x128xf32, #tpu.memory_space<vmem>>, vector<16xf32>,
        %get3A_324 = arith.index_cast %add3A_278 : i32 to index
        %get3A_325 = arith.constant 48 : index
        %get3A_326 = tpu.vector_load %arg15[%get3A_324, %get3A_325] {strides = array<i32>} : memref<40x256xf32, #tpu.memory_space<vmem>>, vector<16xf32>,
        %add3A_327 = arith.addf %get3A_323, %get3A_326 : vector<16xf32>
        %max3A_328 = arith.constant 0.000000e+00 : f32
        %max3A_329 = vector.broadcast %max3A_328 : f32 to vector<16xf32>
        %max3A_330 = arith.maximumf %add3A_327, %max3A_329 : vector<16xf32>
        %mul3A_331 = arith.mulf %max3A_330, %get3A_280 : vector<16xf32>
        %swap3A_332 = arith.index_cast %add3A_278 : i32 to index
        %swap3A_333 = arith.constant 48 : index
        %swap3A_334 = tpu.vector_load %arg17[%swap3A_332, %swap3A_333] {strides = array<i32>} : memref<40x128xf32, #tpu.memory_space<vmem>>, vector<16xf32>,
        tpu.vector_store %arg17[%swap3A_332, %swap3A_333], %mul3A_331 {strides = array<i32>} : memref<40x128xf32, #tpu.memory_space<vmem>>, vector<16xf32>,
        %get3A_335 = arith.index_cast %add3A_278 : i32 to index
        %get3A_336 = arith.constant 64 : index
        %get3A_337 = tpu.vector_load %arg13[%get3A_335, %get3A_336] {strides = array<i32>} : memref<40x128xf32, #tpu.memory_space<vmem>>, vector<16xf32>,
        %get3A_338 = arith.index_cast %add3A_278 : i32 to index
        %get3A_339 = arith.constant 64 : index
        %get3A_340 = tpu.vector_load %arg15[%get3A_338, %get3A_339] {strides = array<i32>} : memref<40x256xf32, #tpu.memory_space<vmem>>, vector<16xf32>,
        %add3A_341 = arith.addf %get3A_337, %get3A_340 : vector<16xf32>
        %max3A_342 = arith.constant 0.000000e+00 : f32
        %max3A_343 = vector.broadcast %max3A_342 : f32 to vector<16xf32>
        %max3A_344 = arith.maximumf %add3A_341, %max3A_343 : vector<16xf32>
        %mul3A_345 = arith.mulf %max3A_344, %get3A_280 : vector<16xf32>
        %swap3A_346 = arith.index_cast %add3A_278 : i32 to index
        %swap3A_347 = arith.constant 64 : index
        %swap3A_348 = tpu.vector_load %arg17[%swap3A_346, %swap3A_347] {strides = array<i32>} : memref<40x128xf32, #tpu.memory_space<vmem>>, vector<16xf32>,
        tpu.vector_store %arg17[%swap3A_346, %swap3A_347], %mul3A_345 {strides = array<i32>} : memref<40x128xf32, #tpu.memory_space<vmem>>, vector<16xf32>,
        %get3A_349 = arith.index_cast %add3A_278 : i32 to index
        %get3A_350 = arith.constant 80 : index
        %get3A_351 = tpu.vector_load %arg13[%get3A_349, %get3A_350] {strides = array<i32>} : memref<40x128xf32, #tpu.memory_space<vmem>>, vector<16xf32>,
        %get3A_352 = arith.index_cast %add3A_278 : i32 to index
        %get3A_353 = arith.constant 80 : index
        %get3A_354 = tpu.vector_load %arg15[%get3A_352, %get3A_353] {strides = array<i32>} : memref<40x256xf32, #tpu.memory_space<vmem>>, vector<16xf32>,
        %add3A_355 = arith.addf %get3A_351, %get3A_354 : vector<16xf32>
        %max3A_356 = arith.constant 0.000000e+00 : f32
        %max3A_357 = vector.broadcast %max3A_356 : f32 to vector<16xf32>
        %max3A_358 = arith.maximumf %add3A_355, %max3A_357 : vector<16xf32>
        %mul3A_359 = arith.mulf %max3A_358, %get3A_280 : vector<16xf32>
        %swap3A_360 = arith.index_cast %add3A_278 : i32 to index
        %swap3A_361 = arith.constant 80 : index
        %swap3A_362 = tpu.vector_load %arg17[%swap3A_360, %swap3A_361] {strides = array<i32>} : memref<40x128xf32, #tpu.memory_space<vmem>>, vector<16xf32>,
        tpu.vector_store %arg17[%swap3A_360, %swap3A_361], %mul3A_359 {strides = array<i32>} : memref<40x128xf32, #tpu.memory_space<vmem>>, vector<16xf32>,
        %get3A_363 = arith.index_cast %add3A_278 : i32 to index
        %get3A_364 = arith.constant 96 : index
        %get3A_365 = tpu.vector_load %arg13[%get3A_363, %get3A_364] {strides = array<i32>} : memref<40x128xf32, #tpu.memory_space<vmem>>, vector<16xf32>,
        %get3A_366 = arith.index_cast %add3A_278 : i32 to index
        %get3A_367 = arith.constant 96 : index
        %get3A_368 = tpu.vector_load %arg15[%get3A_366, %get3A_367] {strides = array<i32>} : memref<40x256xf32, #tpu.memory_space<vmem>>, vector<16xf32>,
        %add3A_369 = arith.addf %get3A_365, %get3A_368 : vector<16xf32>
        %max3A_370 = arith.constant 0.000000e+00 : f32
        %max3A_371 = vector.broadcast %max3A_370 : f32 to vector<16xf32>
        %max3A_372 = arith.maximumf %add3A_369, %max3A_371 : vector<16xf32>
        %mul3A_373 = arith.mulf %max3A_372, %get3A_280 : vector<16xf32>
        %swap3A_374 = arith.index_cast %add3A_278 : i32 to index
        %swap3A_375 = arith.constant 96 : index
        %swap3A_376 = tpu.vector_load %arg17[%swap3A_374, %swap3A_375] {strides = array<i32>} : memref<40x128xf32, #tpu.memory_space<vmem>>, vector<16xf32>,
        tpu.vector_store %arg17[%swap3A_374, %swap3A_375], %mul3A_373 {strides = array<i32>} : memref<40x128xf32, #tpu.memory_space<vmem>>, vector<16xf32>,
        %get3A_377 = arith.index_cast %add3A_278 : i32 to index
        %get3A_378 = arith.constant 112 : index
        %get3A_379 = tpu.vector_load %arg13[%get3A_377, %get3A_378] {strides = array<i32>} : memref<40x128xf32, #tpu.memory_space<vmem>>, vector<16xf32>,
        %get3A_380 = arith.index_cast %add3A_278 : i32 to index
        %get3A_381 = arith.constant 112 : index
        %get3A_382 = tpu.vector_load %arg15[%get3A_380, %get3A_381] {strides = array<i32>} : memref<40x256xf32, #tpu.memory_space<vmem>>, vector<16xf32>,
        %add3A_383 = arith.addf %get3A_379, %get3A_382 : vector<16xf32>
        %max3A_384 = arith.constant 0.000000e+00 : f32
        %max3A_385 = vector.broadcast %max3A_384 : f32 to vector<16xf32>
        %max3A_386 = arith.maximumf %add3A_383, %max3A_385 : vector<16xf32>
        %mul3A_387 = arith.mulf %max3A_386, %get3A_280 : vector<16xf32>
        %swap3A_388 = arith.index_cast %add3A_278 : i32 to index
        %swap3A_389 = arith.constant 112 : index
        %swap3A_390 = tpu.vector_load %arg17[%swap3A_388, %swap3A_389] {strides = array<i32>} : memref<40x128xf32, #tpu.memory_space<vmem>>, vector<16xf32>,
        tpu.vector_store %arg17[%swap3A_388, %swap3A_389], %mul3A_387 {strides = array<i32>} : memref<40x128xf32, #tpu.memory_space<vmem>>, vector<16xf32>,
      }
      %scan3A_248 = arith.constant 40 : i32
      %add3A_249 = arith.constant 3 : i32
      %add3A_250 = arith.addi %mul3A_165, %add3A_249 : i32
      %lt3A_251 = arith.constant 250 : i32
      %lt3A_252 = arith.cmpi slt, %add3A_250, %lt3A_251 : i32
      %convert_element_type3A_253 = arith.extui %lt3A_252 : i1 to i32
      %cond3A_254 = arith.constant 0 : i32
      %cond3A_255 = arith.cmpi ne, %convert_element_type3A_253, %cond3A_254 : i32
      scf.if %cond3A_255 {
        %dma_wait3A_274 = arith.constant 0 : i32
        %dma_wait3A_275 = arith.constant 0 : i32
        %dma_wait3A_276 = arith.constant 0 : i32
        %dma_wait3A_277 = arith.constant 0 : i32
        %dma_wait3A_278 = tpu.memref_slice %arg4[%add3A, %dma_wait3A_275, %dma_wait3A_276, %dma_wait3A_277] : memref<32x250x2x40xi32, #tpu.memory_space<hbm>> -> memref<1x250x2x40xi32, #tpu.memory_space<hbm>>
        %dma_wait3A_279 = tpu.memref_squeeze %dma_wait3A_278 : memref<1x250x2x40xi32, #tpu.memory_space<hbm>> -> memref<250x2x40xi32, #tpu.memory_space<hbm>>
        %dma_wait3A_280 = arith.constant 0 : i32
        %dma_wait3A_281 = arith.constant 0 : i32
        %dma_wait3A_282 = tpu.memref_slice %dma_wait3A_279[%dma_wait3A_274, %dma_wait3A_280, %dma_wait3A_281] : memref<250x2x40xi32, #tpu.memory_space<hbm>> -> memref<1x2x40xi32, #tpu.memory_space<hbm>>
        %dma_wait3A_283 = tpu.memref_squeeze %dma_wait3A_282 : memref<1x2x40xi32, #tpu.memory_space<hbm>> -> memref<2x40xi32, #tpu.memory_space<hbm>>
        %dma_wait3A_284 = arith.constant 0 : i32
        %dma_wait3A_285 = arith.constant 0 : i32
        %dma_wait3A_286 = arith.constant 0 : i32
        %dma_wait3A_287 = tpu.memref_slice %arg4[%add3A, %dma_wait3A_284, %dma_wait3A_285, %dma_wait3A_286] : memref<32x250x2x40xi32, #tpu.memory_space<hbm>> -> memref<1x250x2x40xi32, #tpu.memory_space<hbm>>
        %dma_wait3A_288 = tpu.memref_squeeze %dma_wait3A_287 : memref<1x250x2x40xi32, #tpu.memory_space<hbm>> -> memref<250x2x40xi32, #tpu.memory_space<hbm>>
        %dma_wait3A_289 = arith.constant 0 : i32
        %dma_wait3A_290 = arith.constant 0 : i32
        %dma_wait3A_291 = tpu.memref_slice %dma_wait3A_288[%dma_wait3A_274, %dma_wait3A_289, %dma_wait3A_290] : memref<250x2x40xi32, #tpu.memory_space<hbm>> -> memref<1x2x40xi32, #tpu.memory_space<hbm>>
        %dma_wait3A_292 = tpu.memref_squeeze %dma_wait3A_291 : memref<1x2x40xi32, #tpu.memory_space<hbm>> -> memref<2x40xi32, #tpu.memory_space<hbm>>
        tpu.wait_dma2 semaphore(%arg21 : memref<!tpu.dma_semaphore, #tpu.memory_space<semaphore_mem>>) src(%dma_wait3A_292 : memref<2x40xi32, #tpu.memory_space<hbm>>) dst(%arg11 : memref<2x40xi32, #tpu.memory_space<vmem>>)
        %dma_start3A_293 = arith.constant 0 : i32
        %dma_start3A_294 = arith.constant 0 : i32
        %dma_start3A_295 = tpu.memref_slice %arg11[%dma_start3A_293, %dma_start3A_294] : memref<2x40xi32, #tpu.memory_space<vmem>> -> memref<1x40xi32, #tpu.memory_space<vmem>>
        %dma_start3A_296 = tpu.memref_squeeze %dma_start3A_295 : memref<1x40xi32, #tpu.memory_space<vmem>> -> memref<40xi32, #tpu.memory_space<vmem>>
        %dma_start3A_297 = arith.constant 0 : i32
        %dma_start3A_298 = arith.constant 0 : i32
        %dma_start3A_299 = tpu.memref_slice %arg2[%dma_start3A_297, %dma_start3A_298] : memref<10000x128xf32, #tpu.memory_space<hbm>> -> memref<10000x128xf32, #tpu.memory_space<hbm>>
        tpu.enqueue_indirect_dma source(%dma_start3A_299 : memref<10000x128xf32, #tpu.memory_space<hbm>>) target(%arg13 : memref<40x128xf32, #tpu.memory_space<vmem>>) offsets(%dma_start3A_296 : memref<40xi32, #tpu.memory_space<vmem>>) semaphore(%arg23 : memref<!tpu.dma_semaphore, #tpu.memory_space<semaphore_mem>>)
        %dma_start3A_300 = arith.constant 1 : i32
        %dma_start3A_301 = arith.constant 0 : i32
        %dma_start3A_302 = tpu.memref_slice %arg11[%dma_start3A_300, %dma_start3A_301] : memref<2x40xi32, #tpu.memory_space<vmem>> -> memref<1x40xi32, #tpu.memory_space<vmem>>
        %dma_start3A_303 = tpu.memref_squeeze %dma_start3A_302 : memref<1x40xi32, #tpu.memory_space<vmem>> -> memref<40xi32, #tpu.memory_space<vmem>>
        %dma_start3A_304 = arith.constant 0 : i32
        %dma_start3A_305 = arith.constant 0 : i32
        %dma_start3A_306 = tpu.memref_slice %arg3[%dma_start3A_304, %dma_start3A_305] : memref<512x256xf32, #tpu.memory_space<hbm>> -> memref<512x256xf32, #tpu.memory_space<hbm>>
        tpu.enqueue_indirect_dma source(%dma_start3A_306 : memref<512x256xf32, #tpu.memory_space<hbm>>) target(%arg15 : memref<40x256xf32, #tpu.memory_space<vmem>>) offsets(%dma_start3A_303 : memref<40xi32, #tpu.memory_space<vmem>>) semaphore(%arg25 : memref<!tpu.dma_semaphore, #tpu.memory_space<semaphore_mem>>)
      } else {
      }
      %dma_wait3A_256 = arith.constant 0 : i32
      %dma_wait3A_257 = arith.constant 0 : i32
      %dma_wait3A_258 = arith.constant 0 : i32
      %dma_wait3A_259 = tpu.memref_slice %arg5[%add3A, %dma_wait3A_257, %dma_wait3A_258] : memref<32x250x40xi32, #tpu.memory_space<hbm>> -> memref<1x250x40xi32, #tpu.memory_space<hbm>>
      %dma_wait3A_260 = tpu.memref_squeeze %dma_wait3A_259 : memref<1x250x40xi32, #tpu.memory_space<hbm>> -> memref<250x40xi32, #tpu.memory_space<hbm>>
      %dma_wait3A_261 = arith.constant 0 : i32
      %dma_wait3A_262 = tpu.memref_slice %dma_wait3A_260[%dma_wait3A_256, %dma_wait3A_261] : memref<250x40xi32, #tpu.memory_space<hbm>> -> memref<1x40xi32, #tpu.memory_space<hbm>>
      %dma_wait3A_263 = tpu.memref_squeeze %dma_wait3A_262 : memref<1x40xi32, #tpu.memory_space<hbm>> -> memref<40xi32, #tpu.memory_space<hbm>>
      %dma_wait3A_264 = arith.constant 0 : i32
      %dma_wait3A_265 = arith.constant 0 : i32
      %dma_wait3A_266 = tpu.memref_slice %arg5[%add3A, %dma_wait3A_264, %dma_wait3A_265] : memref<32x250x40xi32, #tpu.memory_space<hbm>> -> memref<1x250x40xi32, #tpu.memory_space<hbm>>
      %dma_wait3A_267 = tpu.memref_squeeze %dma_wait3A_266 : memref<1x250x40xi32, #tpu.memory_space<hbm>> -> memref<250x40xi32, #tpu.memory_space<hbm>>
      %dma_wait3A_268 = arith.constant 0 : i32
      %dma_wait3A_269 = tpu.memref_slice %dma_wait3A_267[%dma_wait3A_256, %dma_wait3A_268] : memref<250x40xi32, #tpu.memory_space<hbm>> -> memref<1x40xi32, #tpu.memory_space<hbm>>
      %dma_wait3A_270 = tpu.memref_squeeze %dma_wait3A_269 : memref<1x40xi32, #tpu.memory_space<hbm>> -> memref<40xi32, #tpu.memory_space<hbm>>
      tpu.wait_dma2 semaphore(%arg19 : memref<!tpu.dma_semaphore, #tpu.memory_space<semaphore_mem>>) src(%dma_wait3A_270 : memref<40xi32, #tpu.memory_space<hbm>>) dst(%arg9 : memref<40xi32, #tpu.memory_space<vmem>>)
      %dma_start3A_271 = arith.constant 0 : i32
      %dma_start3A_272 = arith.constant 0 : i32
      %dma_start3A_273 = tpu.memref_slice %arg7[%dma_start3A_271, %dma_start3A_272] : memref<10000x128xf32, #tpu.memory_space<vmem_shared>> -> memref<10000x128xf32, #tpu.memory_space<vmem_shared>>
      tpu.enqueue_indirect_dma source(%arg17 : memref<40x128xf32, #tpu.memory_space<vmem>>) target(%dma_start3A_273 : memref<10000x128xf32, #tpu.memory_space<vmem_shared>>) offsets(%arg9 : memref<40xi32, #tpu.memory_space<vmem>>) semaphore(%arg27 : memref<!tpu.dma_semaphore, #tpu.memory_space<semaphore_mem>>) {add = true}
    }
    %scan3A_146 = arith.constant 125 : i32
    %dma_wait3A_147 = arith.constant 0 : i32
    %dma_wait3A_148 = arith.constant 0 : i32
    %dma_wait3A_149 = tpu.memref_slice %arg7[%dma_wait3A_147, %dma_wait3A_148] : memref<10000x128xf32, #tpu.memory_space<vmem_shared>> -> memref<10000x128xf32, #tpu.memory_space<vmem_shared>>
    tpu.wait_indirect_dma semaphore(%arg26 : memref<!tpu.dma_semaphore, #tpu.memory_space<semaphore_mem>>) src(%arg16 : memref<40x128xf32, #tpu.memory_space<vmem>>) dst(%dma_wait3A_149 : memref<10000x128xf32, #tpu.memory_space<vmem_shared>>)
    %dma_wait3A_150 = arith.constant 0 : i32
    %dma_wait3A_151 = arith.constant 0 : i32
    %dma_wait3A_152 = tpu.memref_slice %arg7[%dma_wait3A_150, %dma_wait3A_151] : memref<10000x128xf32, #tpu.memory_space<vmem_shared>> -> memref<10000x128xf32, #tpu.memory_space<vmem_shared>>
    tpu.wait_indirect_dma semaphore(%arg27 : memref<!tpu.dma_semaphore, #tpu.memory_space<semaphore_mem>>) src(%arg17 : memref<40x128xf32, #tpu.memory_space<vmem>>) dst(%dma_wait3A_152 : memref<10000x128xf32, #tpu.memory_space<vmem_shared>>)
    %barrier3A_153 = arith.constant 0 : index
    tpu.barrier barrier_id(%barrier3A_153)
    %scan3A_154 = arith.constant 0 : i32
    %scan3A_155 = arith.constant 16 : i32
    %scan3A_156 = arith.addi %scan3A_154, %scan3A_155 : i32
    %scan3A_157 = arith.constant 1 : i32
    scf.for %scan3A_159 = %scan3A_154 to %scan3A_156 step %scan3A_157  : i32 {
      %mul3A_160 = arith.constant 1 : i32
      %mul3A_161 = arith.muli %scan3A_159, %mul3A_160 : i32
      %add3A_162 = arith.constant 0 : i32
      %add3A_163 = arith.addi %add3A_162, %mul3A_161 : i32
      %mul3A_164 = arith.constant 16 : i32
      %mul3A_165 = arith.muli %add3A_163, %mul3A_164 : i32
      %add3A_166 = arith.addi %mul3A_165, %arg1 : i32
      %lt3A = arith.constant 250 : i32
      %lt3A_167 = arith.cmpi slt, %add3A_166, %lt3A : i32
      %convert_element_type3A = arith.extui %lt3A_167 : i1 to i32
      %cond3A = arith.constant 0 : i32
      %cond3A_168 = arith.cmpi ne, %convert_element_type3A, %cond3A : i32
      scf.if %cond3A_168 {
        %mul3A_169 = arith.constant 40 : i32
        %mul3A_170 = arith.muli %add3A_166, %mul3A_169 : i32
        "tpu.region"() ({
          %run_scoped3A = tpu.sem_alloc : memref<!tpu.dma_semaphore, #tpu.memory_space<semaphore_mem>>
          %dma_start3A_171 = arith.constant 0 : i32
          %dma_start3A_172 = arith.constant 0 : i32
          %dma_start3A_173 = tpu.memref_slice %arg6[%arg0, %dma_start3A_171, %dma_start3A_172] : memref<2x10000x128xf32, #tpu.memory_space<hbm>> -> memref<1x10000x128xf32, #tpu.memory_space<hbm>>
          %dma_start3A_174 = tpu.memref_squeeze %dma_start3A_173 : memref<1x10000x128xf32, #tpu.memory_space<hbm>> -> memref<10000x128xf32, #tpu.memory_space<hbm>>
          %dma_start3A_175 = arith.constant 0 : i32
          %dma_start3A_176 = tpu.memref_slice %dma_start3A_174[%mul3A_170, %dma_start3A_175] : memref<10000x128xf32, #tpu.memory_space<hbm>> -> memref<40x128xf32, #tpu.memory_space<hbm>>
          %dma_start3A_177 = arith.constant 0 : i32
          %dma_start3A_178 = tpu.memref_slice %arg7[%mul3A_170, %dma_start3A_177] : memref<10000x128xf32, #tpu.memory_space<vmem_shared>> -> memref<40x128xf32, #tpu.memory_space<vmem_shared>>
          tpu.enqueue_dma source(%dma_start3A_178 : memref<40x128xf32, #tpu.memory_space<vmem_shared>>) target(%dma_start3A_176 : memref<40x128xf32, #tpu.memory_space<hbm>>) target_semaphore(%run_scoped3A : memref<!tpu.dma_semaphore, #tpu.memory_space<semaphore_mem>>)
          %dma_wait3A_179 = arith.constant 0 : i32
          %dma_wait3A_180 = arith.constant 0 : i32
          %dma_wait3A_181 = tpu.memref_slice %arg6[%arg0, %dma_wait3A_179, %dma_wait3A_180] : memref<2x10000x128xf32, #tpu.memory_space<hbm>> -> memref<1x10000x128xf32, #tpu.memory_space<hbm>>
          %dma_wait3A_182 = tpu.memref_squeeze %dma_wait3A_181 : memref<1x10000x128xf32, #tpu.memory_space<hbm>> -> memref<10000x128xf32, #tpu.memory_space<hbm>>
          %dma_wait3A_183 = arith.constant 0 : i32
          %dma_wait3A_184 = tpu.memref_slice %dma_wait3A_182[%mul3A_170, %dma_wait3A_183] : memref<10000x128xf32, #tpu.memory_space<hbm>> -> memref<40x128xf32, #tpu.memory_space<hbm>>
          %dma_wait3A_185 = arith.constant 0 : i32
          %dma_wait3A_186 = tpu.memref_slice %arg7[%mul3A_170, %dma_wait3A_185] : memref<10000x128xf32, #tpu.memory_space<vmem_shared>> -> memref<40x128xf32, #tpu.memory_space<vmem_shared>>
          tpu.wait_dma2 semaphore(%run_scoped3A : memref<!tpu.dma_semaphore, #tpu.memory_space<semaphore_mem>>) src(%dma_wait3A_186 : memref<40x128xf32, #tpu.memory_space<vmem_shared>>) dst(%dma_wait3A_184 : memref<40x128xf32, #tpu.memory_space<hbm>>)
          tpu.yield
        }) : () -> ()
      } else {
      }
    }
    %scan3A_158 = arith.constant 16 : i32
    return
  }
}

module attributes {stable_mosaic.version = 14 : i64} {
  func.func @body(%arg0: memref<10000x128xf32, #tpu.memory_space<vmem>>, %arg1: memref<512x128xf32, #tpu.memory_space<vmem>>, %arg2: memref<512xf32, #tpu.memory_space<vmem>>, %arg3: memref<128x128xf32, #tpu.memory_space<vmem>>, %arg4: memref<10000x128xf32, #tpu.memory_space<vmem>>, %arg5: memref<512x256xf32, #tpu.memory_space<vmem>>) attributes {dimension_semantics = [], scalar_prefetch = 0 : i64, scratch_operands = 0 : i64, tpu.core_type = #tpu.core_type<tc>} {
    %get3A = arith.constant 0 : index
    %get3A_0 = arith.constant 0 : index
    %get3A_1 = vector.load %arg3[%get3A, %get3A_0] : memref<128x128xf32, #tpu.memory_space<vmem>>, vector<128x128xf32>
    %get3A_2 = arith.constant 0 : index
    %get3A_3 = arith.constant 0 : index
    %get3A_4 = vector.load %arg0[%get3A_2, %get3A_3] : memref<10000x128xf32, #tpu.memory_space<vmem>>, vector<10000x128xf32>
    %dot_general3A = arith.constant dense<0.000000e+00> : vector<10000x128xf32>
    %dot_general3A_5 = tpu.matmul %get3A_4, %get3A_1, %dot_general3A {dimension_numbers = #tpu.dot_dimension_numbers<[1], [0], [0], [1], [0, 0, 1, 1], [], []>, transpose_lhs_hint = false} : vector<10000x128xf32>, vector<128x128xf32>, vector<10000x128xf32> -> vector<10000x128xf32>
    %swap3A = arith.constant 0 : index
    %swap3A_6 = arith.constant 0 : index
    %swap3A_7 = vector.load %arg4[%swap3A, %swap3A_6] : memref<10000x128xf32, #tpu.memory_space<vmem>>, vector<10000x128xf32>
    tpu.vector_store %arg4[%swap3A, %swap3A_6], %dot_general3A_5 {strides = array<i32>} : memref<10000x128xf32, #tpu.memory_space<vmem>>, vector<10000x128xf32>,
    %get3A_8 = arith.constant 0 : index
    %get3A_9 = arith.constant 0 : index
    %get3A_10 = vector.load %arg1[%get3A_8, %get3A_9] : memref<512x128xf32, #tpu.memory_space<vmem>>, vector<512x128xf32>
    %dot_general3A_11 = arith.constant dense<0.000000e+00> : vector<512x128xf32>
    %dot_general3A_12 = tpu.matmul %get3A_10, %get3A_1, %dot_general3A_11 {dimension_numbers = #tpu.dot_dimension_numbers<[1], [0], [0], [1], [0, 0, 1, 1], [], []>, transpose_lhs_hint = false} : vector<512x128xf32>, vector<128x128xf32>, vector<512x128xf32> -> vector<512x128xf32>
    %swap3A_13 = arith.constant 0 : index
    %swap3A_14 = arith.constant 0 : index
    %swap3A_15 = vector.load %arg5[%swap3A_13, %swap3A_14] : memref<512x256xf32, #tpu.memory_space<vmem>>, vector<512x128xf32>
    tpu.vector_store %arg5[%swap3A_13, %swap3A_14], %dot_general3A_12 {strides = array<i32>} : memref<512x256xf32, #tpu.memory_space<vmem>>, vector<512x128xf32>,
    %get3A_16 = arith.constant 0 : index
    %get3A_17 = vector.load %arg2[%get3A_16] : memref<512xf32, #tpu.memory_space<vmem>>, vector<512xf32>
    %broadcast_in_dim3A = vector.shape_cast %get3A_17 : vector<512xf32> to vector<512x1xf32>
    %broadcast_in_dim3A_18 = vector.shape_cast %broadcast_in_dim3A : vector<512x1xf32> to vector<512x1xf32>
    %broadcast_in_dim3A_19 = vector.broadcast %broadcast_in_dim3A_18 : vector<512x1xf32> to vector<512x128xf32>
    %swap3A_20 = arith.constant 0 : index
    %swap3A_21 = arith.constant 128 : index
    %swap3A_22 = vector.load %arg5[%swap3A_20, %swap3A_21] : memref<512x256xf32, #tpu.memory_space<vmem>>, vector<512x128xf32>
    tpu.vector_store %arg5[%swap3A_20, %swap3A_21], %broadcast_in_dim3A_19 {strides = array<i32>} : memref<512x256xf32, #tpu.memory_space<vmem>>, vector<512x128xf32>,
    return
  }
}

module attributes {stable_mosaic.version = 14 : i64} {
  func.func @body(%arg0: memref<10000x128xf32, #tpu.memory_space<vmem>>, %arg1: memref<2x10000x128xf32, #tpu.memory_space<vmem>>, %arg2: memref<128x128xf32, #tpu.memory_space<vmem>>, %arg3: memref<128x128xf32, #tpu.memory_space<vmem>>, %arg4: memref<10000x128xf32, #tpu.memory_space<vmem>>) attributes {dimension_semantics = [], scalar_prefetch = 0 : i64, scratch_operands = 0 : i64, tpu.core_type = #tpu.core_type<tc>} {
    %get3A = arith.constant 0 : index
    %get3A_0 = arith.constant 0 : index
    %get3A_1 = arith.constant 0 : index
    %get3A_2 = vector.load %arg1[%get3A, %get3A_0, %get3A_1] : memref<2x10000x128xf32, #tpu.memory_space<vmem>>, vector<1x10000x128xf32>
    %get3A_3 = vector.shape_cast %get3A_2 : vector<1x10000x128xf32> to vector<10000x128xf32>
    %get3A_4 = arith.constant 1 : index
    %get3A_5 = arith.constant 0 : index
    %get3A_6 = arith.constant 0 : index
    %get3A_7 = vector.load %arg1[%get3A_4, %get3A_5, %get3A_6] : memref<2x10000x128xf32, #tpu.memory_space<vmem>>, vector<1x10000x128xf32>
    %get3A_8 = vector.shape_cast %get3A_7 : vector<1x10000x128xf32> to vector<10000x128xf32>
    %add3A = arith.addf %get3A_3, %get3A_8 : vector<10000x128xf32>
    %get3A_9 = arith.constant 0 : index
    %get3A_10 = arith.constant 0 : index
    %get3A_11 = vector.load %arg0[%get3A_9, %get3A_10] : memref<10000x128xf32, #tpu.memory_space<vmem>>, vector<10000x128xf32>
    %get3A_12 = arith.constant 0 : index
    %get3A_13 = arith.constant 0 : index
    %get3A_14 = vector.load %arg2[%get3A_12, %get3A_13] : memref<128x128xf32, #tpu.memory_space<vmem>>, vector<128x128xf32>
    %dot_general3A = arith.constant dense<0.000000e+00> : vector<10000x128xf32>
    %dot_general3A_15 = tpu.matmul %get3A_11, %get3A_14, %dot_general3A {dimension_numbers = #tpu.dot_dimension_numbers<[1], [0], [0], [1], [0, 0, 1, 1], [], []>, transpose_lhs_hint = false} : vector<10000x128xf32>, vector<128x128xf32>, vector<10000x128xf32> -> vector<10000x128xf32>
    %get3A_16 = arith.constant 0 : index
    %get3A_17 = arith.constant 0 : index
    %get3A_18 = vector.load %arg3[%get3A_16, %get3A_17] : memref<128x128xf32, #tpu.memory_space<vmem>>, vector<128x128xf32>
    %dot_general3A_19 = arith.constant dense<0.000000e+00> : vector<10000x128xf32>
    %dot_general3A_20 = tpu.matmul %add3A, %get3A_18, %dot_general3A_19 {dimension_numbers = #tpu.dot_dimension_numbers<[1], [0], [0], [1], [0, 0, 1, 1], [], []>, transpose_lhs_hint = false} : vector<10000x128xf32>, vector<128x128xf32>, vector<10000x128xf32> -> vector<10000x128xf32>
    %add3A_21 = arith.addf %dot_general3A_15, %dot_general3A_20 : vector<10000x128xf32>
    %max3A = arith.constant 0.000000e+00 : f32
    %max3A_22 = vector.broadcast %max3A : f32 to vector<10000x128xf32>
    %max3A_23 = arith.maximumf %add3A_21, %max3A_22 : vector<10000x128xf32>
    %swap3A = arith.constant 0 : index
    %swap3A_24 = arith.constant 0 : index
    %swap3A_25 = vector.load %arg4[%swap3A, %swap3A_24] : memref<10000x128xf32, #tpu.memory_space<vmem>>, vector<10000x128xf32>
    tpu.vector_store %arg4[%swap3A, %swap3A_24], %max3A_23 {strides = array<i32>} : memref<10000x128xf32, #tpu.memory_space<vmem>>, vector<10000x128xf32>,
    return
  }
}

module attributes {stable_mosaic.version = 14 : i64} {
  func.func @body(%arg0: memref<10000x128xf32, #tpu.memory_space<vmem>>, %arg1: memref<2x10000x128xf32, #tpu.memory_space<vmem>>, %arg2: memref<128x128xf32, #tpu.memory_space<vmem>>, %arg3: memref<128x128xf32, #tpu.memory_space<vmem>>, %arg4: memref<10000x128xf32, #tpu.memory_space<vmem>>) attributes {dimension_semantics = [], scalar_prefetch = 0 : i64, scratch_operands = 0 : i64, tpu.core_type = #tpu.core_type<tc>} {
    %get3A = arith.constant 0 : index
    %get3A_0 = arith.constant 0 : index
    %get3A_1 = arith.constant 0 : index
    %get3A_2 = vector.load %arg1[%get3A, %get3A_0, %get3A_1] : memref<2x10000x128xf32, #tpu.memory_space<vmem>>, vector<1x10000x128xf32>
    %get3A_3 = vector.shape_cast %get3A_2 : vector<1x10000x128xf32> to vector<10000x128xf32>
    %get3A_4 = arith.constant 1 : index
    %get3A_5 = arith.constant 0 : index
    %get3A_6 = arith.constant 0 : index
    %get3A_7 = vector.load %arg1[%get3A_4, %get3A_5, %get3A_6] : memref<2x10000x128xf32, #tpu.memory_space<vmem>>, vector<1x10000x128xf32>
    %get3A_8 = vector.shape_cast %get3A_7 : vector<1x10000x128xf32> to vector<10000x128xf32>
    %add3A = arith.addf %get3A_3, %get3A_8 : vector<10000x128xf32>
    %get3A_9 = arith.constant 0 : index
    %get3A_10 = arith.constant 0 : index
    %get3A_11 = vector.load %arg0[%get3A_9, %get3A_10] : memref<10000x128xf32, #tpu.memory_space<vmem>>, vector<10000x128xf32>
    %get3A_12 = arith.constant 0 : index
    %get3A_13 = arith.constant 0 : index
    %get3A_14 = vector.load %arg2[%get3A_12, %get3A_13] : memref<128x128xf32, #tpu.memory_space<vmem>>, vector<128x128xf32>
    %dot_general3A = arith.constant dense<0.000000e+00> : vector<10000x128xf32>
    %dot_general3A_15 = tpu.matmul %get3A_11, %get3A_14, %dot_general3A {dimension_numbers = #tpu.dot_dimension_numbers<[1], [0], [0], [1], [0, 0, 1, 1], [], []>, transpose_lhs_hint = false} : vector<10000x128xf32>, vector<128x128xf32>, vector<10000x128xf32> -> vector<10000x128xf32>
    %get3A_16 = arith.constant 0 : index
    %get3A_17 = arith.constant 0 : index
    %get3A_18 = vector.load %arg3[%get3A_16, %get3A_17] : memref<128x128xf32, #tpu.memory_space<vmem>>, vector<128x128xf32>
    %dot_general3A_19 = arith.constant dense<0.000000e+00> : vector<10000x128xf32>
    %dot_general3A_20 = tpu.matmul %add3A, %get3A_18, %dot_general3A_19 {dimension_numbers = #tpu.dot_dimension_numbers<[1], [0], [0], [1], [0, 0, 1, 1], [], []>, transpose_lhs_hint = false} : vector<10000x128xf32>, vector<128x128xf32>, vector<10000x128xf32> -> vector<10000x128xf32>
    %add3A_21 = arith.addf %dot_general3A_15, %dot_general3A_20 : vector<10000x128xf32>
    %max3A = arith.constant 0.000000e+00 : f32
    %max3A_22 = vector.broadcast %max3A : f32 to vector<10000x128xf32>
    %max3A_23 = arith.maximumf %add3A_21, %max3A_22 : vector<10000x128xf32>
    %swap3A = arith.constant 0 : index
    %swap3A_24 = arith.constant 0 : index
    %swap3A_25 = vector.load %arg4[%swap3A, %swap3A_24] : memref<10000x128xf32, #tpu.memory_space<vmem>>, vector<10000x128xf32>
    tpu.vector_store %arg4[%swap3A, %swap3A_24], %max3A_23 {strides = array<i32>} : memref<10000x128xf32, #tpu.memory_space<vmem>>, vector<10000x128xf32>,
    return
  }
}

</mosaic_0001>

<sc_bundles>
// kernel: kernel.12.cloned.1.call-start
scs
__scs_entry_jumppad:
0x0: {  	(pc) =	sbr.rel $0x88, $3  }
0x1: {  	(tag) =	ssettag $0x0;
	lr =	simm.s32 $0x1  }
0x2: {  	[smem:$0x3F95] =	sst lr;
	_ =	strace $0xD0000000  }
0x3: {  	_ = 	snop  }
0x4: {  	_ = 	snop  }
0x5: {  	_ = 	snop  }
0x6: {  	_ = 	snop  }
0x7: {  	_ = 	snop  }
__scs_overlays_trampoline_lowered:
0x8: {  	[smem:$0x3FA4] =	sst s0  }
0x9: {  	[smem:$0x3FA5] =	sst s1  }
0xa: {  	[smem:$0x3FA6] =	sst s2  }
0xb: {  	[smem:$0x3FA7] =	sst s3  }
0xc: {  	[smem:$0x3FA8] =	sst s4  }
0xd: {  	[smem:$0x3FA9] =	sst s5  }
0xe: {  	[smem:$0x3FAA] =	sst s6  }
0xf: {  	[smem:$0x3FAB] =	sst s7  }
0x10: {  	[smem:$0x3FAC] =	sst s8  }
0x11: {  	[smem:$0x3FAD] =	sst s9;
	s0 =	simm.s32 @!p0 $0x0  }
0x12: {  	s1 =	sld [smem:$0x3F93];
	s0 =	simm.s32 @p0 $0x1  }
0x13: {  	[smem:$0x3FAE] =	sst s0;
	s0 =	simm.s32 @!p1 $0x0  }
0x14: {  	s2 =	sld [smem:$0x3F92];
	s0 =	simm.s32 @p1 $0x1  }
0x15: {  	[smem:$0x3FAF] =	sst s0;
	s0 =	simm.s32 @!p2 $0x0  }
0x16: {  	s3 =	sld [smem:$0x3FDB];
	s0 =	simm.s32 @p2 $0x1  }
0x17: {  	s4 =	simm.s32 $0x1BF5;
	[smem:$0x3FB1] =	sst s0  }
0x18: {  	s0 =	sld [smem:$0x3F94];
	_ =	swait.ge [sflag:s4], $0x0  }
0x19: {  	s7 =	sld [smem:$0x3F95]  }
0x1a: {  	s8 =	sadd.s32 $0xFFFFE003, lr  }
0x1b: {  	s9 =	sadd.s32 $0xFFFFFEF7, lr;
	s5 =	simm.s32 $0xFFFFFFFF;
	p2 =	slt.u32 s8, $0xFFFFF086  }
0x1c: {  	p1 =	slt.u32 s9, $0xF7A;
	s5 =	simm.s32 @!p2 $0x0  }
0x1d: {  	s5 =	simm.s32 @p1 $0x1;
	p0 =	seq.s32 s7, s2  }
0x1e: {  	s7 =	smul.u32 @!p0 $0xF7A, s2;
	p2 =	seq.s32 @!p0 s5, $0x0  }
0x1f: {  	s9 =	smul.u32 $0xF7A, s1;
	s8 =	simm.s32 @!p0 $0x1BF5;
	p2 =	por !p2, p0  }
0x20: {  	[sflag:s8] =	ssyncset.s32 @!p0 $0xFFFFF086;
	s6 =	sadd.s32 @!p0 s3, s7;
	s7 =	simm.s32 @!p0 $0x108  }
0x21: {  	s3 =	sadd.s32 s3, s9;
	s6 =	sadd.s32 @!p0 $0x88, s6;
	s7 =	simm.s32 @p2 $0x1082  }
0x22: {  	[simem:s7], [sflag:s8] =	dma.local @!p0 [hbm:s6], $0xF7A  }
0x23: {  	s9 =	sor.u32 $0xD0000000, s2;
	s6 =	simm.s32 $0x108;
	_ =	swait.ge @!p0 [sflag:s8], $0x0  }
0x24: {  	s3 =	sadd.s32 $0x88, s3;
	s6 =	simm.s32 @!p1 $0x1082;
	[sflag:s4] =	ssyncset.s32 $0xFFFFF086  }
0x25: {  	[simem:s6], [sflag:s4] =	dma.local [hbm:s3], $0xF7A  }
0x26: {  	[smem:$0x3F95] =	sst s1;
	(tag) =	ssettag s2;
	_ =	strace s9  }
0x27: {  	s1 =	sld [smem:$0x3FA5]  }
0x28: {  	s2 =	sld [smem:$0x3FA6]  }
0x29: {  	s4 =	sld [smem:$0x3FA8]  }
0x2a: {  	p0 =	seq.s32 s5, $0x0;
	s5 =	sld [smem:$0x3FA9]  }
0x2b: {  	s6 =	sld [smem:$0x3FAA]  }
0x2c: {  	s7 =	sld [smem:$0x3FAB]  }
0x2d: {  	s3 =	simm.s32 $0x108;
	s8 =	sld [smem:$0x3FAC]  }
0x2e: {  	s3 =	simm.s32 @!p0 $0x1082;
	s9 =	sld [smem:$0x3FAD]  }
0x2f: {  	lr =	sadd.s32 s0, s3;
	s0 =	sld [smem:$0x3FA4]  }
0x30: {  	s3 =	sld [smem:$0x3FA7]  }
0x31: {  	[smem:$0x3FB0] =	sst s10  }
0x32: {  	s10 =	sld [smem:$0x3FAE];
	_ =	sdelay $0x3  }
0x33: {  	p0 =	seq.s32 s10, $0x1;
	s10 =	sld [smem:$0x3FB0];
	_ =	sdelay $0x3  }
0x34: {  	[smem:$0x3FB0] =	sst s10  }
0x35: {  	s10 =	sld [smem:$0x3FAF];
	_ =	sdelay $0x3  }
0x36: {  	p1 =	seq.s32 s10, $0x1;
	s10 =	sld [smem:$0x3FB0];
	_ =	sdelay $0x3  }
0x37: {  	[smem:$0x3FB0] =	sst s10  }
0x38: {  	s10 =	sld [smem:$0x3FB1]  }
0x39: {  	_ = 	snop;
	(pc) =	sbr.ind lr, $3  }
0x3a: {  	_ = 	snop  }
0x3b: {  	_ = 	snop  }
0x3c: {  	p2 =	seq.s32 s10, $0x1;
	s10 =	sld [smem:$0x3FB0]  }
0x3d: {  	_ =	shalt  }
0x3e: {  	_ =	shalt  }
0x3f: {  	_ =	shalt  }
0x40: {  	_ =	shalt  }
0x41: {  	_ =	shalt  }
0x42: {  	_ =	shalt  }
0x43: {  	_ =	shalt  }
0x44: {  	_ =	shalt  }
0x45: {  	_ =	shalt  }
0x46: {  	_ =	shalt  }
0x47: {  	_ =	shalt  }
0x48: {  	_ =	shalt  }
0x49: {  	_ =	shalt  }
0x4a: {  	_ =	shalt  }
0x4b: {  	_ =	shalt  }
0x4c: {  	_ =	shalt  }
0x4d: {  	_ =	shalt  }
0x4e: {  	_ =	shalt  }
0x4f: {  	_ =	shalt  }
0x50: {  	_ =	shalt  }
0x51: {  	_ =	shalt  }
0x52: {  	_ =	shalt  }
0x53: {  	_ =	shalt  }
0x54: {  	_ =	shalt  }
0x55: {  	_ =	shalt  }
0x56: {  	_ =	shalt  }
0x57: {  	_ =	shalt  }
0x58: {  	_ =	shalt  }
0x59: {  	_ =	shalt  }
0x5a: {  	_ =	shalt  }
0x5b: {  	_ =	shalt  }
0x5c: {  	_ =	shalt  }
0x5d: {  	_ =	shalt  }
0x5e: {  	_ =	shalt  }
0x5f: {  	_ =	shalt  }
0x60: {  	_ =	shalt  }
0x61: {  	_ =	shalt  }
0x62: {  	_ =	shalt  }
0x63: {  	_ =	shalt  }
0x64: {  	_ =	shalt  }
0x65: {  	_ =	shalt  }
0x66: {  	_ =	shalt  }
0x67: {  	_ =	shalt  }
0x68: {  	_ =	shalt  }
0x69: {  	_ =	shalt  }
0x6a: {  	_ =	shalt  }
0x6b: {  	_ =	shalt  }
0x6c: {  	_ =	shalt  }
0x6d: {  	_ =	shalt  }
0x6e: {  	_ =	shalt  }
0x6f: {  	_ =	shalt  }
0x70: {  	_ =	shalt  }
0x71: {  	_ =	shalt  }
0x72: {  	_ =	shalt  }
0x73: {  	_ =	shalt  }
0x74: {  	_ =	shalt  }
0x75: {  	_ =	shalt  }
0x76: {  	_ =	shalt  }
0x77: {  	_ =	shalt  }
0x78: {  	_ =	shalt  }
0x79: {  	_ =	shalt  }
0x7a: {  	_ =	shalt  }
0x7b: {  	_ =	shalt  }
0x7c: {  	_ =	shalt  }
0x7d: {  	_ =	shalt  }
0x7e: {  	_ =	shalt  }
0x7f: {  	_ =	shalt  }
0x80: {  	_ =	shalt  }
0x81: {  	_ =	shalt  }
0x82: {  	_ =	shalt  }
0x83: {  	_ =	shalt  }
0x84: {  	_ =	shalt  }
0x85: {  	_ =	shalt  }
0x86: {  	_ =	shalt  }
0x87: {  	_ =	shalt  }
.Lfunc_end0:
.L_simem_size_0:
called_computation.1_lowered:
.L_overlay_start_0:
0x88: {  	s2 =	sld [smem:$0x3FD9]  }
0x89: {  	s3 =	sld [smem:$0x3FFE];
	_ =	sdelay $0x1  }
0x8a: {  	s1 =	srdreg.scid  }
0x8b: {  	s0 =	sand.u32 $0x1, s1  }
0x8c: {  	s17 =	sshll.u32 s0, $0xA;
	s2 =	sadd.s32 s3, s2  }
0x8d: {  	s2 =	sadd.s32 s2, s17  }
0x8e: {  	[smem:$0x3FBC] =	sst s2  }
0x8f: {  	_ = 	snop  }
0x90: {  	s2 =	sld [smem:$0x3FD0];
	(tm) =	ssettm $0x1  }
0x91: {  	s18 =	sld [smem:$0x3FFB];
	_ =	sdelay $0x3  }
0x92: {  	_ =	strace s18  }
0x93: {  	s3 =	sld [smem:$0x3FFC];
	_ =	sdelay $0x3  }
0x94: {  	_ =	strace s3  }
0x95: {  	s3 =	sld [smem:$0x3FFD];
	_ =	sdelay $0x3  }
0x96: {  	_ =	strace s3  }
0x97: {  	_ =	strace $0x8FFFFFFF  }
0x98: {  	s19 =	sld [smem:$0x3FDB];
	_ =	sdelay $0x1  }
0x99: {  	s4 =	simm.s32 $_scs_section_size  }
0x9a: {  	s5 =	simm.s32 $_size__tile_overlayer_lowered;
	s6 =	simm.s32 $_tile_overlayer_lowered  }
0x9b: {  	s22 =	simm.s32 $0x1BFF;
	s21 =	sshll.u32 s6, $0x1;
	s3 =	sadd.s32 s4, s19  }
0x9c: {  	s7 =	simm.s32 $0x0;
	s20 =	sshll.u32 s5, $0x1;
	s5 =	sadd.s32 s21, s3  }
0x9d: {  	[timem:s7], [sflag:s22] =	dma.local [hbm:s5], s20  }
0x9e: {  	_ =	swait.ge [sflag:s22], s20  }
0x9f: {  	s4 =	ssub.s32 $0x0, s20;
	[sflag:s22] =	ssyncset.done $0x0  }
0xa0: {  	[sflag:s22] =	ssyncadd.s32 s4;
	_ =	sdelay $0x1  }
0xa1: {  	s23 =	simm.s32 $0x1B8B  }
0xa2: {  	_ =	swait.ge [sflag:s23], $0x1  }
0xa3: {  	[sflag:s23] =	ssyncset.done $0x0  }
0xa4: {  	s25 =	simm.s32 $0x1B8E;
	s24 =	sld [smem:$0x3FFE];
	[sflag:s23] =	ssyncadd.s32 $0xFFFFFFFF  }
0xa5: {  	s26 =	simm.s32 $execute0_lowered;
	[smem:$0x3FD2] =	sst s25  }
0xa6: {  	s5 =	sshll.u32 s26, $0x1;
	_ =	strace $0x80000049;
	[dreg:$0x1] =	wrdreg $0xFFFFFFFF  }
0xa7: {  	s28 =	simm.s32 $_size_execute0_lowered;
	s3 =	sadd.s32 s3, s5;
	[dreg:$0x0] =	wrdreg $0x0  }
0xa8: {  	s5 =	sshll.u32 s28, $0x1;
	[dreg:$0x2] =	wrdreg s3  }
0xa9: {  	[dreg:$0x3] =	wrdreg s5  }
0xaa: {  	[dreg:$0x4] =	wrdreg $0xC0  }
0xab: {  	_ =	task [dreg:s7], $0x5FFFF  }
0xac: {  	[dreg:$0x1] =	wrdreg $0xFFFFFFFF  }
0xad: {  	[dreg:$0x0] =	wrdreg $0x60  }
0xae: {  	[dreg:$0x2] =	wrdreg s2  }
0xaf: {  	[dreg:$0x3] =	wrdreg s24  }
0xb0: {  	[dreg:$0x4] =	wrdreg $0x0  }
0xb1: {  	[dreg:$0x5] =	wrdreg $0x9  }
0xb2: {  	_ =	task.clear_ibuf [dreg:s7], $0x6FFFF;
	_ =	strace $0x90000049  }
0xb3: {  	s29 =	simm.s32 $0x9;
	_ =	strace $0x8000004B  }
0xb4: {  	_ =	swait.ge [sflag:s29], $0x1  }
0xb5: {  	[sflag:s29] =	ssyncadd.s32 $0xFFFFFFFF  }
0xb6: {  	_ =	strace $0x9000004B  }
0xb7: {  	_ =	sfence  }
0xb8: {  	s30 =	sld [smem:$0x0];
	_ =	sdelay $0x2  }
0xb9: {  	s31 =	sshll.u32 s1, $0xD;
	s1 =	sshrl.u32 s1, $0x2  }
0xba: {  	s3 =	sand.u32 $0x4000, s31;
	s1 =	sadd.s32 s1, s30  }
0xbb: {  	s0 =	sor.u32 s3, s0;
	s1 =	sshll.u32 s1, $0x11  }
0xbc: {  	s0 =	sor.u32 s1, s0  }
0xbd: {  	s0 =	sadd.s32 $0x8F2B, s0  }
0xbe: {  	[sflag:s0] =	ssyncadd.remote.s32 $0x1  }
0xbf: {  	_ =	sfence.sel $0xFFFF  }
0xc0: {  	[dreg:$0x0] =	wrdreg $0xFFFFFFFF;
	(pc) =	sbr.abs _section_cstart, $3  }
0xc1: {  	[dreg:$0x1] =	wrdreg $0xFFFFFFFF  }
0xc2: {  	_ =	task.clear_ibuf [dreg:s7], $0x2FFFF;
	_ =	strace $0x9FFFFFFF  }
0xc3: {  	(tm) =	ssettm $0x7FFFFFFF  }
tec
execute0_lowered:
.L_overlay_start_1:
0x0: {  	(tag) =	ssettag $0x1  }
0x1: {  	s1 =	rddreg [dreg:$0x0]  }
0x2: {  	s0 =	rddreg [dreg:$0x1]  }
0x3: {  	s2 =	rddreg [dreg:$0x2]  }
0x4: {  	s3 =	srdreg.scid;
	s4 =	simm.s32 $0x0;
	s15 =	simm.s32 $0x13880  }
0x5: {  	s16 =	simm.s32 $0x13900;
	s17 =	simm.s32 $0x3;
	s18 =	simm.s32 $0x28  }
0x6: {  	s28 =	simm.s32 $0x7;
	s29 =	simm.s32 $0x1;
	s31 =	simm.s32 $0x6  }
0x7: {  	s13 =	simm.s32 $0x1C780;
	s6 =	sand.u32 $0x1, s3;
	s3 =	stileid.u32  }
0x8: {  	[smem:$0x7FF] =	sst s4;
	s5 =	sshll.u32 s6, $0x4;
	s9 =	smul.u32 $0x27100, s6  }
0x9: {  	_ =	strace $0x8000004A;
	s6 =	ssub.s32 $0x2, s6;
	s10 =	smul.u32 $0x5000, s3  }
0xa: {  	s26 =	smul.u32 $0x280, s3;
	s7 =	sor.u32 s3, s5;
	s5 =	sadd.s32 $0x61200, s0  }
0xb: {  	s22 =	sshrl.u32 s6, $0x1;
	s8 =	smul.u32 $0x1F40, s7;
	s7 =	sshll.u32 s7, $0xC  }
0xc: {  	s6 =	ssub.s32 s6, s22;
	s25 =	sshrl.u32 s10, $0x2;
	[dreg:$0x7] =	wrdreg s26  }
0xd: {  	s26 =	simm.s32 $0x5;
	s7 =	sadd.s32 s7, s0;
	s24 =	smax.u32 s6, $0x1  }
0xe: {  	s8 =	sadd.s32 s8, s0;
	s0 =	sadd.s32 s9, s0;
	[dreg:$0x5] =	wrdreg s24  }
0xf: {  	s23 =	sadd.s32 $0x22A00, s8;
	s8 =	sadd.s32 $0x65200, s0;
	s0 =	sadd.s32 s25, s2  }
0x10: {  	v3 =	vlaneseq.u32;
	s10 =	simm.s32 $0x0;
	s7 =	sadd.s32 $0x2A00, s7;
	[dreg:$0x6] =	wrdreg s0  }
0x11: {  	v0 =	vimm.f32 $0.0e+00;
	vm0 =	vmmov $0xffff;
	v2 =	vshrl.u32 v3, $0x3;
	s9 =	simm.s32 $0x2;
	[dreg:$0x4] =	wrdreg s23;
	s30 =	sadd.s32 $0x20, s23  }
0x12: {  	v1 =	vand.u32 $0x7, v3;
	v3 =	vor.u32 $0x8, v3;
	v2 =	vmul.u32 $0x8, v2;
	s25 =	simm.s32 $0x9;
	s0 =	simm.s32 $0x8;
	[dreg:$0x8] =	wrdreg s30  }
.LBB2_1:
0x13: {  	[dreg:$0x9] =	wrdreg s10;
	s6 =	simm.s32 $0x0;
	s10 =	simm.s32 $0x200  }
.LBB2_2:
0x14: {  	p0 =	sne.s32 s10, $0x4E00;
	[tilespmem:s6+$0x13BF0] =	vst v0  }
0x15: {  	[tilespmem:s6+$0x13B80] =	vst v0  }
0x16: {  	[tilespmem:s6+$0x13B90] =	vst v0  }
.Ltmp0:
0x17: {  	[tilespmem:s6+$0x13BA0] =	vst v0;
	(pc) =	sbr.rel @p0 .LBB2_2-.Ltmp0, $4  }
0x18: {  	[tilespmem:s6+$0x13BB0] =	vst v0  }
0x19: {  	[tilespmem:s6+$0x13BC0] =	vst v0  }
0x1a: {  	[tilespmem:s6+$0x13BD0] =	vst v0  }
0x1b: {  	[tilespmem:s6+$0x13BE0] =	vst v0;
	s6 =	sshra.s32 s10, $0x2;
	s10 =	sadd.s32 $0x200, s10  }
0x1c: {  	[tilespmem:s6+$0x13BF0] =	vst v0  }
0x1d: {  	[tilespmem:s6+$0x13B80] =	vst v0  }
0x1e: {  	[tilespmem:s6+$0x13B90] =	vst v0  }
0x1f: {  	[tilespmem:s6+$0x13BA0] =	vst v0  }
0x20: {  	[tilespmem:s6+$0x13BB0] =	vst v0  }
0x21: {  	[tilespmem:s6+$0x13BC0] =	vst v0;
	s10 =	sadd.s32 $0x0, s3  }
0x22: {  	[tilespmem:s6+$0x13BD0] =	vst v0;
	p0 =	sgt.u32 s10, $0xF9  }
0x23: {  	[tilespmem:s6+$0x13BE0] =	vst v0;
	s14 =	rddreg [dreg:$0x6];
	s6 =	simm.s32 @!p0 $0x13B80;
	s12 =	simm.s32 @!p0 $0xB  }
0x24: {  	[spmem:s14] =	stream.linear.scatter @!p0 [tilespmem:s6], [sflag:$0xB], $0x1400, $0x38;
	[tilespmem:$0x1DB80] =	vst v63  }
0x25: {  	s11 =	simm.s32 $0x20;
	_ =	swait.ge @!p0 [sflag:s12], $0x1400  }
0x26: {  	s10 =	simm.s32 $0x10;
	s6 =	sadd.s32 $0x14000, s14;
	[sflag:s12] =	ssyncset.done @!p0 $0x0  }
.LBB2_4:
0x27: {  	s14 =	sadd.s32 s10, s3;
	s10 =	smov.u32 s11;
	s11 =	sadd.s32 $0x10, s11  }
0x28: {  	[sflag:s12] =	ssyncadd.s32 @!p0 $0xFFFFEC00;
	p1 =	sne.s32 s11, $0x100  }
.Ltmp1:
0x29: {  	p0 =	sgt.u32 s14, $0xF9;
	(pc) =	sbr.rel @p1 .LBB2_4-.Ltmp1, $4  }
0x2a: {  	s14 =	simm.s32 @!p0 $0x13B80;
	s12 =	simm.s32 @!p0 $0xB  }
0x2b: {  	[spmem:s6] =	stream.linear.scatter @!p0 [tilespmem:s14], [sflag:$0xB], $0x1400, $0x38;
	[tilespmem:$0x1DB80] =	vst v63  }
0x2c: {  	_ =	swait.ge @!p0 [sflag:s12], $0x1400  }
0x2d: {  	s6 =	sadd.s32 $0x14000, s6;
	[sflag:s12] =	ssyncset.done @!p0 $0x0  }
0x2e: {  	s10 =	sadd.s32 s10, s3  }
0x2f: {  	p1 =	sgt.u32 s10, $0xF9  }
0x30: {  	[sflag:s12] =	ssyncadd.s32 @!p0 $0xFFFFEC00;
	s10 =	simm.s32 @!p1 $0x13B80;
	s11 =	simm.s32 @!p1 $0xB  }
0x31: {  	[spmem:s6] =	stream.linear.scatter @!p1 [tilespmem:s10], [sflag:$0xB], $0x1400, $0x38;
	[tilespmem:$0x1DB80] =	vst v63  }
0x32: {  	_ =	swait.ge @!p1 [sflag:s11], $0x1400  }
0x33: {  	[sflag:s11] =	ssyncset.done @!p1 $0x0  }
0x34: {  	[sflag:s11] =	ssyncadd.s32 @!p1 $0xFFFFEC00  }
0x35: {  	[bflag:$0x0] =	sbarrier.arrive $0xFFFF  }
0x36: {  	s30 =	simm.s32 $0x13980;
	s6 =	simm.s32 $0x0;
	s12 =	rddreg [dreg:$0x4]  }
0x37: {  	[tilespmem:s30], [sflag:$0x3] =	stream.linear.gather [hbm4b:s12+s6], $0x100, $0x38;
	[tilespmem:$0x1DB80] =	vst v63  }
0x38: {  	s14 =	simm.s32 $0x13A80;
	s20 =	rddreg [dreg:$0x8]  }
0x39: {  	[tilespmem:s14], [sflag:$0x4] =	stream.linear.gather [hbm4b:s20+s6], $0x100, $0x38;
	[tilespmem:$0x1DB80] =	vst v63  }
0x3a: {  	_ = 	snop  }
0x3b: {  	[tilespmem:s15], [sflag:$0x1] =	stream.linear.gather [hbm4b:s7+s6], $0x80, $0x38;
	[tilespmem:$0x1DB80] =	vst v63  }
0x3c: {  	s10 =	sadd.s32 $0x10, s7  }
0x3d: {  	[tilespmem:s16], [sflag:$0x2] =	stream.linear.gather [hbm4b:s10+s6], $0x80, $0x38;
	[tilespmem:$0x1DB80] =	vst v63  }
0x3e: {  	_ =	swait.ge [sflag:s17], $0x100  }
0x3f: {  	[sflag:s17] =	ssyncset.done $0x0  }
0x40: {  	s19 =	simm.s32 $0x13B80;
	[sflag:s17] =	ssyncadd.s32 $0xFFFFFF00  }
0x41: {  	[tilespmem:s19], [sflag:$0x5] =	stream.indirect.gather [hbm4b:s1+s18], $0x80, s30, s18, $0xb8;
	[tilespmem:$0x1DB80] =	vst v63  }
0x42: {  	v4 =	vld [tilespmem:$0x13A00];
	_ =	sdelay $0x4  }
0x43: {  	v5 =	vshll.u32 v4, $0x1  }
0x44: {  	v4 =	vand.u32 $0x7, v4;
	v5 =	vand.u32 $0xFFFFFFF0, v5  }
0x45: {  	v4 =	vor.u32 v4, v5  }
0x46: {  	v5 =	vperm.xlane v4, v1;
	_ =	sdelay $0x1  }
0x47: {  	v4 =	vperm.xlane v4, v3;
	v5 =	vadd.s32 v2, v5;
	_ =	sdelay $0x1  }
0x48: {  	v4 =	vadd.s32 v2, v4;
	_ =	sdelay $0x1  }
0x49: {  	s21 =	simm.s32 $0x16380  }
0x4a: {  	[tilespmem:s21], [sflag:$0x7] =	stream.indirect_vreg.gather [hbm4b:s5+s6], $0x80, v5, vm0, $0xb8;
	[tilespmem:$0x1DB80] =	vst v63  }
0x4b: {  	s22 =	simm.s32 $0x16B80  }
0x4c: {  	[tilespmem:s22], [sflag:$0x7] =	stream.indirect_vreg.gather [hbm4b:s5+s6], $0x80, v4, vm0, $0xb8;
	[tilespmem:$0x1DB80] =	vst v63  }
0x4d: {  	v4 =	vld [tilespmem:$0x13A10];
	_ =	sdelay $0x4  }
0x4e: {  	v5 =	vshll.u32 v4, $0x1  }
0x4f: {  	v4 =	vand.u32 $0x7, v4;
	v5 =	vand.u32 $0xFFFFFFF0, v5  }
0x50: {  	v4 =	vor.u32 v4, v5  }
0x51: {  	v5 =	vperm.xlane v4, v1;
	_ =	sdelay $0x1  }
0x52: {  	v4 =	vperm.xlane v4, v3;
	v5 =	vadd.s32 v2, v5;
	_ =	sdelay $0x1  }
0x53: {  	v4 =	vadd.s32 v2, v4;
	_ =	sdelay $0x1  }
0x54: {  	s23 =	simm.s32 $0x17380  }
0x55: {  	[tilespmem:s23], [sflag:$0x7] =	stream.indirect_vreg.gather [hbm4b:s5+s6], $0x80, v5, vm0, $0xb8;
	[tilespmem:$0x1DB80] =	vst v63  }
0x56: {  	s24 =	simm.s32 $0x17B80  }
0x57: {  	[tilespmem:s24], [sflag:$0x7] =	stream.indirect_vreg.gather [hbm4b:s5+s6], $0x80, v4, vm0, $0xb8;
	[tilespmem:$0x1DB80] =	vst v63  }
0x58: {  	v4 =	vld.msk [tilespmem:$0x13A20], $0xff;
	_ =	sdelay $0x4  }
0x59: {  	v5 =	vshll.u32 v4, $0x1  }
0x5a: {  	v4 =	vand.u32 $0x7, v4;
	v5 =	vand.u32 $0xFFFFFFF0, v5  }
0x5b: {  	v4 =	vor.u32 v4, v5  }
0x5c: {  	v4 =	vperm.xlane v4, v1;
	_ =	sdelay $0x1  }
0x5d: {  	v4 =	vadd.s32 v2, v4;
	_ =	sdelay $0x3  }
0x5e: {  	s30 =	simm.s32 $0x18380;
	s19 =	simm.s32 $0x4  }
0x5f: {  	[tilespmem:s30], [sflag:$0x7] =	stream.indirect_vreg.gather [hbm4b:s5+s6], $0x80, v4, vm0, $0xb8;
	[tilespmem:$0x1DB80] =	vst v63  }
0x60: {  	_ =	swait.ge [sflag:s19], $0x100  }
0x61: {  	[sflag:s19] =	ssyncset.done $0x0  }
0x62: {  	s20 =	simm.s32 $0x14F80;
	[sflag:s19] =	ssyncadd.s32 $0xFFFFFF00  }
0x63: {  	[tilespmem:s20], [sflag:$0x6] =	stream.indirect.gather [hbm4b:s1+s18], $0x80, s14, s18, $0xb8;
	[tilespmem:$0x1DB80] =	vst v63  }
0x64: {  	v4 =	vld [tilespmem:$0x13B00];
	_ =	sdelay $0x4  }
0x65: {  	v5 =	vshll.u32 v4, $0x1  }
0x66: {  	v4 =	vand.u32 $0x7, v4;
	v5 =	vand.u32 $0xFFFFFFF0, v5  }
0x67: {  	v4 =	vor.u32 v4, v5  }
0x68: {  	v5 =	vperm.xlane v4, v1;
	_ =	sdelay $0x1  }
0x69: {  	v4 =	vperm.xlane v4, v3;
	v5 =	vadd.s32 v2, v5;
	_ =	sdelay $0x1  }
0x6a: {  	v4 =	vadd.s32 v2, v4;
	_ =	sdelay $0x1  }
0x6b: {  	s21 =	simm.s32 $0x18B80  }
0x6c: {  	[tilespmem:s21], [sflag:$0x8] =	stream.indirect_vreg.gather [hbm4b:s5+s6], $0x80, v5, vm0, $0xb8;
	[tilespmem:$0x1DB80] =	vst v63  }
0x6d: {  	s22 =	simm.s32 $0x19380  }
0x6e: {  	[tilespmem:s22], [sflag:$0x8] =	stream.indirect_vreg.gather [hbm4b:s5+s6], $0x80, v4, vm0, $0xb8;
	[tilespmem:$0x1DB80] =	vst v63  }
0x6f: {  	v4 =	vld [tilespmem:$0x13B10];
	_ =	sdelay $0x4  }
0x70: {  	v5 =	vshll.u32 v4, $0x1  }
0x71: {  	v4 =	vand.u32 $0x7, v4;
	v5 =	vand.u32 $0xFFFFFFF0, v5  }
0x72: {  	v4 =	vor.u32 v4, v5  }
0x73: {  	v5 =	vperm.xlane v4, v1;
	_ =	sdelay $0x1  }
0x74: {  	v4 =	vperm.xlane v4, v3;
	v5 =	vadd.s32 v2, v5;
	_ =	sdelay $0x1  }
0x75: {  	v4 =	vadd.s32 v2, v4;
	_ =	sdelay $0x1  }
0x76: {  	s23 =	simm.s32 $0x19B80  }
0x77: {  	[tilespmem:s23], [sflag:$0x8] =	stream.indirect_vreg.gather [hbm4b:s5+s6], $0x80, v5, vm0, $0xb8;
	[tilespmem:$0x1DB80] =	vst v63  }
0x78: {  	s24 =	simm.s32 $0x1A380  }
0x79: {  	[tilespmem:s24], [sflag:$0x8] =	stream.indirect_vreg.gather [hbm4b:s5+s6], $0x80, v4, vm0, $0xb8;
	[tilespmem:$0x1DB80] =	vst v63  }
0x7a: {  	v4 =	vld.msk [tilespmem:$0x13B20], $0xff;
	_ =	sdelay $0x4  }
0x7b: {  	v5 =	vshll.u32 v4, $0x1  }
0x7c: {  	v4 =	vand.u32 $0x7, v4;
	v5 =	vand.u32 $0xFFFFFFF0, v5  }
0x7d: {  	v4 =	vor.u32 v4, v5  }
0x7e: {  	v4 =	vperm.xlane v4, v1;
	_ =	sdelay $0x1  }
0x7f: {  	v4 =	vadd.s32 v2, v4;
	_ =	sdelay $0x3  }
0x80: {  	s11 =	sadd.s32 $0x40, s12;
	s30 =	simm.s32 $0x1AB80;
	s19 =	sadd.s32 $0x60, s12  }
0x81: {  	[tilespmem:s30], [sflag:$0x8] =	stream.indirect_vreg.gather [hbm4b:s5+s6], $0x80, v4, vm0, $0xb8;
	[tilespmem:$0x1DB80] =	vst v63  }
.LBB2_6:
0x82: {  	p0 =	seq.s32 s6, $0x7C  }
0x83: {  	_ =	swait.ge [sflag:s26], $0x1400;
	p1 =	seq.s32 @!p0 s6, $0x0  }
0x84: {  	[sflag:s26] =	ssyncset.done $0x0;
	p1 =	por p0, !p1  }
.Ltmp2:
0x85: {  	[sflag:s26] =	ssyncadd.s32 $0xFFFFEC00;
	(pc) =	sbr.rel @!p1 .LBB2_7-.Ltmp2, $4  }
0x86: {  	s20 =	sshll.u32 s6, $0x6;
	_ =	swait.ge [sflag:s28], $0x2800  }
0x87: {  	s12 =	sadd.s32 @!p0 s20, s11;
	[sflag:s28] =	ssyncset.done $0x0  }
0x88: {  	s14 =	simm.s32 @!p0 $0x0;
	s21 =	simm.s32 @!p0 $0x13980;
	[sflag:s28] =	ssyncadd.s32 $0xFFFFD800  }
0x89: {  	[tilespmem:s21], [sflag:$0x3] =	stream.linear.gather @!p0 [hbm4b:s12+s14], $0x100, $0x38;
	[tilespmem:$0x1DB80] =	vst v63  }
.Ltmp3:
0x8a: {  	(pc) =	sbr.rel .LBB2_9-.Ltmp3, $4  }
0x8b: {  	_ =	swait.ge [sflag:s25], $0x1400  }
0x8c: {  	s12 =	sshll.u32 s6, $0x5;
	[sflag:s25] =	ssyncset.done $0x0  }
0x8d: {  	p1 =	por $0x0, $0x0;
	s12 =	sadd.s32 s7, s12;
	[sflag:s25] =	ssyncadd.s32 $0xFFFFEC00  }
0x8e: {  	[tilespmem:s15], [sflag:$0x1] =	stream.linear.gather [hbm4b:s12+s4], $0x80, $0x38;
	[tilespmem:$0x1DB80] =	vst v63  }
.LBB2_7:
0x8f: {  	p1 =	por @!p0 $0x1, $0x1  }
.LBB2_9:
0x90: {  	s21 =	simm.s32 $0x0  }
0x91: {  	s22 =	simm.s32 $0x13BC0;
	s12 =	sand.u32 $0x3800, s21;
	s14 =	sand.u32 $0x380, s21  }
0x92: {  	v5 =	vld [tilespmem:s22+$0xFFFFFFC0];
	s12 =	sor.u32 s14, s12  }
0x93: {  	v6 =	vld [tilespmem:s12+$0x16380];
	_ =	sdelay $0x1  }
0x94: {  	s14 =	sadd.s32 $0x16380, s12  }
0x95: {  	v4 =	vld [tilespmem:s14+$0x400];
	_ =	sdelay $0x1  }
0x96: {  	v5 =	vadd.f32 v6, v5;
	_ =	sdelay $0x1  }
0x97: {  	v5 =	vmax.f32 v5, $0.0e+00  }
0x98: {  	v5 =	vmul.f32 v5, v4  }
0x99: {  	s23 =	simm.s32 $0x1B3C0  }
0x9a: {  	[tilespmem:s23+$0xFFFFFFC0] =	vst v5  }
0x9b: {  	v5 =	vld [tilespmem:s22+$0xFFFFFFD0]  }
0x9c: {  	v6 =	vld [tilespmem:s14+$0x10];
	_ =	sdelay $0x4  }
0x9d: {  	v5 =	vadd.f32 v6, v5;
	_ =	sdelay $0x1  }
0x9e: {  	v5 =	vmax.f32 v5, $0.0e+00  }
0x9f: {  	v5 =	vmul.f32 v5, v4;
	_ =	sdelay $0x1  }
0xa0: {  	[tilespmem:s23+$0xFFFFFFD0] =	vst v5  }
0xa1: {  	v5 =	vld [tilespmem:s22+$0xFFFFFFE0]  }
0xa2: {  	v6 =	vld [tilespmem:s14+$0x20];
	_ =	sdelay $0x4  }
0xa3: {  	v5 =	vadd.f32 v6, v5;
	_ =	sdelay $0x1  }
0xa4: {  	v5 =	vmax.f32 v5, $0.0e+00  }
0xa5: {  	v5 =	vmul.f32 v5, v4;
	_ =	sdelay $0x1  }
0xa6: {  	[tilespmem:s23+$0xFFFFFFE0] =	vst v5  }
0xa7: {  	v5 =	vld [tilespmem:s22+$0xFFFFFFF0]  }
0xa8: {  	v6 =	vld [tilespmem:s14+$0x30];
	_ =	sdelay $0x4  }
0xa9: {  	v5 =	vadd.f32 v6, v5;
	_ =	sdelay $0x1  }
0xaa: {  	v5 =	vmax.f32 v5, $0.0e+00  }
0xab: {  	v5 =	vmul.f32 v5, v4;
	_ =	sdelay $0x1  }
0xac: {  	[tilespmem:s23+$0xFFFFFFF0] =	vst v5  }
0xad: {  	v5 =	vld [tilespmem:s22+$0x0]  }
0xae: {  	v6 =	vld [tilespmem:s14+$0x40];
	_ =	sdelay $0x4  }
0xaf: {  	v5 =	vadd.f32 v6, v5;
	_ =	sdelay $0x1  }
0xb0: {  	v5 =	vmax.f32 v5, $0.0e+00  }
0xb1: {  	v5 =	vmul.f32 v5, v4;
	_ =	sdelay $0x1  }
0xb2: {  	[tilespmem:s23+$0x0] =	vst v5  }
0xb3: {  	v5 =	vld [tilespmem:s22+$0x10]  }
0xb4: {  	v6 =	vld [tilespmem:s14+$0x50];
	_ =	sdelay $0x4  }
0xb5: {  	v5 =	vadd.f32 v6, v5;
	_ =	sdelay $0x1  }
0xb6: {  	v5 =	vmax.f32 v5, $0.0e+00  }
0xb7: {  	v5 =	vmul.f32 v5, v4;
	_ =	sdelay $0x1  }
0xb8: {  	[tilespmem:s23+$0x10] =	vst v5  }
0xb9: {  	v5 =	vld [tilespmem:s22+$0x20]  }
0xba: {  	v6 =	vld [tilespmem:s14+$0x60];
	_ =	sdelay $0x4  }
0xbb: {  	v5 =	vadd.f32 v6, v5;
	_ =	sdelay $0x1  }
0xbc: {  	v5 =	vmax.f32 v5, $0.0e+00  }
0xbd: {  	v5 =	vmul.f32 v5, v4;
	_ =	sdelay $0x1  }
0xbe: {  	[tilespmem:s23+$0x20] =	vst v5  }
0xbf: {  	v5 =	vld [tilespmem:s22+$0x30]  }
0xc0: {  	s24 =	simm.s32 $0x1B3C0;
	s12 =	simm.s32 $0x100;
	v6 =	vld [tilespmem:s14+$0x70]  }
.LBB2_10:
0xc1: {  	_ =	sdelay $0x1  }
0xc2: {  	s21 =	sadd.s32 $0x80, s21;
	s23 =	sadd.s32 $0x80, s23;
	s22 =	sadd.s32 $0x80, s22  }
0xc3: {  	p2 =	sne.s32 s12, $0x2700;
	s14 =	smov.u32 s12;
	s12 =	sadd.s32 $0x100, s12  }
0xc4: {  	v5 =	vadd.f32 v6, v5;
	_ =	sdelay $0x1  }
0xc5: {  	v5 =	vmax.f32 v5, $0.0e+00  }
0xc6: {  	v4 =	vmul.f32 v5, v4;
	_ =	sdelay $0x1  }
0xc7: {  	s14 =	sand.u32 $0x3800, s14;
	s30 =	sand.u32 $0x380, s21;
	[tilespmem:s24+$0x30] =	vst v4;
	s24 =	smov.u32 s23  }
0xc8: {  	s14 =	sor.u32 s30, s14;
	v5 =	vld [tilespmem:s22+$0xFFFFFFC0]  }
0xc9: {  	v6 =	vld [tilespmem:s14+$0x16380];
	_ =	sdelay $0x1  }
0xca: {  	s14 =	sadd.s32 $0x16380, s14  }
0xcb: {  	v4 =	vld [tilespmem:s14+$0x400];
	_ =	sdelay $0x1  }
0xcc: {  	v5 =	vadd.f32 v6, v5;
	_ =	sdelay $0x1  }
0xcd: {  	v5 =	vmax.f32 v5, $0.0e+00  }
0xce: {  	v5 =	vmul.f32 v5, v4;
	_ =	sdelay $0x1  }
0xcf: {  	[tilespmem:s23+$0xFFFFFFC0] =	vst v5  }
0xd0: {  	v5 =	vld [tilespmem:s22+$0xFFFFFFD0]  }
0xd1: {  	v6 =	vld [tilespmem:s14+$0x10];
	_ =	sdelay $0x4  }
0xd2: {  	v5 =	vadd.f32 v6, v5;
	_ =	sdelay $0x1  }
0xd3: {  	v5 =	vmax.f32 v5, $0.0e+00  }
0xd4: {  	v5 =	vmul.f32 v5, v4;
	_ =	sdelay $0x1  }
0xd5: {  	[tilespmem:s23+$0xFFFFFFD0] =	vst v5  }
0xd6: {  	v5 =	vld [tilespmem:s22+$0xFFFFFFE0]  }
0xd7: {  	v6 =	vld [tilespmem:s14+$0x20];
	_ =	sdelay $0x4  }
0xd8: {  	v5 =	vadd.f32 v6, v5;
	_ =	sdelay $0x1  }
0xd9: {  	v5 =	vmax.f32 v5, $0.0e+00  }
0xda: {  	v5 =	vmul.f32 v5, v4;
	_ =	sdelay $0x1  }
0xdb: {  	[tilespmem:s23+$0xFFFFFFE0] =	vst v5  }
0xdc: {  	v5 =	vld [tilespmem:s22+$0xFFFFFFF0]  }
0xdd: {  	v6 =	vld [tilespmem:s14+$0x30];
	_ =	sdelay $0x4  }
0xde: {  	v5 =	vadd.f32 v6, v5;
	_ =	sdelay $0x1  }
0xdf: {  	v5 =	vmax.f32 v5, $0.0e+00  }
0xe0: {  	v5 =	vmul.f32 v5, v4;
	_ =	sdelay $0x1  }
0xe1: {  	[tilespmem:s23+$0xFFFFFFF0] =	vst v5  }
0xe2: {  	v5 =	vld [tilespmem:s22+$0x0]  }
0xe3: {  	v6 =	vld [tilespmem:s14+$0x40];
	_ =	sdelay $0x4  }
0xe4: {  	v5 =	vadd.f32 v6, v5;
	_ =	sdelay $0x1  }
0xe5: {  	v5 =	vmax.f32 v5, $0.0e+00  }
0xe6: {  	v5 =	vmul.f32 v5, v4;
	_ =	sdelay $0x1  }
0xe7: {  	[tilespmem:s23+$0x0] =	vst v5  }
0xe8: {  	v5 =	vld [tilespmem:s22+$0x10]  }
0xe9: {  	v6 =	vld [tilespmem:s14+$0x50];
	_ =	sdelay $0x4  }
0xea: {  	v5 =	vadd.f32 v6, v5;
	_ =	sdelay $0x1  }
0xeb: {  	v5 =	vmax.f32 v5, $0.0e+00  }
0xec: {  	v5 =	vmul.f32 v5, v4;
	_ =	sdelay $0x1  }
0xed: {  	[tilespmem:s23+$0x10] =	vst v5  }
0xee: {  	v5 =	vld [tilespmem:s22+$0x20]  }
0xef: {  	v6 =	vld [tilespmem:s14+$0x60];
	_ =	sdelay $0x4  }
0xf0: {  	v5 =	vadd.f32 v6, v5;
	_ =	sdelay $0x1  }
0xf1: {  	v5 =	vmax.f32 v5, $0.0e+00  }
.Ltmp4:
0xf2: {  	v5 =	vmul.f32 v5, v4;
	(pc) =	sbr.rel @p2 .LBB2_10-.Ltmp4, $4  }
0xf3: {  	_ = 	snop  }
0xf4: {  	[tilespmem:s23+$0x20] =	vst v5  }
0xf5: {  	v5 =	vld [tilespmem:s22+$0x30]  }
0xf6: {  	v6 =	vld [tilespmem:s14+$0x70]  }
0xf7: {  	_ =	sdelay $0x3  }
0xf8: {  	v5 =	vadd.f32 v6, v5  }
.Ltmp5:
0xf9: {  	_ = 	snop;
	(pc) =	sbr.rel @!p0 .LBB2_12-.Ltmp5, $3  }
0xfa: {  	v5 =	vmax.f32 v5, $0.0e+00  }
0xfb: {  	v4 =	vmul.f32 v5, v4;
	_ =	sdelay $0x1  }
0xfc: {  	[tilespmem:s24+$0x30] =	vst v4  }
0xfd: {  	_ =	swait.ge [sflag:s29], $0x80  }
0xfe: {  	[sflag:s29] =	ssyncset.done $0x0  }
0xff: {  	s12 =	simm.s32 $0x1B380;
	[sflag:s29] =	ssyncadd.s32 $0xFFFFFF80  }
0x100: {  	[spmem:s2] =	stream.indirect.scatter.add.f32 [tilespmem:s12], [sflag:$0x9], $0x80, s15, s18, $0xb8;
	[tilespmem:$0x1DB80] =	vst v63  }
0x101: {  	_ =	swait.ge [sflag:s31], $0x1400  }
.Ltmp6:
0x102: {  	[sflag:s31] =	ssyncset.done $0x0;
	(pc) =	sbr.rel .LBB2_14-.Ltmp6, $4  }
0x103: {  	[sflag:s31] =	ssyncadd.s32 $0xFFFFEC00  }
0x104: {  	_ =	swait.ge [sflag:s0], $0x2800  }
0x105: {  	[sflag:s0] =	ssyncset.done $0x0  }
0x106: {  	[sflag:s0] =	ssyncadd.s32 $0xFFFFD800  }
.LBB2_12:
0x107: {  	_ =	swait.ge [sflag:s17], $0x100  }
0x108: {  	[sflag:s17] =	ssyncset.done $0x0  }
0x109: {  	s12 =	simm.s32 $0x13980;
	s14 =	simm.s32 $0x13B80;
	[sflag:s17] =	ssyncadd.s32 $0xFFFFFF00  }
0x10a: {  	[tilespmem:s14], [sflag:$0x5] =	stream.indirect.gather [hbm4b:s1+s18], $0x80, s12, s18, $0xb8;
	[tilespmem:$0x1DB80] =	vst v63  }
0x10b: {  	v4 =	vld [tilespmem:$0x13A00];
	_ =	sdelay $0x4  }
0x10c: {  	v5 =	vshll.u32 v4, $0x1  }
0x10d: {  	v4 =	vand.u32 $0x7, v4;
	v5 =	vand.u32 $0xFFFFFFF0, v5  }
0x10e: {  	v4 =	vor.u32 v4, v5  }
0x10f: {  	v5 =	vperm.xlane v4, v1;
	_ =	sdelay $0x1  }
0x110: {  	v4 =	vperm.xlane v4, v3;
	v5 =	vadd.s32 v2, v5;
	_ =	sdelay $0x1  }
0x111: {  	v4 =	vadd.s32 v2, v4;
	_ =	sdelay $0x1  }
0x112: {  	s24 =	simm.s32 $0x16380  }
0x113: {  	[tilespmem:s24], [sflag:$0x7] =	stream.indirect_vreg.gather [hbm4b:s5+s4], $0x80, v5, vm0, $0xb8;
	[tilespmem:$0x1DB80] =	vst v63  }
0x114: {  	s30 =	simm.s32 $0x16B80  }
0x115: {  	[tilespmem:s30], [sflag:$0x7] =	stream.indirect_vreg.gather [hbm4b:s5+s4], $0x80, v4, vm0, $0xb8;
	[tilespmem:$0x1DB80] =	vst v63  }
0x116: {  	v4 =	vld [tilespmem:$0x13A10];
	_ =	sdelay $0x4  }
0x117: {  	v5 =	vshll.u32 v4, $0x1  }
0x118: {  	v4 =	vand.u32 $0x7, v4;
	v5 =	vand.u32 $0xFFFFFFF0, v5  }
0x119: {  	v4 =	vor.u32 v4, v5  }
0x11a: {  	v5 =	vperm.xlane v4, v1;
	_ =	sdelay $0x1  }
0x11b: {  	v4 =	vperm.xlane v4, v3;
	v5 =	vadd.s32 v2, v5;
	_ =	sdelay $0x1  }
0x11c: {  	v4 =	vadd.s32 v2, v4;
	_ =	sdelay $0x1  }
0x11d: {  	s14 =	simm.s32 $0x17380  }
0x11e: {  	[tilespmem:s14], [sflag:$0x7] =	stream.indirect_vreg.gather [hbm4b:s5+s4], $0x80, v5, vm0, $0xb8;
	[tilespmem:$0x1DB80] =	vst v63  }
0x11f: {  	s21 =	simm.s32 $0x17B80  }
0x120: {  	[tilespmem:s21], [sflag:$0x7] =	stream.indirect_vreg.gather [hbm4b:s5+s4], $0x80, v4, vm0, $0xb8;
	[tilespmem:$0x1DB80] =	vst v63  }
0x121: {  	v4 =	vld.msk [tilespmem:$0x13A20], $0xff;
	_ =	sdelay $0x4  }
0x122: {  	v5 =	vshll.u32 v4, $0x1  }
0x123: {  	v4 =	vand.u32 $0x7, v4;
	v5 =	vand.u32 $0xFFFFFFF0, v5  }
0x124: {  	v4 =	vor.u32 v4, v5  }
0x125: {  	v4 =	vperm.xlane v4, v1;
	_ =	sdelay $0x1  }
0x126: {  	v4 =	vadd.s32 v2, v4;
	_ =	sdelay $0x3  }
0x127: {  	s22 =	simm.s32 $0x18380  }
0x128: {  	[tilespmem:s22], [sflag:$0x7] =	stream.indirect_vreg.gather [hbm4b:s5+s4], $0x80, v4, vm0, $0xb8;
	[tilespmem:$0x1DB80] =	vst v63  }
0x129: {  	_ =	swait.ge [sflag:s29], $0x80  }
0x12a: {  	[sflag:s29] =	ssyncset.done $0x0  }
0x12b: {  	s23 =	simm.s32 $0x1B380;
	[sflag:s29] =	ssyncadd.s32 $0xFFFFFF80  }
0x12c: {  	[spmem:s2] =	stream.indirect.scatter.add.f32 [tilespmem:s23], [sflag:$0x9], $0x80, s15, s18, $0xb8;
	[tilespmem:$0x1DB80] =	vst v63  }
0x12d: {  	_ =	swait.ge [sflag:s31], $0x1400  }
0x12e: {  	[sflag:s31] =	ssyncset.done $0x0  }
0x12f: {  	[sflag:s31] =	ssyncadd.s32 $0xFFFFEC00  }
0x130: {  	_ =	swait.ge [sflag:s0], $0x2800  }
0x131: {  	[sflag:s0] =	ssyncset.done $0x0  }
0x132: {  	s24 =	sadd.s32 s20, s19;
	s30 =	simm.s32 $0x13A80;
	[sflag:s0] =	ssyncadd.s32 $0xFFFFD800  }
0x133: {  	[tilespmem:s30], [sflag:$0x4] =	stream.linear.gather [hbm4b:s24+s4], $0x100, $0x38;
	[tilespmem:$0x1DB80] =	vst v63  }
.LBB2_14:
0x134: {  	s12 =	simm.s32 @!p1 $0xA  }
0x135: {  	_ =	swait.ge @!p1 [sflag:s12], $0x1400  }
0x136: {  	[sflag:s12] =	ssyncset.done @!p1 $0x0  }
0x137: {  	[sflag:s12] =	ssyncadd.s32 @!p1 $0xFFFFEC00;
	s12 =	sshll.u32 @!p1 s6, $0x5  }
0x138: {  	s14 =	simm.s32 @!p1 $0x0;
	s20 =	simm.s32 @!p1 $0x13900;
	s12 =	sadd.s32 @!p1 s12, s10  }
0x139: {  	[tilespmem:s20], [sflag:$0x2] =	stream.linear.gather @!p1 [hbm4b:s12+s14], $0x80, $0x38;
	[tilespmem:$0x1DB80] =	vst v63  }
0x13a: {  	s20 =	simm.s32 $0x0  }
0x13b: {  	s21 =	simm.s32 $0x14FC0;
	s24 =	sand.u32 $0x3800, s20;
	s30 =	sand.u32 $0x380, s20  }
0x13c: {  	v5 =	vld [tilespmem:s21+$0xFFFFFFC0];
	s12 =	sor.u32 s30, s24  }
0x13d: {  	v6 =	vld [tilespmem:s12+$0x18B80];
	_ =	sdelay $0x1  }
0x13e: {  	s14 =	sadd.s32 $0x18B80, s12  }
0x13f: {  	v4 =	vld [tilespmem:s14+$0x400];
	_ =	sdelay $0x1  }
0x140: {  	v5 =	vadd.f32 v6, v5;
	_ =	sdelay $0x1  }
0x141: {  	v5 =	vmax.f32 v5, $0.0e+00  }
0x142: {  	v5 =	vmul.f32 v5, v4  }
0x143: {  	s22 =	simm.s32 $0x1C7C0  }
0x144: {  	[tilespmem:s22+$0xFFFFFFC0] =	vst v5  }
0x145: {  	v5 =	vld [tilespmem:s21+$0xFFFFFFD0]  }
0x146: {  	v6 =	vld [tilespmem:s14+$0x10];
	_ =	sdelay $0x4  }
0x147: {  	v5 =	vadd.f32 v6, v5;
	_ =	sdelay $0x1  }
0x148: {  	v5 =	vmax.f32 v5, $0.0e+00  }
0x149: {  	v5 =	vmul.f32 v5, v4;
	_ =	sdelay $0x1  }
0x14a: {  	[tilespmem:s22+$0xFFFFFFD0] =	vst v5  }
0x14b: {  	v5 =	vld [tilespmem:s21+$0xFFFFFFE0]  }
0x14c: {  	v6 =	vld [tilespmem:s14+$0x20];
	_ =	sdelay $0x4  }
0x14d: {  	v5 =	vadd.f32 v6, v5;
	_ =	sdelay $0x1  }
0x14e: {  	v5 =	vmax.f32 v5, $0.0e+00  }
0x14f: {  	v5 =	vmul.f32 v5, v4;
	_ =	sdelay $0x1  }
0x150: {  	[tilespmem:s22+$0xFFFFFFE0] =	vst v5  }
0x151: {  	v5 =	vld [tilespmem:s21+$0xFFFFFFF0]  }
0x152: {  	v6 =	vld [tilespmem:s14+$0x30];
	_ =	sdelay $0x4  }
0x153: {  	v5 =	vadd.f32 v6, v5;
	_ =	sdelay $0x1  }
0x154: {  	v5 =	vmax.f32 v5, $0.0e+00  }
0x155: {  	v5 =	vmul.f32 v5, v4;
	_ =	sdelay $0x1  }
0x156: {  	[tilespmem:s22+$0xFFFFFFF0] =	vst v5  }
0x157: {  	v5 =	vld [tilespmem:s21+$0x0]  }
0x158: {  	v6 =	vld [tilespmem:s14+$0x40];
	_ =	sdelay $0x4  }
0x159: {  	v5 =	vadd.f32 v6, v5;
	_ =	sdelay $0x1  }
0x15a: {  	v5 =	vmax.f32 v5, $0.0e+00  }
0x15b: {  	v5 =	vmul.f32 v5, v4;
	_ =	sdelay $0x1  }
0x15c: {  	[tilespmem:s22+$0x0] =	vst v5  }
0x15d: {  	v5 =	vld [tilespmem:s21+$0x10]  }
0x15e: {  	v6 =	vld [tilespmem:s14+$0x50];
	_ =	sdelay $0x4  }
0x15f: {  	v5 =	vadd.f32 v6, v5;
	_ =	sdelay $0x1  }
0x160: {  	v5 =	vmax.f32 v5, $0.0e+00  }
0x161: {  	v5 =	vmul.f32 v5, v4;
	_ =	sdelay $0x1  }
0x162: {  	[tilespmem:s22+$0x10] =	vst v5  }
0x163: {  	v5 =	vld [tilespmem:s21+$0x20]  }
0x164: {  	v6 =	vld [tilespmem:s14+$0x60];
	_ =	sdelay $0x4  }
0x165: {  	v5 =	vadd.f32 v6, v5;
	_ =	sdelay $0x1  }
0x166: {  	v5 =	vmax.f32 v5, $0.0e+00  }
0x167: {  	v5 =	vmul.f32 v5, v4;
	_ =	sdelay $0x1  }
0x168: {  	[tilespmem:s22+$0x20] =	vst v5  }
0x169: {  	v5 =	vld [tilespmem:s21+$0x30]  }
0x16a: {  	s23 =	simm.s32 $0x1C7C0;
	s12 =	simm.s32 $0x100;
	v6 =	vld [tilespmem:s14+$0x70]  }
.LBB2_15:
0x16b: {  	_ =	sdelay $0x1  }
0x16c: {  	s20 =	sadd.s32 $0x80, s20;
	s22 =	sadd.s32 $0x80, s22;
	s21 =	sadd.s32 $0x80, s21  }
0x16d: {  	p1 =	sne.s32 s12, $0x2700;
	s14 =	smov.u32 s12;
	s12 =	sadd.s32 $0x100, s12  }
0x16e: {  	v5 =	vadd.f32 v6, v5;
	_ =	sdelay $0x1  }
0x16f: {  	v5 =	vmax.f32 v5, $0.0e+00  }
0x170: {  	v4 =	vmul.f32 v5, v4;
	_ =	sdelay $0x1  }
0x171: {  	s14 =	sand.u32 $0x3800, s14;
	s24 =	sand.u32 $0x380, s20;
	[tilespmem:s23+$0x30] =	vst v4;
	s23 =	smov.u32 s22  }
0x172: {  	s14 =	sor.u32 s24, s14;
	v5 =	vld [tilespmem:s21+$0xFFFFFFC0]  }
0x173: {  	v6 =	vld [tilespmem:s14+$0x18B80];
	_ =	sdelay $0x1  }
0x174: {  	s14 =	sadd.s32 $0x18B80, s14  }
0x175: {  	v4 =	vld [tilespmem:s14+$0x400];
	_ =	sdelay $0x1  }
0x176: {  	v5 =	vadd.f32 v6, v5;
	_ =	sdelay $0x1  }
0x177: {  	v5 =	vmax.f32 v5, $0.0e+00  }
0x178: {  	v5 =	vmul.f32 v5, v4;
	_ =	sdelay $0x1  }
0x179: {  	[tilespmem:s22+$0xFFFFFFC0] =	vst v5  }
0x17a: {  	v5 =	vld [tilespmem:s21+$0xFFFFFFD0]  }
0x17b: {  	v6 =	vld [tilespmem:s14+$0x10];
	_ =	sdelay $0x4  }
0x17c: {  	v5 =	vadd.f32 v6, v5;
	_ =	sdelay $0x1  }
0x17d: {  	v5 =	vmax.f32 v5, $0.0e+00  }
0x17e: {  	v5 =	vmul.f32 v5, v4;
	_ =	sdelay $0x1  }
0x17f: {  	[tilespmem:s22+$0xFFFFFFD0] =	vst v5  }
0x180: {  	v5 =	vld [tilespmem:s21+$0xFFFFFFE0]  }
0x181: {  	v6 =	vld [tilespmem:s14+$0x20];
	_ =	sdelay $0x4  }
0x182: {  	v5 =	vadd.f32 v6, v5;
	_ =	sdelay $0x1  }
0x183: {  	v5 =	vmax.f32 v5, $0.0e+00  }
0x184: {  	v5 =	vmul.f32 v5, v4;
	_ =	sdelay $0x1  }
0x185: {  	[tilespmem:s22+$0xFFFFFFE0] =	vst v5  }
0x186: {  	v5 =	vld [tilespmem:s21+$0xFFFFFFF0]  }
0x187: {  	v6 =	vld [tilespmem:s14+$0x30];
	_ =	sdelay $0x4  }
0x188: {  	v5 =	vadd.f32 v6, v5;
	_ =	sdelay $0x1  }
0x189: {  	v5 =	vmax.f32 v5, $0.0e+00  }
0x18a: {  	v5 =	vmul.f32 v5, v4;
	_ =	sdelay $0x1  }
0x18b: {  	[tilespmem:s22+$0xFFFFFFF0] =	vst v5  }
0x18c: {  	v5 =	vld [tilespmem:s21+$0x0]  }
0x18d: {  	v6 =	vld [tilespmem:s14+$0x40];
	_ =	sdelay $0x4  }
0x18e: {  	v5 =	vadd.f32 v6, v5;
	_ =	sdelay $0x1  }
0x18f: {  	v5 =	vmax.f32 v5, $0.0e+00  }
0x190: {  	v5 =	vmul.f32 v5, v4;
	_ =	sdelay $0x1  }
0x191: {  	[tilespmem:s22+$0x0] =	vst v5  }
0x192: {  	v5 =	vld [tilespmem:s21+$0x10]  }
0x193: {  	v6 =	vld [tilespmem:s14+$0x50];
	_ =	sdelay $0x4  }
0x194: {  	v5 =	vadd.f32 v6, v5;
	_ =	sdelay $0x1  }
0x195: {  	v5 =	vmax.f32 v5, $0.0e+00  }
0x196: {  	v5 =	vmul.f32 v5, v4;
	_ =	sdelay $0x1  }
0x197: {  	[tilespmem:s22+$0x10] =	vst v5  }
0x198: {  	v5 =	vld [tilespmem:s21+$0x20]  }
0x199: {  	v6 =	vld [tilespmem:s14+$0x60];
	_ =	sdelay $0x4  }
0x19a: {  	v5 =	vadd.f32 v6, v5;
	_ =	sdelay $0x1  }
0x19b: {  	v5 =	vmax.f32 v5, $0.0e+00  }
.Ltmp7:
0x19c: {  	v5 =	vmul.f32 v5, v4;
	(pc) =	sbr.rel @p1 .LBB2_15-.Ltmp7, $4  }
0x19d: {  	_ = 	snop  }
0x19e: {  	[tilespmem:s22+$0x20] =	vst v5  }
0x19f: {  	v5 =	vld [tilespmem:s21+$0x30]  }
0x1a0: {  	v6 =	vld [tilespmem:s14+$0x70]  }
0x1a1: {  	_ =	sdelay $0x3  }
0x1a2: {  	v5 =	vadd.f32 v6, v5;
	_ =	sdelay $0x1  }
0x1a3: {  	v5 =	vmax.f32 v5, $0.0e+00  }
0x1a4: {  	v4 =	vmul.f32 v5, v4;
	_ =	sdelay $0x1  }
0x1a5: {  	s12 =	simm.s32 @!p0 $0x4;
	[tilespmem:s23+$0x30] =	vst v4  }
0x1a6: {  	_ =	swait.ge @!p0 [sflag:s12], $0x100  }
0x1a7: {  	s14 =	simm.s32 @!p0 $0x13A80;
	[sflag:s12] =	ssyncset.done @!p0 $0x0  }
0x1a8: {  	s20 =	simm.s32 @!p0 $0x14F80;
	[sflag:s12] =	ssyncadd.s32 @!p0 $0xFFFFFF00;
	s12 =	simm.s32 @!p0 $0x28  }
0x1a9: {  	[tilespmem:s20], [sflag:$0x6] =	stream.indirect.gather @!p0 [hbm4b:s1+s12], $0x80, s14, s12, $0xb8;
	[tilespmem:$0x1DB80] =	vst v63  }
0x1aa: {  	v4 =	vld @!p0 [tilespmem:$0x13B00];
	_ =	sdelay $0x4  }
0x1ab: {  	v5 =	vshll.u32 @!p0 v4, $0x1  }
0x1ac: {  	v6 =	vlaneseq.u32 @!p0;
	v4 =	vand.u32 @!p0 $0x7, v4;
	v5 =	vand.u32 @!p0 $0xFFFFFFF0, v5  }
0x1ad: {  	v7 =	vshrl.u32 @!p0 v6, $0x3;
	v4 =	vor.u32 @!p0 v4, v5;
	v5 =	vand.u32 @!p0 $0x7, v6  }
0x1ae: {  	v7 =	vmul.u32 @!p0 $0x8, v7;
	v8 =	vperm.xlane @!p0 v4, v5  }
0x1af: {  	v6 =	vor.u32 @!p0 $0x8, v6  }
0x1b0: {  	v4 =	vperm.xlane @!p0 v4, v6;
	v8 =	vadd.s32 @!p0 v7, v8;
	_ =	sdelay $0x1  }
0x1b1: {  	v4 =	vadd.s32 @!p0 v7, v4;
	_ =	sdelay $0x1  }
0x1b2: {  	vm1 =	vmmov @!p0 $0xffff;
	s12 =	simm.s32 @!p0 $0x0;
	s14 =	simm.s32 @!p0 $0x18B80  }
0x1b3: {  	[tilespmem:s14], [sflag:$0x8] =	stream.indirect_vreg.gather @!p0 [hbm4b:s5+s12], $0x80, v8, vm1, $0xb8;
	[tilespmem:$0x1DB80] =	vst v63  }
0x1b4: {  	s14 =	simm.s32 @!p0 $0x19380  }
0x1b5: {  	[tilespmem:s14], [sflag:$0x8] =	stream.indirect_vreg.gather @!p0 [hbm4b:s5+s12], $0x80, v4, vm1, $0xb8;
	[tilespmem:$0x1DB80] =	vst v63  }
0x1b6: {  	v4 =	vld @!p0 [tilespmem:$0x13B10];
	_ =	sdelay $0x4  }
0x1b7: {  	v8 =	vshll.u32 @!p0 v4, $0x1  }
0x1b8: {  	v4 =	vand.u32 @!p0 $0x7, v4;
	v8 =	vand.u32 @!p0 $0xFFFFFFF0, v8  }
0x1b9: {  	v4 =	vor.u32 @!p0 v4, v8  }
0x1ba: {  	v8 =	vperm.xlane @!p0 v4, v5;
	_ =	sdelay $0x1  }
0x1bb: {  	v4 =	vperm.xlane @!p0 v4, v6;
	v8 =	vadd.s32 @!p0 v7, v8;
	_ =	sdelay $0x1  }
0x1bc: {  	v4 =	vadd.s32 @!p0 v7, v4;
	_ =	sdelay $0x1  }
0x1bd: {  	s14 =	simm.s32 @!p0 $0x19B80  }
0x1be: {  	[tilespmem:s14], [sflag:$0x8] =	stream.indirect_vreg.gather @!p0 [hbm4b:s5+s12], $0x80, v8, vm1, $0xb8;
	[tilespmem:$0x1DB80] =	vst v63  }
0x1bf: {  	s14 =	simm.s32 @!p0 $0x1A380  }
0x1c0: {  	[tilespmem:s14], [sflag:$0x8] =	stream.indirect_vreg.gather @!p0 [hbm4b:s5+s12], $0x80, v4, vm1, $0xb8;
	[tilespmem:$0x1DB80] =	vst v63  }
0x1c1: {  	v4 =	vld.msk @!p0 [tilespmem:$0x13B20], $0xff;
	_ =	sdelay $0x4  }
0x1c2: {  	v6 =	vshll.u32 @!p0 v4, $0x1  }
0x1c3: {  	v4 =	vand.u32 @!p0 $0x7, v4;
	v6 =	vand.u32 @!p0 $0xFFFFFFF0, v6  }
0x1c4: {  	v4 =	vor.u32 @!p0 v4, v6  }
0x1c5: {  	v4 =	vperm.xlane @!p0 v4, v5;
	_ =	sdelay $0x1  }
0x1c6: {  	v4 =	vadd.s32 @!p0 v7, v4;
	_ =	sdelay $0x3  }
0x1c7: {  	s6 =	sadd.s32 $0x1, s6;
	s14 =	simm.s32 @!p0 $0x1AB80  }
0x1c8: {  	[tilespmem:s14], [sflag:$0x8] =	stream.indirect_vreg.gather @!p0 [hbm4b:s5+s12], $0x80, v4, vm1, $0xb8;
	[tilespmem:$0x1DB80] =	vst v63  }
0x1c9: {  	p0 =	sne.s32 s6, $0x7D  }
.Ltmp8:
0x1ca: {  	_ = 	snop;
	(pc) =	sbr.rel @p0 .LBB2_6-.Ltmp8, $4  }
0x1cb: {  	_ =	swait.ge [sflag:s9], $0x80  }
0x1cc: {  	[sflag:s9] =	ssyncset.done $0x0  }
0x1cd: {  	[sflag:s9] =	ssyncadd.s32 $0xFFFFFF80  }
0x1ce: {  	[spmem:s2] =	stream.indirect.scatter.add.f32 [tilespmem:s13], [sflag:$0xA], $0x80, s16, s18, $0xb8;
	[tilespmem:$0x1DB80] =	vst v63  }
0x1cf: {  	_ =	swait.ge [sflag:s25], $0x1400  }
0x1d0: {  	[sflag:s25] =	ssyncset.done $0x0  }
0x1d1: {  	s10 =	simm.s32 $0xA;
	[sflag:s25] =	ssyncadd.s32 $0xFFFFEC00  }
0x1d2: {  	_ =	swait.ge [sflag:s10], $0x1400  }
0x1d3: {  	[sflag:s10] =	ssyncset.done $0x0  }
0x1d4: {  	[sflag:s10] =	ssyncadd.s32 $0xFFFFEC00  }
0x1d5: {  	s6 =	sadd.s32 $0x0, s3;
	[bflag:$0x0] =	sbarrier.arrive $0xFFFF  }
0x1d6: {  	p0 =	sgt.u32 s6, $0xF9;
	s14 =	rddreg [dreg:$0x7]  }
0x1d7: {  	s6 =	sshll.u32 @!p0 s3, $0x6;
	s11 =	simm.s32 @!p0 $0xB;
	s19 =	rddreg [dreg:$0x6]  }
0x1d8: {  	s6 =	sor.u32 @!p0 $0x1C0B, s6;
	s10 =	sadd.s32 @!p0 s14, s8;
	s12 =	sshrl.u32 @!p0 s19, $0x3  }
0x1d9: {  	[hbm:s10], [sflag:s6] =	dma.local @!p0 [spmem:s12], $0x280  }
0x1da: {  	s12 =	simm.s32 $0x20;
	s6 =	sadd.s32 $0x2800, s14;
	_ =	swait.ge @!p0 [sflag:s11], $0x280  }
0x1db: {  	s14 =	sadd.s32 $0x10, s3;
	s10 =	sadd.s32 $0x14000, s19;
	[sflag:s11] =	ssyncset.done @!p0 $0x0  }
.LBB2_18:
0x1dc: {  	[sflag:s11] =	ssyncadd.s32 @!p0 $0xFFFFFD80  }
0x1dd: {  	p0 =	sgt.u32 s14, $0xF9;
	s14 =	smov.u32 s12;
	s12 =	sadd.s32 $0x10, s12  }
0x1de: {  	p1 =	sne.s32 s12, $0x100  }
.Ltmp9:
0x1df: {  	s19 =	sshll.u32 @!p0 s3, $0x6;
	s11 =	simm.s32 @!p0 $0xB;
	(pc) =	sbr.rel @p1 .LBB2_18-.Ltmp9, $4  }
0x1e0: {  	s20 =	sadd.s32 @!p0 s6, s8;
	s21 =	sshrl.u32 @!p0 s10, $0x3;
	s19 =	sor.u32 @!p0 $0x1C0B, s19  }
0x1e1: {  	[hbm:s20], [sflag:s19] =	dma.local @!p0 [spmem:s21], $0x280  }
0x1e2: {  	s6 =	sadd.s32 $0x2800, s6;
	_ =	swait.ge @!p0 [sflag:s11], $0x280  }
0x1e3: {  	s14 =	sadd.s32 s14, s3;
	s10 =	sadd.s32 $0x14000, s10;
	[sflag:s11] =	ssyncset.done @!p0 $0x0  }
0x1e4: {  	p1 =	sgt.u32 s14, $0xF9  }
0x1e5: {  	[sflag:s11] =	ssyncadd.s32 @!p0 $0xFFFFFD80;
	s11 =	sshll.u32 @!p1 s3, $0x6;
	s12 =	simm.s32 @!p1 $0xB  }
0x1e6: {  	s6 =	sadd.s32 @!p1 s6, s8;
	s10 =	sshrl.u32 @!p1 s10, $0x3;
	s11 =	sor.u32 @!p1 $0x1C0B, s11  }
0x1e7: {  	[hbm:s6], [sflag:s11] =	dma.local @!p1 [spmem:s10], $0x280  }
0x1e8: {  	_ =	swait.ge @!p1 [sflag:s12], $0x280  }
0x1e9: {  	s24 =	rddreg [dreg:$0x9]  }
0x1ea: {  	s30 =	rddreg [dreg:$0x5];
	s10 =	sadd.s32 $0x1, s24  }
0x1eb: {  	p0 =	sne.s32 s10, s30  }
.Ltmp10:
0x1ec: {  	_ = 	snop;
	(pc) =	sbr.rel @p0 .LBB2_1-.Ltmp10, $3  }
0x1ed: {  	_ =	sdelay $0x1  }
0x1ee: {  	[sflag:s12] =	ssyncset.done @!p1 $0x0  }
0x1ef: {  	[sflag:s12] =	ssyncadd.s32 @!p1 $0xFFFFFD80  }
0x1f0: {  	_ =	sfence.sel $0x180000  }
0x1f1: {  	[bflag:$0x0] =	sbarrier.arrive $0xFFFF  }
0x1f2: {  	_ =	strace $0x9000004A  }
0x1f3: {  	[bflag:$0x2] =	sbarrier.arrive $0xFFFF  }
0x1f4: {  	p0 =	sne.s32 s3, $0x0;
	s0 =	rddreg [dreg:$0x3]  }
0x1f5: {  	s0 =	sadd.s32 @!p0 $0x100000, s0  }
0x1f6: {  	[sflag:s0] =	ssyncadd.tile.s32 @!p0 $0x1;
	_ =	shalt  }
.Lfunc_end2:
_tile_overlayer_lowered:
.L_overlay_start_2:
0x1f7: {  	(tag) =	ssettag $0x2  }
0x1f8: {  	s0 =	rddreg [dreg:$0x0];
	s2 =	stileid.u32  }
0x1f9: {  	s1 =	rddreg [dreg:$0x1];
	p0 =	sne.s32 s2, $0x0  }
0x1fa: {  	s3 =	rddreg [dreg:$0x2];
	[bflag:$0x3] =	sbarrier.arrive $0xFFFF;
	s2 =	simm.s32 @!p0 $0x1C0B  }
0x1fb: {  	[timem:s3], [sflag:s2] =	dma.local @!p0 [hbm:s0], s1  }
0x1fc: {  	s0 =	simm.s32 @!p0 $0xB  }
0x1fd: {  	_ =	swait.ge @!p0 [sflag:s0], s1  }
0x1fe: {  	s1 =	ssub.s32 @!p0 $0x0, s1;
	[sflag:s0] =	ssyncset.done @!p0 $0x0  }
0x1ff: {  	[sflag:s0] =	ssyncadd.s32 @!p0 s1  }
0x200: {  	[bflag:$0x3] =	sbarrier.arrive $0xFFFF  }
0x201: {  	_ =	shalt  }

// kernel: kernel.15.cloned.1.call-start
scs
__scs_entry_jumppad:
0x0: {  	(pc) =	sbr.rel $0x88, $3  }
0x1: {  	(tag) =	ssettag $0x0;
	lr =	simm.s32 $0x1  }
0x2: {  	[smem:$0x3F95] =	sst lr;
	_ =	strace $0xD0000000  }
0x3: {  	_ = 	snop  }
0x4: {  	_ = 	snop  }
0x5: {  	_ = 	snop  }
0x6: {  	_ = 	snop  }
0x7: {  	_ = 	snop  }
__scs_overlays_trampoline_lowered:
0x8: {  	[smem:$0x3FA4] =	sst s0  }
0x9: {  	[smem:$0x3FA5] =	sst s1  }
0xa: {  	[smem:$0x3FA6] =	sst s2  }
0xb: {  	[smem:$0x3FA7] =	sst s3  }
0xc: {  	[smem:$0x3FA8] =	sst s4  }
0xd: {  	[smem:$0x3FA9] =	sst s5  }
0xe: {  	[smem:$0x3FAA] =	sst s6  }
0xf: {  	[smem:$0x3FAB] =	sst s7  }
0x10: {  	[smem:$0x3FAC] =	sst s8  }
0x11: {  	[smem:$0x3FAD] =	sst s9;
	s0 =	simm.s32 @!p0 $0x0  }
0x12: {  	s1 =	sld [smem:$0x3F93];
	s0 =	simm.s32 @p0 $0x1  }
0x13: {  	[smem:$0x3FAE] =	sst s0;
	s0 =	simm.s32 @!p1 $0x0  }
0x14: {  	s2 =	sld [smem:$0x3F92];
	s0 =	simm.s32 @p1 $0x1  }
0x15: {  	[smem:$0x3FAF] =	sst s0;
	s0 =	simm.s32 @!p2 $0x0  }
0x16: {  	s3 =	sld [smem:$0x3FDB];
	s0 =	simm.s32 @p2 $0x1  }
0x17: {  	s4 =	simm.s32 $0x1BF5;
	[smem:$0x3FB1] =	sst s0  }
0x18: {  	s0 =	sld [smem:$0x3F94];
	_ =	swait.ge [sflag:s4], $0x0  }
0x19: {  	s7 =	sld [smem:$0x3F95]  }
0x1a: {  	s8 =	sadd.s32 $0xFFFFE003, lr  }
0x1b: {  	s9 =	sadd.s32 $0xFFFFFEF7, lr;
	s5 =	simm.s32 $0xFFFFFFFF;
	p2 =	slt.u32 s8, $0xFFFFF086  }
0x1c: {  	p1 =	slt.u32 s9, $0xF7A;
	s5 =	simm.s32 @!p2 $0x0  }
0x1d: {  	s5 =	simm.s32 @p1 $0x1;
	p0 =	seq.s32 s7, s2  }
0x1e: {  	s7 =	smul.u32 @!p0 $0xF7A, s2;
	p2 =	seq.s32 @!p0 s5, $0x0  }
0x1f: {  	s9 =	smul.u32 $0xF7A, s1;
	s8 =	simm.s32 @!p0 $0x1BF5;
	p2 =	por !p2, p0  }
0x20: {  	[sflag:s8] =	ssyncset.s32 @!p0 $0xFFFFF086;
	s6 =	sadd.s32 @!p0 s3, s7;
	s7 =	simm.s32 @!p0 $0x108  }
0x21: {  	s3 =	sadd.s32 s3, s9;
	s6 =	sadd.s32 @!p0 $0x88, s6;
	s7 =	simm.s32 @p2 $0x1082  }
0x22: {  	[simem:s7], [sflag:s8] =	dma.local @!p0 [hbm:s6], $0xF7A  }
0x23: {  	s9 =	sor.u32 $0xD0000000, s2;
	s6 =	simm.s32 $0x108;
	_ =	swait.ge @!p0 [sflag:s8], $0x0  }
0x24: {  	s3 =	sadd.s32 $0x88, s3;
	s6 =	simm.s32 @!p1 $0x1082;
	[sflag:s4] =	ssyncset.s32 $0xFFFFF086  }
0x25: {  	[simem:s6], [sflag:s4] =	dma.local [hbm:s3], $0xF7A  }
0x26: {  	[smem:$0x3F95] =	sst s1;
	(tag) =	ssettag s2;
	_ =	strace s9  }
0x27: {  	s1 =	sld [smem:$0x3FA5]  }
0x28: {  	s2 =	sld [smem:$0x3FA6]  }
0x29: {  	s4 =	sld [smem:$0x3FA8]  }
0x2a: {  	p0 =	seq.s32 s5, $0x0;
	s5 =	sld [smem:$0x3FA9]  }
0x2b: {  	s6 =	sld [smem:$0x3FAA]  }
0x2c: {  	s7 =	sld [smem:$0x3FAB]  }
0x2d: {  	s3 =	simm.s32 $0x108;
	s8 =	sld [smem:$0x3FAC]  }
0x2e: {  	s3 =	simm.s32 @!p0 $0x1082;
	s9 =	sld [smem:$0x3FAD]  }
0x2f: {  	lr =	sadd.s32 s0, s3;
	s0 =	sld [smem:$0x3FA4]  }
0x30: {  	s3 =	sld [smem:$0x3FA7]  }
0x31: {  	[smem:$0x3FB0] =	sst s10  }
0x32: {  	s10 =	sld [smem:$0x3FAE];
	_ =	sdelay $0x3  }
0x33: {  	p0 =	seq.s32 s10, $0x1;
	s10 =	sld [smem:$0x3FB0];
	_ =	sdelay $0x3  }
0x34: {  	[smem:$0x3FB0] =	sst s10  }
0x35: {  	s10 =	sld [smem:$0x3FAF];
	_ =	sdelay $0x3  }
0x36: {  	p1 =	seq.s32 s10, $0x1;
	s10 =	sld [smem:$0x3FB0];
	_ =	sdelay $0x3  }
0x37: {  	[smem:$0x3FB0] =	sst s10  }
0x38: {  	s10 =	sld [smem:$0x3FB1]  }
0x39: {  	_ = 	snop;
	(pc) =	sbr.ind lr, $3  }
0x3a: {  	_ = 	snop  }
0x3b: {  	_ = 	snop  }
0x3c: {  	p2 =	seq.s32 s10, $0x1;
	s10 =	sld [smem:$0x3FB0]  }
0x3d: {  	_ =	shalt  }
0x3e: {  	_ =	shalt  }
0x3f: {  	_ =	shalt  }
0x40: {  	_ =	shalt  }
0x41: {  	_ =	shalt  }
0x42: {  	_ =	shalt  }
0x43: {  	_ =	shalt  }
0x44: {  	_ =	shalt  }
0x45: {  	_ =	shalt  }
0x46: {  	_ =	shalt  }
0x47: {  	_ =	shalt  }
0x48: {  	_ =	shalt  }
0x49: {  	_ =	shalt  }
0x4a: {  	_ =	shalt  }
0x4b: {  	_ =	shalt  }
0x4c: {  	_ =	shalt  }
0x4d: {  	_ =	shalt  }
0x4e: {  	_ =	shalt  }
0x4f: {  	_ =	shalt  }
0x50: {  	_ =	shalt  }
0x51: {  	_ =	shalt  }
0x52: {  	_ =	shalt  }
0x53: {  	_ =	shalt  }
0x54: {  	_ =	shalt  }
0x55: {  	_ =	shalt  }
0x56: {  	_ =	shalt  }
0x57: {  	_ =	shalt  }
0x58: {  	_ =	shalt  }
0x59: {  	_ =	shalt  }
0x5a: {  	_ =	shalt  }
0x5b: {  	_ =	shalt  }
0x5c: {  	_ =	shalt  }
0x5d: {  	_ =	shalt  }
0x5e: {  	_ =	shalt  }
0x5f: {  	_ =	shalt  }
0x60: {  	_ =	shalt  }
0x61: {  	_ =	shalt  }
0x62: {  	_ =	shalt  }
0x63: {  	_ =	shalt  }
0x64: {  	_ =	shalt  }
0x65: {  	_ =	shalt  }
0x66: {  	_ =	shalt  }
0x67: {  	_ =	shalt  }
0x68: {  	_ =	shalt  }
0x69: {  	_ =	shalt  }
0x6a: {  	_ =	shalt  }
0x6b: {  	_ =	shalt  }
0x6c: {  	_ =	shalt  }
0x6d: {  	_ =	shalt  }
0x6e: {  	_ =	shalt  }
0x6f: {  	_ =	shalt  }
0x70: {  	_ =	shalt  }
0x71: {  	_ =	shalt  }
0x72: {  	_ =	shalt  }
0x73: {  	_ =	shalt  }
0x74: {  	_ =	shalt  }
0x75: {  	_ =	shalt  }
0x76: {  	_ =	shalt  }
0x77: {  	_ =	shalt  }
0x78: {  	_ =	shalt  }
0x79: {  	_ =	shalt  }
0x7a: {  	_ =	shalt  }
0x7b: {  	_ =	shalt  }
0x7c: {  	_ =	shalt  }
0x7d: {  	_ =	shalt  }
0x7e: {  	_ =	shalt  }
0x7f: {  	_ =	shalt  }
0x80: {  	_ =	shalt  }
0x81: {  	_ =	shalt  }
0x82: {  	_ =	shalt  }
0x83: {  	_ =	shalt  }
0x84: {  	_ =	shalt  }
0x85: {  	_ =	shalt  }
0x86: {  	_ =	shalt  }
0x87: {  	_ =	shalt  }
.Lfunc_end0:
.L_simem_size_0:
called_computation.2_lowered:
.L_overlay_start_0:
0x88: {  	s2 =	sld [smem:$0x3FD9]  }
0x89: {  	s3 =	sld [smem:$0x3FFE];
	_ =	sdelay $0x1  }
0x8a: {  	s1 =	srdreg.scid  }
0x8b: {  	s0 =	sand.u32 $0x1, s1  }
0x8c: {  	s17 =	sshll.u32 s0, $0xA;
	s2 =	sadd.s32 s3, s2  }
0x8d: {  	s2 =	sadd.s32 s2, s17  }
0x8e: {  	[smem:$0x3FBC] =	sst s2  }
0x8f: {  	_ = 	snop  }
0x90: {  	s2 =	sld [smem:$0x3FD0];
	(tm) =	ssettm $0x1  }
0x91: {  	s18 =	sld [smem:$0x3FFB];
	_ =	sdelay $0x3  }
0x92: {  	_ =	strace s18  }
0x93: {  	s3 =	sld [smem:$0x3FFC];
	_ =	sdelay $0x3  }
0x94: {  	_ =	strace s3  }
0x95: {  	s3 =	sld [smem:$0x3FFD];
	_ =	sdelay $0x3  }
0x96: {  	_ =	strace s3  }
0x97: {  	_ =	strace $0x8FFFFFFF  }
0x98: {  	s19 =	sld [smem:$0x3FDB];
	_ =	sdelay $0x1  }
0x99: {  	s4 =	simm.s32 $_scs_section_size  }
0x9a: {  	s5 =	simm.s32 $_size__tile_overlayer_lowered;
	s6 =	simm.s32 $_tile_overlayer_lowered  }
0x9b: {  	s22 =	simm.s32 $0x1BFF;
	s21 =	sshll.u32 s6, $0x1;
	s3 =	sadd.s32 s4, s19  }
0x9c: {  	s7 =	simm.s32 $0x0;
	s20 =	sshll.u32 s5, $0x1;
	s5 =	sadd.s32 s21, s3  }
0x9d: {  	[timem:s7], [sflag:s22] =	dma.local [hbm:s5], s20  }
0x9e: {  	_ =	swait.ge [sflag:s22], s20  }
0x9f: {  	s4 =	ssub.s32 $0x0, s20;
	[sflag:s22] =	ssyncset.done $0x0  }
0xa0: {  	[sflag:s22] =	ssyncadd.s32 s4;
	_ =	sdelay $0x1  }
0xa1: {  	s23 =	simm.s32 $0x1B8B  }
0xa2: {  	_ =	swait.ge [sflag:s23], $0x1  }
0xa3: {  	[sflag:s23] =	ssyncset.done $0x0  }
0xa4: {  	s25 =	simm.s32 $0x1B8E;
	s24 =	sld [smem:$0x3FFE];
	[sflag:s23] =	ssyncadd.s32 $0xFFFFFFFF  }
0xa5: {  	s26 =	simm.s32 $execute0_lowered;
	[smem:$0x3FD2] =	sst s25  }
0xa6: {  	s5 =	sshll.u32 s26, $0x1;
	_ =	strace $0x8000004C;
	[dreg:$0x1] =	wrdreg $0xFFFFFFFF  }
0xa7: {  	s28 =	simm.s32 $_size_execute0_lowered;
	s3 =	sadd.s32 s3, s5;
	[dreg:$0x0] =	wrdreg $0x0  }
0xa8: {  	s5 =	sshll.u32 s28, $0x1;
	[dreg:$0x2] =	wrdreg s3  }
0xa9: {  	[dreg:$0x3] =	wrdreg s5  }
0xaa: {  	[dreg:$0x4] =	wrdreg $0xC0  }
0xab: {  	_ =	task [dreg:s7], $0x5FFFF  }
0xac: {  	[dreg:$0x1] =	wrdreg $0xFFFFFFFF  }
0xad: {  	[dreg:$0x0] =	wrdreg $0x60  }
0xae: {  	[dreg:$0x2] =	wrdreg s2  }
0xaf: {  	[dreg:$0x3] =	wrdreg s24  }
0xb0: {  	[dreg:$0x4] =	wrdreg $0x0  }
0xb1: {  	[dreg:$0x5] =	wrdreg $0x9  }
0xb2: {  	_ =	task.clear_ibuf [dreg:s7], $0x6FFFF;
	_ =	strace $0x9000004C  }
0xb3: {  	s29 =	simm.s32 $0x9;
	_ =	strace $0x8000004E  }
0xb4: {  	_ =	swait.ge [sflag:s29], $0x1  }
0xb5: {  	[sflag:s29] =	ssyncadd.s32 $0xFFFFFFFF  }
0xb6: {  	_ =	strace $0x9000004E  }
0xb7: {  	_ =	sfence  }
0xb8: {  	s30 =	sld [smem:$0x0];
	_ =	sdelay $0x2  }
0xb9: {  	s31 =	sshll.u32 s1, $0xD;
	s1 =	sshrl.u32 s1, $0x2  }
0xba: {  	s3 =	sand.u32 $0x4000, s31;
	s1 =	sadd.s32 s1, s30  }
0xbb: {  	s0 =	sor.u32 s3, s0;
	s1 =	sshll.u32 s1, $0x11  }
0xbc: {  	s0 =	sor.u32 s1, s0  }
0xbd: {  	s0 =	sadd.s32 $0x8F2B, s0  }
0xbe: {  	[sflag:s0] =	ssyncadd.remote.s32 $0x1  }
0xbf: {  	_ =	sfence.sel $0xFFFF  }
0xc0: {  	[dreg:$0x0] =	wrdreg $0xFFFFFFFF;
	(pc) =	sbr.abs _section_cstart, $3  }
0xc1: {  	[dreg:$0x1] =	wrdreg $0xFFFFFFFF  }
0xc2: {  	_ =	task.clear_ibuf [dreg:s7], $0x2FFFF;
	_ =	strace $0x9FFFFFFF  }
0xc3: {  	(tm) =	ssettm $0x7FFFFFFF  }
tec
execute0_lowered:
.L_overlay_start_1:
0x0: {  	(tag) =	ssettag $0x1  }
0x1: {  	s1 =	rddreg [dreg:$0x0]  }
0x2: {  	s0 =	rddreg [dreg:$0x1]  }
0x3: {  	s2 =	rddreg [dreg:$0x2]  }
0x4: {  	s3 =	srdreg.scid;
	s4 =	simm.s32 $0x0;
	s15 =	simm.s32 $0x13880  }
0x5: {  	s16 =	simm.s32 $0x13900;
	s17 =	simm.s32 $0x3;
	s18 =	simm.s32 $0x28  }
0x6: {  	s28 =	simm.s32 $0x7;
	s29 =	simm.s32 $0x1;
	s31 =	simm.s32 $0x6  }
0x7: {  	s13 =	simm.s32 $0x1C780;
	s6 =	sand.u32 $0x1, s3;
	s3 =	stileid.u32  }
0x8: {  	[smem:$0x7FF] =	sst s4;
	s5 =	sshll.u32 s6, $0x4;
	s9 =	smul.u32 $0x27100, s6  }
0x9: {  	_ =	strace $0x8000004D;
	s6 =	ssub.s32 $0x2, s6;
	s10 =	smul.u32 $0x5000, s3  }
0xa: {  	s26 =	smul.u32 $0x280, s3;
	s7 =	sor.u32 s3, s5;
	s5 =	sadd.s32 $0x61200, s0  }
0xb: {  	s22 =	sshrl.u32 s6, $0x1;
	s8 =	smul.u32 $0x1F40, s7;
	s7 =	sshll.u32 s7, $0xC  }
0xc: {  	s6 =	ssub.s32 s6, s22;
	s25 =	sshrl.u32 s10, $0x2;
	[dreg:$0x7] =	wrdreg s26  }
0xd: {  	s26 =	simm.s32 $0x5;
	s7 =	sadd.s32 s7, s0;
	s24 =	smax.u32 s6, $0x1  }
0xe: {  	s8 =	sadd.s32 s8, s0;
	s0 =	sadd.s32 s9, s0;
	[dreg:$0x5] =	wrdreg s24  }
0xf: {  	s23 =	sadd.s32 $0x22A00, s8;
	s8 =	sadd.s32 $0x65200, s0;
	s0 =	sadd.s32 s25, s2  }
0x10: {  	v3 =	vlaneseq.u32;
	s10 =	simm.s32 $0x0;
	s7 =	sadd.s32 $0x2A00, s7;
	[dreg:$0x6] =	wrdreg s0  }
0x11: {  	v0 =	vimm.f32 $0.0e+00;
	vm0 =	vmmov $0xffff;
	v2 =	vshrl.u32 v3, $0x3;
	s9 =	simm.s32 $0x2;
	[dreg:$0x4] =	wrdreg s23;
	s30 =	sadd.s32 $0x20, s23  }
0x12: {  	v1 =	vand.u32 $0x7, v3;
	v3 =	vor.u32 $0x8, v3;
	v2 =	vmul.u32 $0x8, v2;
	s25 =	simm.s32 $0x9;
	s0 =	simm.s32 $0x8;
	[dreg:$0x8] =	wrdreg s30  }
.LBB2_1:
0x13: {  	[dreg:$0x9] =	wrdreg s10;
	s6 =	simm.s32 $0x0;
	s10 =	simm.s32 $0x200  }
.LBB2_2:
0x14: {  	p0 =	sne.s32 s10, $0x4E00;
	[tilespmem:s6+$0x13BF0] =	vst v0  }
0x15: {  	[tilespmem:s6+$0x13B80] =	vst v0  }
0x16: {  	[tilespmem:s6+$0x13B90] =	vst v0  }
.Ltmp0:
0x17: {  	[tilespmem:s6+$0x13BA0] =	vst v0;
	(pc) =	sbr.rel @p0 .LBB2_2-.Ltmp0, $4  }
0x18: {  	[tilespmem:s6+$0x13BB0] =	vst v0  }
0x19: {  	[tilespmem:s6+$0x13BC0] =	vst v0  }
0x1a: {  	[tilespmem:s6+$0x13BD0] =	vst v0  }
0x1b: {  	[tilespmem:s6+$0x13BE0] =	vst v0;
	s6 =	sshra.s32 s10, $0x2;
	s10 =	sadd.s32 $0x200, s10  }
0x1c: {  	[tilespmem:s6+$0x13BF0] =	vst v0  }
0x1d: {  	[tilespmem:s6+$0x13B80] =	vst v0  }
0x1e: {  	[tilespmem:s6+$0x13B90] =	vst v0  }
0x1f: {  	[tilespmem:s6+$0x13BA0] =	vst v0  }
0x20: {  	[tilespmem:s6+$0x13BB0] =	vst v0  }
0x21: {  	[tilespmem:s6+$0x13BC0] =	vst v0;
	s10 =	sadd.s32 $0x0, s3  }
0x22: {  	[tilespmem:s6+$0x13BD0] =	vst v0;
	p0 =	sgt.u32 s10, $0xF9  }
0x23: {  	[tilespmem:s6+$0x13BE0] =	vst v0;
	s14 =	rddreg [dreg:$0x6];
	s6 =	simm.s32 @!p0 $0x13B80;
	s12 =	simm.s32 @!p0 $0xB  }
0x24: {  	[spmem:s14] =	stream.linear.scatter @!p0 [tilespmem:s6], [sflag:$0xB], $0x1400, $0x38;
	[tilespmem:$0x1DB80] =	vst v63  }
0x25: {  	s11 =	simm.s32 $0x20;
	_ =	swait.ge @!p0 [sflag:s12], $0x1400  }
0x26: {  	s10 =	simm.s32 $0x10;
	s6 =	sadd.s32 $0x14000, s14;
	[sflag:s12] =	ssyncset.done @!p0 $0x0  }
.LBB2_4:
0x27: {  	s14 =	sadd.s32 s10, s3;
	s10 =	smov.u32 s11;
	s11 =	sadd.s32 $0x10, s11  }
0x28: {  	[sflag:s12] =	ssyncadd.s32 @!p0 $0xFFFFEC00;
	p1 =	sne.s32 s11, $0x100  }
.Ltmp1:
0x29: {  	p0 =	sgt.u32 s14, $0xF9;
	(pc) =	sbr.rel @p1 .LBB2_4-.Ltmp1, $4  }
0x2a: {  	s14 =	simm.s32 @!p0 $0x13B80;
	s12 =	simm.s32 @!p0 $0xB  }
0x2b: {  	[spmem:s6] =	stream.linear.scatter @!p0 [tilespmem:s14], [sflag:$0xB], $0x1400, $0x38;
	[tilespmem:$0x1DB80] =	vst v63  }
0x2c: {  	_ =	swait.ge @!p0 [sflag:s12], $0x1400  }
0x2d: {  	s6 =	sadd.s32 $0x14000, s6;
	[sflag:s12] =	ssyncset.done @!p0 $0x0  }
0x2e: {  	s10 =	sadd.s32 s10, s3  }
0x2f: {  	p1 =	sgt.u32 s10, $0xF9  }
0x30: {  	[sflag:s12] =	ssyncadd.s32 @!p0 $0xFFFFEC00;
	s10 =	simm.s32 @!p1 $0x13B80;
	s11 =	simm.s32 @!p1 $0xB  }
0x31: {  	[spmem:s6] =	stream.linear.scatter @!p1 [tilespmem:s10], [sflag:$0xB], $0x1400, $0x38;
	[tilespmem:$0x1DB80] =	vst v63  }
0x32: {  	_ =	swait.ge @!p1 [sflag:s11], $0x1400  }
0x33: {  	[sflag:s11] =	ssyncset.done @!p1 $0x0  }
0x34: {  	[sflag:s11] =	ssyncadd.s32 @!p1 $0xFFFFEC00  }
0x35: {  	[bflag:$0x0] =	sbarrier.arrive $0xFFFF  }
0x36: {  	s30 =	simm.s32 $0x13980;
	s6 =	simm.s32 $0x0;
	s12 =	rddreg [dreg:$0x4]  }
0x37: {  	[tilespmem:s30], [sflag:$0x3] =	stream.linear.gather [hbm4b:s12+s6], $0x100, $0x38;
	[tilespmem:$0x1DB80] =	vst v63  }
0x38: {  	s14 =	simm.s32 $0x13A80;
	s20 =	rddreg [dreg:$0x8]  }
0x39: {  	[tilespmem:s14], [sflag:$0x4] =	stream.linear.gather [hbm4b:s20+s6], $0x100, $0x38;
	[tilespmem:$0x1DB80] =	vst v63  }
0x3a: {  	_ = 	snop  }
0x3b: {  	[tilespmem:s15], [sflag:$0x1] =	stream.linear.gather [hbm4b:s7+s6], $0x80, $0x38;
	[tilespmem:$0x1DB80] =	vst v63  }
0x3c: {  	s10 =	sadd.s32 $0x10, s7  }
0x3d: {  	[tilespmem:s16], [sflag:$0x2] =	stream.linear.gather [hbm4b:s10+s6], $0x80, $0x38;
	[tilespmem:$0x1DB80] =	vst v63  }
0x3e: {  	_ =	swait.ge [sflag:s17], $0x100  }
0x3f: {  	[sflag:s17] =	ssyncset.done $0x0  }
0x40: {  	s19 =	simm.s32 $0x13B80;
	[sflag:s17] =	ssyncadd.s32 $0xFFFFFF00  }
0x41: {  	[tilespmem:s19], [sflag:$0x5] =	stream.indirect.gather [hbm4b:s1+s18], $0x80, s30, s18, $0xb8;
	[tilespmem:$0x1DB80] =	vst v63  }
0x42: {  	v4 =	vld [tilespmem:$0x13A00];
	_ =	sdelay $0x4  }
0x43: {  	v5 =	vshll.u32 v4, $0x1  }
0x44: {  	v4 =	vand.u32 $0x7, v4;
	v5 =	vand.u32 $0xFFFFFFF0, v5  }
0x45: {  	v4 =	vor.u32 v4, v5  }
0x46: {  	v5 =	vperm.xlane v4, v1;
	_ =	sdelay $0x1  }
0x47: {  	v4 =	vperm.xlane v4, v3;
	v5 =	vadd.s32 v2, v5;
	_ =	sdelay $0x1  }
0x48: {  	v4 =	vadd.s32 v2, v4;
	_ =	sdelay $0x1  }
0x49: {  	s21 =	simm.s32 $0x16380  }
0x4a: {  	[tilespmem:s21], [sflag:$0x7] =	stream.indirect_vreg.gather [hbm4b:s5+s6], $0x80, v5, vm0, $0xb8;
	[tilespmem:$0x1DB80] =	vst v63  }
0x4b: {  	s22 =	simm.s32 $0x16B80  }
0x4c: {  	[tilespmem:s22], [sflag:$0x7] =	stream.indirect_vreg.gather [hbm4b:s5+s6], $0x80, v4, vm0, $0xb8;
	[tilespmem:$0x1DB80] =	vst v63  }
0x4d: {  	v4 =	vld [tilespmem:$0x13A10];
	_ =	sdelay $0x4  }
0x4e: {  	v5 =	vshll.u32 v4, $0x1  }
0x4f: {  	v4 =	vand.u32 $0x7, v4;
	v5 =	vand.u32 $0xFFFFFFF0, v5  }
0x50: {  	v4 =	vor.u32 v4, v5  }
0x51: {  	v5 =	vperm.xlane v4, v1;
	_ =	sdelay $0x1  }
0x52: {  	v4 =	vperm.xlane v4, v3;
	v5 =	vadd.s32 v2, v5;
	_ =	sdelay $0x1  }
0x53: {  	v4 =	vadd.s32 v2, v4;
	_ =	sdelay $0x1  }
0x54: {  	s23 =	simm.s32 $0x17380  }
0x55: {  	[tilespmem:s23], [sflag:$0x7] =	stream.indirect_vreg.gather [hbm4b:s5+s6], $0x80, v5, vm0, $0xb8;
	[tilespmem:$0x1DB80] =	vst v63  }
0x56: {  	s24 =	simm.s32 $0x17B80  }
0x57: {  	[tilespmem:s24], [sflag:$0x7] =	stream.indirect_vreg.gather [hbm4b:s5+s6], $0x80, v4, vm0, $0xb8;
	[tilespmem:$0x1DB80] =	vst v63  }
0x58: {  	v4 =	vld.msk [tilespmem:$0x13A20], $0xff;
	_ =	sdelay $0x4  }
0x59: {  	v5 =	vshll.u32 v4, $0x1  }
0x5a: {  	v4 =	vand.u32 $0x7, v4;
	v5 =	vand.u32 $0xFFFFFFF0, v5  }
0x5b: {  	v4 =	vor.u32 v4, v5  }
0x5c: {  	v4 =	vperm.xlane v4, v1;
	_ =	sdelay $0x1  }
0x5d: {  	v4 =	vadd.s32 v2, v4;
	_ =	sdelay $0x3  }
0x5e: {  	s30 =	simm.s32 $0x18380;
	s19 =	simm.s32 $0x4  }
0x5f: {  	[tilespmem:s30], [sflag:$0x7] =	stream.indirect_vreg.gather [hbm4b:s5+s6], $0x80, v4, vm0, $0xb8;
	[tilespmem:$0x1DB80] =	vst v63  }
0x60: {  	_ =	swait.ge [sflag:s19], $0x100  }
0x61: {  	[sflag:s19] =	ssyncset.done $0x0  }
0x62: {  	s20 =	simm.s32 $0x14F80;
	[sflag:s19] =	ssyncadd.s32 $0xFFFFFF00  }
0x63: {  	[tilespmem:s20], [sflag:$0x6] =	stream.indirect.gather [hbm4b:s1+s18], $0x80, s14, s18, $0xb8;
	[tilespmem:$0x1DB80] =	vst v63  }
0x64: {  	v4 =	vld [tilespmem:$0x13B00];
	_ =	sdelay $0x4  }
0x65: {  	v5 =	vshll.u32 v4, $0x1  }
0x66: {  	v4 =	vand.u32 $0x7, v4;
	v5 =	vand.u32 $0xFFFFFFF0, v5  }
0x67: {  	v4 =	vor.u32 v4, v5  }
0x68: {  	v5 =	vperm.xlane v4, v1;
	_ =	sdelay $0x1  }
0x69: {  	v4 =	vperm.xlane v4, v3;
	v5 =	vadd.s32 v2, v5;
	_ =	sdelay $0x1  }
0x6a: {  	v4 =	vadd.s32 v2, v4;
	_ =	sdelay $0x1  }
0x6b: {  	s21 =	simm.s32 $0x18B80  }
0x6c: {  	[tilespmem:s21], [sflag:$0x8] =	stream.indirect_vreg.gather [hbm4b:s5+s6], $0x80, v5, vm0, $0xb8;
	[tilespmem:$0x1DB80] =	vst v63  }
0x6d: {  	s22 =	simm.s32 $0x19380  }
0x6e: {  	[tilespmem:s22], [sflag:$0x8] =	stream.indirect_vreg.gather [hbm4b:s5+s6], $0x80, v4, vm0, $0xb8;
	[tilespmem:$0x1DB80] =	vst v63  }
0x6f: {  	v4 =	vld [tilespmem:$0x13B10];
	_ =	sdelay $0x4  }
0x70: {  	v5 =	vshll.u32 v4, $0x1  }
0x71: {  	v4 =	vand.u32 $0x7, v4;
	v5 =	vand.u32 $0xFFFFFFF0, v5  }
0x72: {  	v4 =	vor.u32 v4, v5  }
0x73: {  	v5 =	vperm.xlane v4, v1;
	_ =	sdelay $0x1  }
0x74: {  	v4 =	vperm.xlane v4, v3;
	v5 =	vadd.s32 v2, v5;
	_ =	sdelay $0x1  }
0x75: {  	v4 =	vadd.s32 v2, v4;
	_ =	sdelay $0x1  }
0x76: {  	s23 =	simm.s32 $0x19B80  }
0x77: {  	[tilespmem:s23], [sflag:$0x8] =	stream.indirect_vreg.gather [hbm4b:s5+s6], $0x80, v5, vm0, $0xb8;
	[tilespmem:$0x1DB80] =	vst v63  }
0x78: {  	s24 =	simm.s32 $0x1A380  }
0x79: {  	[tilespmem:s24], [sflag:$0x8] =	stream.indirect_vreg.gather [hbm4b:s5+s6], $0x80, v4, vm0, $0xb8;
	[tilespmem:$0x1DB80] =	vst v63  }
0x7a: {  	v4 =	vld.msk [tilespmem:$0x13B20], $0xff;
	_ =	sdelay $0x4  }
0x7b: {  	v5 =	vshll.u32 v4, $0x1  }
0x7c: {  	v4 =	vand.u32 $0x7, v4;
	v5 =	vand.u32 $0xFFFFFFF0, v5  }
0x7d: {  	v4 =	vor.u32 v4, v5  }
0x7e: {  	v4 =	vperm.xlane v4, v1;
	_ =	sdelay $0x1  }
0x7f: {  	v4 =	vadd.s32 v2, v4;
	_ =	sdelay $0x3  }
0x80: {  	s11 =	sadd.s32 $0x40, s12;
	s30 =	simm.s32 $0x1AB80;
	s19 =	sadd.s32 $0x60, s12  }
0x81: {  	[tilespmem:s30], [sflag:$0x8] =	stream.indirect_vreg.gather [hbm4b:s5+s6], $0x80, v4, vm0, $0xb8;
	[tilespmem:$0x1DB80] =	vst v63  }
.LBB2_6:
0x82: {  	p0 =	seq.s32 s6, $0x7C  }
0x83: {  	_ =	swait.ge [sflag:s26], $0x1400;
	p1 =	seq.s32 @!p0 s6, $0x0  }
0x84: {  	[sflag:s26] =	ssyncset.done $0x0;
	p1 =	por p0, !p1  }
.Ltmp2:
0x85: {  	[sflag:s26] =	ssyncadd.s32 $0xFFFFEC00;
	(pc) =	sbr.rel @!p1 .LBB2_7-.Ltmp2, $4  }
0x86: {  	s20 =	sshll.u32 s6, $0x6;
	_ =	swait.ge [sflag:s28], $0x2800  }
0x87: {  	s12 =	sadd.s32 @!p0 s20, s11;
	[sflag:s28] =	ssyncset.done $0x0  }
0x88: {  	s14 =	simm.s32 @!p0 $0x0;
	s21 =	simm.s32 @!p0 $0x13980;
	[sflag:s28] =	ssyncadd.s32 $0xFFFFD800  }
0x89: {  	[tilespmem:s21], [sflag:$0x3] =	stream.linear.gather @!p0 [hbm4b:s12+s14], $0x100, $0x38;
	[tilespmem:$0x1DB80] =	vst v63  }
.Ltmp3:
0x8a: {  	(pc) =	sbr.rel .LBB2_9-.Ltmp3, $4  }
0x8b: {  	_ =	swait.ge [sflag:s25], $0x1400  }
0x8c: {  	s12 =	sshll.u32 s6, $0x5;
	[sflag:s25] =	ssyncset.done $0x0  }
0x8d: {  	p1 =	por $0x0, $0x0;
	s12 =	sadd.s32 s7, s12;
	[sflag:s25] =	ssyncadd.s32 $0xFFFFEC00  }
0x8e: {  	[tilespmem:s15], [sflag:$0x1] =	stream.linear.gather [hbm4b:s12+s4], $0x80, $0x38;
	[tilespmem:$0x1DB80] =	vst v63  }
.LBB2_7:
0x8f: {  	p1 =	por @!p0 $0x1, $0x1  }
.LBB2_9:
0x90: {  	s21 =	simm.s32 $0x0  }
0x91: {  	s22 =	simm.s32 $0x13BC0;
	s12 =	sand.u32 $0x3800, s21;
	s14 =	sand.u32 $0x380, s21  }
0x92: {  	v5 =	vld [tilespmem:s22+$0xFFFFFFC0];
	s12 =	sor.u32 s14, s12  }
0x93: {  	v6 =	vld [tilespmem:s12+$0x16380];
	_ =	sdelay $0x1  }
0x94: {  	s14 =	sadd.s32 $0x16380, s12  }
0x95: {  	v4 =	vld [tilespmem:s14+$0x400];
	_ =	sdelay $0x1  }
0x96: {  	v5 =	vadd.f32 v6, v5;
	_ =	sdelay $0x1  }
0x97: {  	v5 =	vmax.f32 v5, $0.0e+00  }
0x98: {  	v5 =	vmul.f32 v5, v4  }
0x99: {  	s23 =	simm.s32 $0x1B3C0  }
0x9a: {  	[tilespmem:s23+$0xFFFFFFC0] =	vst v5  }
0x9b: {  	v5 =	vld [tilespmem:s22+$0xFFFFFFD0]  }
0x9c: {  	v6 =	vld [tilespmem:s14+$0x10];
	_ =	sdelay $0x4  }
0x9d: {  	v5 =	vadd.f32 v6, v5;
	_ =	sdelay $0x1  }
0x9e: {  	v5 =	vmax.f32 v5, $0.0e+00  }
0x9f: {  	v5 =	vmul.f32 v5, v4;
	_ =	sdelay $0x1  }
0xa0: {  	[tilespmem:s23+$0xFFFFFFD0] =	vst v5  }
0xa1: {  	v5 =	vld [tilespmem:s22+$0xFFFFFFE0]  }
0xa2: {  	v6 =	vld [tilespmem:s14+$0x20];
	_ =	sdelay $0x4  }
0xa3: {  	v5 =	vadd.f32 v6, v5;
	_ =	sdelay $0x1  }
0xa4: {  	v5 =	vmax.f32 v5, $0.0e+00  }
0xa5: {  	v5 =	vmul.f32 v5, v4;
	_ =	sdelay $0x1  }
0xa6: {  	[tilespmem:s23+$0xFFFFFFE0] =	vst v5  }
0xa7: {  	v5 =	vld [tilespmem:s22+$0xFFFFFFF0]  }
0xa8: {  	v6 =	vld [tilespmem:s14+$0x30];
	_ =	sdelay $0x4  }
0xa9: {  	v5 =	vadd.f32 v6, v5;
	_ =	sdelay $0x1  }
0xaa: {  	v5 =	vmax.f32 v5, $0.0e+00  }
0xab: {  	v5 =	vmul.f32 v5, v4;
	_ =	sdelay $0x1  }
0xac: {  	[tilespmem:s23+$0xFFFFFFF0] =	vst v5  }
0xad: {  	v5 =	vld [tilespmem:s22+$0x0]  }
0xae: {  	v6 =	vld [tilespmem:s14+$0x40];
	_ =	sdelay $0x4  }
0xaf: {  	v5 =	vadd.f32 v6, v5;
	_ =	sdelay $0x1  }
0xb0: {  	v5 =	vmax.f32 v5, $0.0e+00  }
0xb1: {  	v5 =	vmul.f32 v5, v4;
	_ =	sdelay $0x1  }
0xb2: {  	[tilespmem:s23+$0x0] =	vst v5  }
0xb3: {  	v5 =	vld [tilespmem:s22+$0x10]  }
0xb4: {  	v6 =	vld [tilespmem:s14+$0x50];
	_ =	sdelay $0x4  }
0xb5: {  	v5 =	vadd.f32 v6, v5;
	_ =	sdelay $0x1  }
0xb6: {  	v5 =	vmax.f32 v5, $0.0e+00  }
0xb7: {  	v5 =	vmul.f32 v5, v4;
	_ =	sdelay $0x1  }
0xb8: {  	[tilespmem:s23+$0x10] =	vst v5  }
0xb9: {  	v5 =	vld [tilespmem:s22+$0x20]  }
0xba: {  	v6 =	vld [tilespmem:s14+$0x60];
	_ =	sdelay $0x4  }
0xbb: {  	v5 =	vadd.f32 v6, v5;
	_ =	sdelay $0x1  }
0xbc: {  	v5 =	vmax.f32 v5, $0.0e+00  }
0xbd: {  	v5 =	vmul.f32 v5, v4;
	_ =	sdelay $0x1  }
0xbe: {  	[tilespmem:s23+$0x20] =	vst v5  }
0xbf: {  	v5 =	vld [tilespmem:s22+$0x30]  }
0xc0: {  	s24 =	simm.s32 $0x1B3C0;
	s12 =	simm.s32 $0x100;
	v6 =	vld [tilespmem:s14+$0x70]  }
.LBB2_10:
0xc1: {  	_ =	sdelay $0x1  }
0xc2: {  	s21 =	sadd.s32 $0x80, s21;
	s23 =	sadd.s32 $0x80, s23;
	s22 =	sadd.s32 $0x80, s22  }
0xc3: {  	p2 =	sne.s32 s12, $0x2700;
	s14 =	smov.u32 s12;
	s12 =	sadd.s32 $0x100, s12  }
0xc4: {  	v5 =	vadd.f32 v6, v5;
	_ =	sdelay $0x1  }
0xc5: {  	v5 =	vmax.f32 v5, $0.0e+00  }
0xc6: {  	v4 =	vmul.f32 v5, v4;
	_ =	sdelay $0x1  }
0xc7: {  	s14 =	sand.u32 $0x3800, s14;
	s30 =	sand.u32 $0x380, s21;
	[tilespmem:s24+$0x30] =	vst v4;
	s24 =	smov.u32 s23  }
0xc8: {  	s14 =	sor.u32 s30, s14;
	v5 =	vld [tilespmem:s22+$0xFFFFFFC0]  }
0xc9: {  	v6 =	vld [tilespmem:s14+$0x16380];
	_ =	sdelay $0x1  }
0xca: {  	s14 =	sadd.s32 $0x16380, s14  }
0xcb: {  	v4 =	vld [tilespmem:s14+$0x400];
	_ =	sdelay $0x1  }
0xcc: {  	v5 =	vadd.f32 v6, v5;
	_ =	sdelay $0x1  }
0xcd: {  	v5 =	vmax.f32 v5, $0.0e+00  }
0xce: {  	v5 =	vmul.f32 v5, v4;
	_ =	sdelay $0x1  }
0xcf: {  	[tilespmem:s23+$0xFFFFFFC0] =	vst v5  }
0xd0: {  	v5 =	vld [tilespmem:s22+$0xFFFFFFD0]  }
0xd1: {  	v6 =	vld [tilespmem:s14+$0x10];
	_ =	sdelay $0x4  }
0xd2: {  	v5 =	vadd.f32 v6, v5;
	_ =	sdelay $0x1  }
0xd3: {  	v5 =	vmax.f32 v5, $0.0e+00  }
0xd4: {  	v5 =	vmul.f32 v5, v4;
	_ =	sdelay $0x1  }
0xd5: {  	[tilespmem:s23+$0xFFFFFFD0] =	vst v5  }
0xd6: {  	v5 =	vld [tilespmem:s22+$0xFFFFFFE0]  }
0xd7: {  	v6 =	vld [tilespmem:s14+$0x20];
	_ =	sdelay $0x4  }
0xd8: {  	v5 =	vadd.f32 v6, v5;
	_ =	sdelay $0x1  }
0xd9: {  	v5 =	vmax.f32 v5, $0.0e+00  }
0xda: {  	v5 =	vmul.f32 v5, v4;
	_ =	sdelay $0x1  }
0xdb: {  	[tilespmem:s23+$0xFFFFFFE0] =	vst v5  }
0xdc: {  	v5 =	vld [tilespmem:s22+$0xFFFFFFF0]  }
0xdd: {  	v6 =	vld [tilespmem:s14+$0x30];
	_ =	sdelay $0x4  }
0xde: {  	v5 =	vadd.f32 v6, v5;
	_ =	sdelay $0x1  }
0xdf: {  	v5 =	vmax.f32 v5, $0.0e+00  }
0xe0: {  	v5 =	vmul.f32 v5, v4;
	_ =	sdelay $0x1  }
0xe1: {  	[tilespmem:s23+$0xFFFFFFF0] =	vst v5  }
0xe2: {  	v5 =	vld [tilespmem:s22+$0x0]  }
0xe3: {  	v6 =	vld [tilespmem:s14+$0x40];
	_ =	sdelay $0x4  }
0xe4: {  	v5 =	vadd.f32 v6, v5;
	_ =	sdelay $0x1  }
0xe5: {  	v5 =	vmax.f32 v5, $0.0e+00  }
0xe6: {  	v5 =	vmul.f32 v5, v4;
	_ =	sdelay $0x1  }
0xe7: {  	[tilespmem:s23+$0x0] =	vst v5  }
0xe8: {  	v5 =	vld [tilespmem:s22+$0x10]  }
0xe9: {  	v6 =	vld [tilespmem:s14+$0x50];
	_ =	sdelay $0x4  }
0xea: {  	v5 =	vadd.f32 v6, v5;
	_ =	sdelay $0x1  }
0xeb: {  	v5 =	vmax.f32 v5, $0.0e+00  }
0xec: {  	v5 =	vmul.f32 v5, v4;
	_ =	sdelay $0x1  }
0xed: {  	[tilespmem:s23+$0x10] =	vst v5  }
0xee: {  	v5 =	vld [tilespmem:s22+$0x20]  }
0xef: {  	v6 =	vld [tilespmem:s14+$0x60];
	_ =	sdelay $0x4  }
0xf0: {  	v5 =	vadd.f32 v6, v5;
	_ =	sdelay $0x1  }
0xf1: {  	v5 =	vmax.f32 v5, $0.0e+00  }
.Ltmp4:
0xf2: {  	v5 =	vmul.f32 v5, v4;
	(pc) =	sbr.rel @p2 .LBB2_10-.Ltmp4, $4  }
0xf3: {  	_ = 	snop  }
0xf4: {  	[tilespmem:s23+$0x20] =	vst v5  }
0xf5: {  	v5 =	vld [tilespmem:s22+$0x30]  }
0xf6: {  	v6 =	vld [tilespmem:s14+$0x70]  }
0xf7: {  	_ =	sdelay $0x3  }
0xf8: {  	v5 =	vadd.f32 v6, v5  }
.Ltmp5:
0xf9: {  	_ = 	snop;
	(pc) =	sbr.rel @!p0 .LBB2_12-.Ltmp5, $3  }
0xfa: {  	v5 =	vmax.f32 v5, $0.0e+00  }
0xfb: {  	v4 =	vmul.f32 v5, v4;
	_ =	sdelay $0x1  }
0xfc: {  	[tilespmem:s24+$0x30] =	vst v4  }
0xfd: {  	_ =	swait.ge [sflag:s29], $0x80  }
0xfe: {  	[sflag:s29] =	ssyncset.done $0x0  }
0xff: {  	s12 =	simm.s32 $0x1B380;
	[sflag:s29] =	ssyncadd.s32 $0xFFFFFF80  }
0x100: {  	[spmem:s2] =	stream.indirect.scatter.add.f32 [tilespmem:s12], [sflag:$0x9], $0x80, s15, s18, $0xb8;
	[tilespmem:$0x1DB80] =	vst v63  }
0x101: {  	_ =	swait.ge [sflag:s31], $0x1400  }
.Ltmp6:
0x102: {  	[sflag:s31] =	ssyncset.done $0x0;
	(pc) =	sbr.rel .LBB2_14-.Ltmp6, $4  }
0x103: {  	[sflag:s31] =	ssyncadd.s32 $0xFFFFEC00  }
0x104: {  	_ =	swait.ge [sflag:s0], $0x2800  }
0x105: {  	[sflag:s0] =	ssyncset.done $0x0  }
0x106: {  	[sflag:s0] =	ssyncadd.s32 $0xFFFFD800  }
.LBB2_12:
0x107: {  	_ =	swait.ge [sflag:s17], $0x100  }
0x108: {  	[sflag:s17] =	ssyncset.done $0x0  }
0x109: {  	s12 =	simm.s32 $0x13980;
	s14 =	simm.s32 $0x13B80;
	[sflag:s17] =	ssyncadd.s32 $0xFFFFFF00  }
0x10a: {  	[tilespmem:s14], [sflag:$0x5] =	stream.indirect.gather [hbm4b:s1+s18], $0x80, s12, s18, $0xb8;
	[tilespmem:$0x1DB80] =	vst v63  }
0x10b: {  	v4 =	vld [tilespmem:$0x13A00];
	_ =	sdelay $0x4  }
0x10c: {  	v5 =	vshll.u32 v4, $0x1  }
0x10d: {  	v4 =	vand.u32 $0x7, v4;
	v5 =	vand.u32 $0xFFFFFFF0, v5  }
0x10e: {  	v4 =	vor.u32 v4, v5  }
0x10f: {  	v5 =	vperm.xlane v4, v1;
	_ =	sdelay $0x1  }
0x110: {  	v4 =	vperm.xlane v4, v3;
	v5 =	vadd.s32 v2, v5;
	_ =	sdelay $0x1  }
0x111: {  	v4 =	vadd.s32 v2, v4;
	_ =	sdelay $0x1  }
0x112: {  	s24 =	simm.s32 $0x16380  }
0x113: {  	[tilespmem:s24], [sflag:$0x7] =	stream.indirect_vreg.gather [hbm4b:s5+s4], $0x80, v5, vm0, $0xb8;
	[tilespmem:$0x1DB80] =	vst v63  }
0x114: {  	s30 =	simm.s32 $0x16B80  }
0x115: {  	[tilespmem:s30], [sflag:$0x7] =	stream.indirect_vreg.gather [hbm4b:s5+s4], $0x80, v4, vm0, $0xb8;
	[tilespmem:$0x1DB80] =	vst v63  }
0x116: {  	v4 =	vld [tilespmem:$0x13A10];
	_ =	sdelay $0x4  }
0x117: {  	v5 =	vshll.u32 v4, $0x1  }
0x118: {  	v4 =	vand.u32 $0x7, v4;
	v5 =	vand.u32 $0xFFFFFFF0, v5  }
0x119: {  	v4 =	vor.u32 v4, v5  }
0x11a: {  	v5 =	vperm.xlane v4, v1;
	_ =	sdelay $0x1  }
0x11b: {  	v4 =	vperm.xlane v4, v3;
	v5 =	vadd.s32 v2, v5;
	_ =	sdelay $0x1  }
0x11c: {  	v4 =	vadd.s32 v2, v4;
	_ =	sdelay $0x1  }
0x11d: {  	s14 =	simm.s32 $0x17380  }
0x11e: {  	[tilespmem:s14], [sflag:$0x7] =	stream.indirect_vreg.gather [hbm4b:s5+s4], $0x80, v5, vm0, $0xb8;
	[tilespmem:$0x1DB80] =	vst v63  }
0x11f: {  	s21 =	simm.s32 $0x17B80  }
0x120: {  	[tilespmem:s21], [sflag:$0x7] =	stream.indirect_vreg.gather [hbm4b:s5+s4], $0x80, v4, vm0, $0xb8;
	[tilespmem:$0x1DB80] =	vst v63  }
0x121: {  	v4 =	vld.msk [tilespmem:$0x13A20], $0xff;
	_ =	sdelay $0x4  }
0x122: {  	v5 =	vshll.u32 v4, $0x1  }
0x123: {  	v4 =	vand.u32 $0x7, v4;
	v5 =	vand.u32 $0xFFFFFFF0, v5  }
0x124: {  	v4 =	vor.u32 v4, v5  }
0x125: {  	v4 =	vperm.xlane v4, v1;
	_ =	sdelay $0x1  }
0x126: {  	v4 =	vadd.s32 v2, v4;
	_ =	sdelay $0x3  }
0x127: {  	s22 =	simm.s32 $0x18380  }
0x128: {  	[tilespmem:s22], [sflag:$0x7] =	stream.indirect_vreg.gather [hbm4b:s5+s4], $0x80, v4, vm0, $0xb8;
	[tilespmem:$0x1DB80] =	vst v63  }
0x129: {  	_ =	swait.ge [sflag:s29], $0x80  }
0x12a: {  	[sflag:s29] =	ssyncset.done $0x0  }
0x12b: {  	s23 =	simm.s32 $0x1B380;
	[sflag:s29] =	ssyncadd.s32 $0xFFFFFF80  }
0x12c: {  	[spmem:s2] =	stream.indirect.scatter.add.f32 [tilespmem:s23], [sflag:$0x9], $0x80, s15, s18, $0xb8;
	[tilespmem:$0x1DB80] =	vst v63  }
0x12d: {  	_ =	swait.ge [sflag:s31], $0x1400  }
0x12e: {  	[sflag:s31] =	ssyncset.done $0x0  }
0x12f: {  	[sflag:s31] =	ssyncadd.s32 $0xFFFFEC00  }
0x130: {  	_ =	swait.ge [sflag:s0], $0x2800  }
0x131: {  	[sflag:s0] =	ssyncset.done $0x0  }
0x132: {  	s24 =	sadd.s32 s20, s19;
	s30 =	simm.s32 $0x13A80;
	[sflag:s0] =	ssyncadd.s32 $0xFFFFD800  }
0x133: {  	[tilespmem:s30], [sflag:$0x4] =	stream.linear.gather [hbm4b:s24+s4], $0x100, $0x38;
	[tilespmem:$0x1DB80] =	vst v63  }
.LBB2_14:
0x134: {  	s12 =	simm.s32 @!p1 $0xA  }
0x135: {  	_ =	swait.ge @!p1 [sflag:s12], $0x1400  }
0x136: {  	[sflag:s12] =	ssyncset.done @!p1 $0x0  }
0x137: {  	[sflag:s12] =	ssyncadd.s32 @!p1 $0xFFFFEC00;
	s12 =	sshll.u32 @!p1 s6, $0x5  }
0x138: {  	s14 =	simm.s32 @!p1 $0x0;
	s20 =	simm.s32 @!p1 $0x13900;
	s12 =	sadd.s32 @!p1 s12, s10  }
0x139: {  	[tilespmem:s20], [sflag:$0x2] =	stream.linear.gather @!p1 [hbm4b:s12+s14], $0x80, $0x38;
	[tilespmem:$0x1DB80] =	vst v63  }
0x13a: {  	s20 =	simm.s32 $0x0  }
0x13b: {  	s21 =	simm.s32 $0x14FC0;
	s24 =	sand.u32 $0x3800, s20;
	s30 =	sand.u32 $0x380, s20  }
0x13c: {  	v5 =	vld [tilespmem:s21+$0xFFFFFFC0];
	s12 =	sor.u32 s30, s24  }
0x13d: {  	v6 =	vld [tilespmem:s12+$0x18B80];
	_ =	sdelay $0x1  }
0x13e: {  	s14 =	sadd.s32 $0x18B80, s12  }
0x13f: {  	v4 =	vld [tilespmem:s14+$0x400];
	_ =	sdelay $0x1  }
0x140: {  	v5 =	vadd.f32 v6, v5;
	_ =	sdelay $0x1  }
0x141: {  	v5 =	vmax.f32 v5, $0.0e+00  }
0x142: {  	v5 =	vmul.f32 v5, v4  }
0x143: {  	s22 =	simm.s32 $0x1C7C0  }
0x144: {  	[tilespmem:s22+$0xFFFFFFC0] =	vst v5  }
0x145: {  	v5 =	vld [tilespmem:s21+$0xFFFFFFD0]  }
0x146: {  	v6 =	vld [tilespmem:s14+$0x10];
	_ =	sdelay $0x4  }
0x147: {  	v5 =	vadd.f32 v6, v5;
	_ =	sdelay $0x1  }
0x148: {  	v5 =	vmax.f32 v5, $0.0e+00  }
0x149: {  	v5 =	vmul.f32 v5, v4;
	_ =	sdelay $0x1  }
0x14a: {  	[tilespmem:s22+$0xFFFFFFD0] =	vst v5  }
0x14b: {  	v5 =	vld [tilespmem:s21+$0xFFFFFFE0]  }
0x14c: {  	v6 =	vld [tilespmem:s14+$0x20];
	_ =	sdelay $0x4  }
0x14d: {  	v5 =	vadd.f32 v6, v5;
	_ =	sdelay $0x1  }
0x14e: {  	v5 =	vmax.f32 v5, $0.0e+00  }
0x14f: {  	v5 =	vmul.f32 v5, v4;
	_ =	sdelay $0x1  }
0x150: {  	[tilespmem:s22+$0xFFFFFFE0] =	vst v5  }
0x151: {  	v5 =	vld [tilespmem:s21+$0xFFFFFFF0]  }
0x152: {  	v6 =	vld [tilespmem:s14+$0x30];
	_ =	sdelay $0x4  }
0x153: {  	v5 =	vadd.f32 v6, v5;
	_ =	sdelay $0x1  }
0x154: {  	v5 =	vmax.f32 v5, $0.0e+00  }
0x155: {  	v5 =	vmul.f32 v5, v4;
	_ =	sdelay $0x1  }
0x156: {  	[tilespmem:s22+$0xFFFFFFF0] =	vst v5  }
0x157: {  	v5 =	vld [tilespmem:s21+$0x0]  }
0x158: {  	v6 =	vld [tilespmem:s14+$0x40];
	_ =	sdelay $0x4  }
0x159: {  	v5 =	vadd.f32 v6, v5;
	_ =	sdelay $0x1  }
0x15a: {  	v5 =	vmax.f32 v5, $0.0e+00  }
0x15b: {  	v5 =	vmul.f32 v5, v4;
	_ =	sdelay $0x1  }
0x15c: {  	[tilespmem:s22+$0x0] =	vst v5  }
0x15d: {  	v5 =	vld [tilespmem:s21+$0x10]  }
0x15e: {  	v6 =	vld [tilespmem:s14+$0x50];
	_ =	sdelay $0x4  }
0x15f: {  	v5 =	vadd.f32 v6, v5;
	_ =	sdelay $0x1  }
0x160: {  	v5 =	vmax.f32 v5, $0.0e+00  }
0x161: {  	v5 =	vmul.f32 v5, v4;
	_ =	sdelay $0x1  }
0x162: {  	[tilespmem:s22+$0x10] =	vst v5  }
0x163: {  	v5 =	vld [tilespmem:s21+$0x20]  }
0x164: {  	v6 =	vld [tilespmem:s14+$0x60];
	_ =	sdelay $0x4  }
0x165: {  	v5 =	vadd.f32 v6, v5;
	_ =	sdelay $0x1  }
0x166: {  	v5 =	vmax.f32 v5, $0.0e+00  }
0x167: {  	v5 =	vmul.f32 v5, v4;
	_ =	sdelay $0x1  }
0x168: {  	[tilespmem:s22+$0x20] =	vst v5  }
0x169: {  	v5 =	vld [tilespmem:s21+$0x30]  }
0x16a: {  	s23 =	simm.s32 $0x1C7C0;
	s12 =	simm.s32 $0x100;
	v6 =	vld [tilespmem:s14+$0x70]  }
.LBB2_15:
0x16b: {  	_ =	sdelay $0x1  }
0x16c: {  	s20 =	sadd.s32 $0x80, s20;
	s22 =	sadd.s32 $0x80, s22;
	s21 =	sadd.s32 $0x80, s21  }
0x16d: {  	p1 =	sne.s32 s12, $0x2700;
	s14 =	smov.u32 s12;
	s12 =	sadd.s32 $0x100, s12  }
0x16e: {  	v5 =	vadd.f32 v6, v5;
	_ =	sdelay $0x1  }
0x16f: {  	v5 =	vmax.f32 v5, $0.0e+00  }
0x170: {  	v4 =	vmul.f32 v5, v4;
	_ =	sdelay $0x1  }
0x171: {  	s14 =	sand.u32 $0x3800, s14;
	s24 =	sand.u32 $0x380, s20;
	[tilespmem:s23+$0x30] =	vst v4;
	s23 =	smov.u32 s22  }
0x172: {  	s14 =	sor.u32 s24, s14;
	v5 =	vld [tilespmem:s21+$0xFFFFFFC0]  }
0x173: {  	v6 =	vld [tilespmem:s14+$0x18B80];
	_ =	sdelay $0x1  }
0x174: {  	s14 =	sadd.s32 $0x18B80, s14  }
0x175: {  	v4 =	vld [tilespmem:s14+$0x400];
	_ =	sdelay $0x1  }
0x176: {  	v5 =	vadd.f32 v6, v5;
	_ =	sdelay $0x1  }
0x177: {  	v5 =	vmax.f32 v5, $0.0e+00  }
0x178: {  	v5 =	vmul.f32 v5, v4;
	_ =	sdelay $0x1  }
0x179: {  	[tilespmem:s22+$0xFFFFFFC0] =	vst v5  }
0x17a: {  	v5 =	vld [tilespmem:s21+$0xFFFFFFD0]  }
0x17b: {  	v6 =	vld [tilespmem:s14+$0x10];
	_ =	sdelay $0x4  }
0x17c: {  	v5 =	vadd.f32 v6, v5;
	_ =	sdelay $0x1  }
0x17d: {  	v5 =	vmax.f32 v5, $0.0e+00  }
0x17e: {  	v5 =	vmul.f32 v5, v4;
	_ =	sdelay $0x1  }
0x17f: {  	[tilespmem:s22+$0xFFFFFFD0] =	vst v5  }
0x180: {  	v5 =	vld [tilespmem:s21+$0xFFFFFFE0]  }
0x181: {  	v6 =	vld [tilespmem:s14+$0x20];
	_ =	sdelay $0x4  }
0x182: {  	v5 =	vadd.f32 v6, v5;
	_ =	sdelay $0x1  }
0x183: {  	v5 =	vmax.f32 v5, $0.0e+00  }
0x184: {  	v5 =	vmul.f32 v5, v4;
	_ =	sdelay $0x1  }
0x185: {  	[tilespmem:s22+$0xFFFFFFE0] =	vst v5  }
0x186: {  	v5 =	vld [tilespmem:s21+$0xFFFFFFF0]  }
0x187: {  	v6 =	vld [tilespmem:s14+$0x30];
	_ =	sdelay $0x4  }
0x188: {  	v5 =	vadd.f32 v6, v5;
	_ =	sdelay $0x1  }
0x189: {  	v5 =	vmax.f32 v5, $0.0e+00  }
0x18a: {  	v5 =	vmul.f32 v5, v4;
	_ =	sdelay $0x1  }
0x18b: {  	[tilespmem:s22+$0xFFFFFFF0] =	vst v5  }
0x18c: {  	v5 =	vld [tilespmem:s21+$0x0]  }
0x18d: {  	v6 =	vld [tilespmem:s14+$0x40];
	_ =	sdelay $0x4  }
0x18e: {  	v5 =	vadd.f32 v6, v5;
	_ =	sdelay $0x1  }
0x18f: {  	v5 =	vmax.f32 v5, $0.0e+00  }
0x190: {  	v5 =	vmul.f32 v5, v4;
	_ =	sdelay $0x1  }
0x191: {  	[tilespmem:s22+$0x0] =	vst v5  }
0x192: {  	v5 =	vld [tilespmem:s21+$0x10]  }
0x193: {  	v6 =	vld [tilespmem:s14+$0x50];
	_ =	sdelay $0x4  }
0x194: {  	v5 =	vadd.f32 v6, v5;
	_ =	sdelay $0x1  }
0x195: {  	v5 =	vmax.f32 v5, $0.0e+00  }
0x196: {  	v5 =	vmul.f32 v5, v4;
	_ =	sdelay $0x1  }
0x197: {  	[tilespmem:s22+$0x10] =	vst v5  }
0x198: {  	v5 =	vld [tilespmem:s21+$0x20]  }
0x199: {  	v6 =	vld [tilespmem:s14+$0x60];
	_ =	sdelay $0x4  }
0x19a: {  	v5 =	vadd.f32 v6, v5;
	_ =	sdelay $0x1  }
0x19b: {  	v5 =	vmax.f32 v5, $0.0e+00  }
.Ltmp7:
0x19c: {  	v5 =	vmul.f32 v5, v4;
	(pc) =	sbr.rel @p1 .LBB2_15-.Ltmp7, $4  }
0x19d: {  	_ = 	snop  }
0x19e: {  	[tilespmem:s22+$0x20] =	vst v5  }
0x19f: {  	v5 =	vld [tilespmem:s21+$0x30]  }
0x1a0: {  	v6 =	vld [tilespmem:s14+$0x70]  }
0x1a1: {  	_ =	sdelay $0x3  }
0x1a2: {  	v5 =	vadd.f32 v6, v5;
	_ =	sdelay $0x1  }
0x1a3: {  	v5 =	vmax.f32 v5, $0.0e+00  }
0x1a4: {  	v4 =	vmul.f32 v5, v4;
	_ =	sdelay $0x1  }
0x1a5: {  	s12 =	simm.s32 @!p0 $0x4;
	[tilespmem:s23+$0x30] =	vst v4  }
0x1a6: {  	_ =	swait.ge @!p0 [sflag:s12], $0x100  }
0x1a7: {  	s14 =	simm.s32 @!p0 $0x13A80;
	[sflag:s12] =	ssyncset.done @!p0 $0x0  }
0x1a8: {  	s20 =	simm.s32 @!p0 $0x14F80;
	[sflag:s12] =	ssyncadd.s32 @!p0 $0xFFFFFF00;
	s12 =	simm.s32 @!p0 $0x28  }
0x1a9: {  	[tilespmem:s20], [sflag:$0x6] =	stream.indirect.gather @!p0 [hbm4b:s1+s12], $0x80, s14, s12, $0xb8;
	[tilespmem:$0x1DB80] =	vst v63  }
0x1aa: {  	v4 =	vld @!p0 [tilespmem:$0x13B00];
	_ =	sdelay $0x4  }
0x1ab: {  	v5 =	vshll.u32 @!p0 v4, $0x1  }
0x1ac: {  	v6 =	vlaneseq.u32 @!p0;
	v4 =	vand.u32 @!p0 $0x7, v4;
	v5 =	vand.u32 @!p0 $0xFFFFFFF0, v5  }
0x1ad: {  	v7 =	vshrl.u32 @!p0 v6, $0x3;
	v4 =	vor.u32 @!p0 v4, v5;
	v5 =	vand.u32 @!p0 $0x7, v6  }
0x1ae: {  	v7 =	vmul.u32 @!p0 $0x8, v7;
	v8 =	vperm.xlane @!p0 v4, v5  }
0x1af: {  	v6 =	vor.u32 @!p0 $0x8, v6  }
0x1b0: {  	v4 =	vperm.xlane @!p0 v4, v6;
	v8 =	vadd.s32 @!p0 v7, v8;
	_ =	sdelay $0x1  }
0x1b1: {  	v4 =	vadd.s32 @!p0 v7, v4;
	_ =	sdelay $0x1  }
0x1b2: {  	vm1 =	vmmov @!p0 $0xffff;
	s12 =	simm.s32 @!p0 $0x0;
	s14 =	simm.s32 @!p0 $0x18B80  }
0x1b3: {  	[tilespmem:s14], [sflag:$0x8] =	stream.indirect_vreg.gather @!p0 [hbm4b:s5+s12], $0x80, v8, vm1, $0xb8;
	[tilespmem:$0x1DB80] =	vst v63  }
0x1b4: {  	s14 =	simm.s32 @!p0 $0x19380  }
0x1b5: {  	[tilespmem:s14], [sflag:$0x8] =	stream.indirect_vreg.gather @!p0 [hbm4b:s5+s12], $0x80, v4, vm1, $0xb8;
	[tilespmem:$0x1DB80] =	vst v63  }
0x1b6: {  	v4 =	vld @!p0 [tilespmem:$0x13B10];
	_ =	sdelay $0x4  }
0x1b7: {  	v8 =	vshll.u32 @!p0 v4, $0x1  }
0x1b8: {  	v4 =	vand.u32 @!p0 $0x7, v4;
	v8 =	vand.u32 @!p0 $0xFFFFFFF0, v8  }
0x1b9: {  	v4 =	vor.u32 @!p0 v4, v8  }
0x1ba: {  	v8 =	vperm.xlane @!p0 v4, v5;
	_ =	sdelay $0x1  }
0x1bb: {  	v4 =	vperm.xlane @!p0 v4, v6;
	v8 =	vadd.s32 @!p0 v7, v8;
	_ =	sdelay $0x1  }
0x1bc: {  	v4 =	vadd.s32 @!p0 v7, v4;
	_ =	sdelay $0x1  }
0x1bd: {  	s14 =	simm.s32 @!p0 $0x19B80  }
0x1be: {  	[tilespmem:s14], [sflag:$0x8] =	stream.indirect_vreg.gather @!p0 [hbm4b:s5+s12], $0x80, v8, vm1, $0xb8;
	[tilespmem:$0x1DB80] =	vst v63  }
0x1bf: {  	s14 =	simm.s32 @!p0 $0x1A380  }
0x1c0: {  	[tilespmem:s14], [sflag:$0x8] =	stream.indirect_vreg.gather @!p0 [hbm4b:s5+s12], $0x80, v4, vm1, $0xb8;
	[tilespmem:$0x1DB80] =	vst v63  }
0x1c1: {  	v4 =	vld.msk @!p0 [tilespmem:$0x13B20], $0xff;
	_ =	sdelay $0x4  }
0x1c2: {  	v6 =	vshll.u32 @!p0 v4, $0x1  }
0x1c3: {  	v4 =	vand.u32 @!p0 $0x7, v4;
	v6 =	vand.u32 @!p0 $0xFFFFFFF0, v6  }
0x1c4: {  	v4 =	vor.u32 @!p0 v4, v6  }
0x1c5: {  	v4 =	vperm.xlane @!p0 v4, v5;
	_ =	sdelay $0x1  }
0x1c6: {  	v4 =	vadd.s32 @!p0 v7, v4;
	_ =	sdelay $0x3  }
0x1c7: {  	s6 =	sadd.s32 $0x1, s6;
	s14 =	simm.s32 @!p0 $0x1AB80  }
0x1c8: {  	[tilespmem:s14], [sflag:$0x8] =	stream.indirect_vreg.gather @!p0 [hbm4b:s5+s12], $0x80, v4, vm1, $0xb8;
	[tilespmem:$0x1DB80] =	vst v63  }
0x1c9: {  	p0 =	sne.s32 s6, $0x7D  }
.Ltmp8:
0x1ca: {  	_ = 	snop;
	(pc) =	sbr.rel @p0 .LBB2_6-.Ltmp8, $4  }
0x1cb: {  	_ =	swait.ge [sflag:s9], $0x80  }
0x1cc: {  	[sflag:s9] =	ssyncset.done $0x0  }
0x1cd: {  	[sflag:s9] =	ssyncadd.s32 $0xFFFFFF80  }
0x1ce: {  	[spmem:s2] =	stream.indirect.scatter.add.f32 [tilespmem:s13], [sflag:$0xA], $0x80, s16, s18, $0xb8;
	[tilespmem:$0x1DB80] =	vst v63  }
0x1cf: {  	_ =	swait.ge [sflag:s25], $0x1400  }
0x1d0: {  	[sflag:s25] =	ssyncset.done $0x0  }
0x1d1: {  	s10 =	simm.s32 $0xA;
	[sflag:s25] =	ssyncadd.s32 $0xFFFFEC00  }
0x1d2: {  	_ =	swait.ge [sflag:s10], $0x1400  }
0x1d3: {  	[sflag:s10] =	ssyncset.done $0x0  }
0x1d4: {  	[sflag:s10] =	ssyncadd.s32 $0xFFFFEC00  }
0x1d5: {  	s6 =	sadd.s32 $0x0, s3;
	[bflag:$0x0] =	sbarrier.arrive $0xFFFF  }
0x1d6: {  	p0 =	sgt.u32 s6, $0xF9;
	s14 =	rddreg [dreg:$0x7]  }
0x1d7: {  	s6 =	sshll.u32 @!p0 s3, $0x6;
	s11 =	simm.s32 @!p0 $0xB;
	s19 =	rddreg [dreg:$0x6]  }
0x1d8: {  	s6 =	sor.u32 @!p0 $0x1C0B, s6;
	s10 =	sadd.s32 @!p0 s14, s8;
	s12 =	sshrl.u32 @!p0 s19, $0x3  }
0x1d9: {  	[hbm:s10], [sflag:s6] =	dma.local @!p0 [spmem:s12], $0x280  }
0x1da: {  	s12 =	simm.s32 $0x20;
	s6 =	sadd.s32 $0x2800, s14;
	_ =	swait.ge @!p0 [sflag:s11], $0x280  }
0x1db: {  	s14 =	sadd.s32 $0x10, s3;
	s10 =	sadd.s32 $0x14000, s19;
	[sflag:s11] =	ssyncset.done @!p0 $0x0  }
.LBB2_18:
0x1dc: {  	[sflag:s11] =	ssyncadd.s32 @!p0 $0xFFFFFD80  }
0x1dd: {  	p0 =	sgt.u32 s14, $0xF9;
	s14 =	smov.u32 s12;
	s12 =	sadd.s32 $0x10, s12  }
0x1de: {  	p1 =	sne.s32 s12, $0x100  }
.Ltmp9:
0x1df: {  	s19 =	sshll.u32 @!p0 s3, $0x6;
	s11 =	simm.s32 @!p0 $0xB;
	(pc) =	sbr.rel @p1 .LBB2_18-.Ltmp9, $4  }
0x1e0: {  	s20 =	sadd.s32 @!p0 s6, s8;
	s21 =	sshrl.u32 @!p0 s10, $0x3;
	s19 =	sor.u32 @!p0 $0x1C0B, s19  }
0x1e1: {  	[hbm:s20], [sflag:s19] =	dma.local @!p0 [spmem:s21], $0x280  }
0x1e2: {  	s6 =	sadd.s32 $0x2800, s6;
	_ =	swait.ge @!p0 [sflag:s11], $0x280  }
0x1e3: {  	s14 =	sadd.s32 s14, s3;
	s10 =	sadd.s32 $0x14000, s10;
	[sflag:s11] =	ssyncset.done @!p0 $0x0  }
0x1e4: {  	p1 =	sgt.u32 s14, $0xF9  }
0x1e5: {  	[sflag:s11] =	ssyncadd.s32 @!p0 $0xFFFFFD80;
	s11 =	sshll.u32 @!p1 s3, $0x6;
	s12 =	simm.s32 @!p1 $0xB  }
0x1e6: {  	s6 =	sadd.s32 @!p1 s6, s8;
	s10 =	sshrl.u32 @!p1 s10, $0x3;
	s11 =	sor.u32 @!p1 $0x1C0B, s11  }
0x1e7: {  	[hbm:s6], [sflag:s11] =	dma.local @!p1 [spmem:s10], $0x280  }
0x1e8: {  	_ =	swait.ge @!p1 [sflag:s12], $0x280  }
0x1e9: {  	s24 =	rddreg [dreg:$0x9]  }
0x1ea: {  	s30 =	rddreg [dreg:$0x5];
	s10 =	sadd.s32 $0x1, s24  }
0x1eb: {  	p0 =	sne.s32 s10, s30  }
.Ltmp10:
0x1ec: {  	_ = 	snop;
	(pc) =	sbr.rel @p0 .LBB2_1-.Ltmp10, $3  }
0x1ed: {  	_ =	sdelay $0x1  }
0x1ee: {  	[sflag:s12] =	ssyncset.done @!p1 $0x0  }
0x1ef: {  	[sflag:s12] =	ssyncadd.s32 @!p1 $0xFFFFFD80  }
0x1f0: {  	_ =	sfence.sel $0x180000  }
0x1f1: {  	[bflag:$0x0] =	sbarrier.arrive $0xFFFF  }
0x1f2: {  	_ =	strace $0x9000004D  }
0x1f3: {  	[bflag:$0x2] =	sbarrier.arrive $0xFFFF  }
0x1f4: {  	p0 =	sne.s32 s3, $0x0;
	s0 =	rddreg [dreg:$0x3]  }
0x1f5: {  	s0 =	sadd.s32 @!p0 $0x100000, s0  }
0x1f6: {  	[sflag:s0] =	ssyncadd.tile.s32 @!p0 $0x1;
	_ =	shalt  }
.Lfunc_end2:
_tile_overlayer_lowered:
.L_overlay_start_2:
0x1f7: {  	(tag) =	ssettag $0x2  }
0x1f8: {  	s0 =	rddreg [dreg:$0x0];
	s2 =	stileid.u32  }
0x1f9: {  	s1 =	rddreg [dreg:$0x1];
	p0 =	sne.s32 s2, $0x0  }
0x1fa: {  	s3 =	rddreg [dreg:$0x2];
	[bflag:$0x3] =	sbarrier.arrive $0xFFFF;
	s2 =	simm.s32 @!p0 $0x1C0B  }
0x1fb: {  	[timem:s3], [sflag:s2] =	dma.local @!p0 [hbm:s0], s1  }
0x1fc: {  	s0 =	simm.s32 @!p0 $0xB  }
0x1fd: {  	_ =	swait.ge @!p0 [sflag:s0], s1  }
0x1fe: {  	s1 =	ssub.s32 @!p0 $0x0, s1;
	[sflag:s0] =	ssyncset.done @!p0 $0x0  }
0x1ff: {  	[sflag:s0] =	ssyncadd.s32 @!p0 s1  }
0x200: {  	[bflag:$0x3] =	sbarrier.arrive $0xFFFF  }
0x201: {  	_ =	shalt  }

// kernel: kernel.9.cloned.1.call-start
scs
__scs_entry_jumppad:
0x0: {  	(pc) =	sbr.rel $0x88, $3  }
0x1: {  	(tag) =	ssettag $0x0;
	lr =	simm.s32 $0x1  }
0x2: {  	[smem:$0x3F95] =	sst lr;
	_ =	strace $0xD0000000  }
0x3: {  	_ = 	snop  }
0x4: {  	_ = 	snop  }
0x5: {  	_ = 	snop  }
0x6: {  	_ = 	snop  }
0x7: {  	_ = 	snop  }
__scs_overlays_trampoline_lowered:
0x8: {  	[smem:$0x3FA4] =	sst s0  }
0x9: {  	[smem:$0x3FA5] =	sst s1  }
0xa: {  	[smem:$0x3FA6] =	sst s2  }
0xb: {  	[smem:$0x3FA7] =	sst s3  }
0xc: {  	[smem:$0x3FA8] =	sst s4  }
0xd: {  	[smem:$0x3FA9] =	sst s5  }
0xe: {  	[smem:$0x3FAA] =	sst s6  }
0xf: {  	[smem:$0x3FAB] =	sst s7  }
0x10: {  	[smem:$0x3FAC] =	sst s8  }
0x11: {  	[smem:$0x3FAD] =	sst s9;
	s0 =	simm.s32 @!p0 $0x0  }
0x12: {  	s1 =	sld [smem:$0x3F93];
	s0 =	simm.s32 @p0 $0x1  }
0x13: {  	[smem:$0x3FAE] =	sst s0;
	s0 =	simm.s32 @!p1 $0x0  }
0x14: {  	s2 =	sld [smem:$0x3F92];
	s0 =	simm.s32 @p1 $0x1  }
0x15: {  	[smem:$0x3FAF] =	sst s0;
	s0 =	simm.s32 @!p2 $0x0  }
0x16: {  	s3 =	sld [smem:$0x3FDB];
	s0 =	simm.s32 @p2 $0x1  }
0x17: {  	s4 =	simm.s32 $0x1BF5;
	[smem:$0x3FB1] =	sst s0  }
0x18: {  	s0 =	sld [smem:$0x3F94];
	_ =	swait.ge [sflag:s4], $0x0  }
0x19: {  	s7 =	sld [smem:$0x3F95]  }
0x1a: {  	s8 =	sadd.s32 $0xFFFFE003, lr  }
0x1b: {  	s9 =	sadd.s32 $0xFFFFFEF7, lr;
	s5 =	simm.s32 $0xFFFFFFFF;
	p2 =	slt.u32 s8, $0xFFFFF086  }
0x1c: {  	p1 =	slt.u32 s9, $0xF7A;
	s5 =	simm.s32 @!p2 $0x0  }
0x1d: {  	s5 =	simm.s32 @p1 $0x1;
	p0 =	seq.s32 s7, s2  }
0x1e: {  	s7 =	smul.u32 @!p0 $0xF7A, s2;
	p2 =	seq.s32 @!p0 s5, $0x0  }
0x1f: {  	s9 =	smul.u32 $0xF7A, s1;
	s8 =	simm.s32 @!p0 $0x1BF5;
	p2 =	por !p2, p0  }
0x20: {  	[sflag:s8] =	ssyncset.s32 @!p0 $0xFFFFF086;
	s6 =	sadd.s32 @!p0 s3, s7;
	s7 =	simm.s32 @!p0 $0x108  }
0x21: {  	s3 =	sadd.s32 s3, s9;
	s6 =	sadd.s32 @!p0 $0x88, s6;
	s7 =	simm.s32 @p2 $0x1082  }
0x22: {  	[simem:s7], [sflag:s8] =	dma.local @!p0 [hbm:s6], $0xF7A  }
0x23: {  	s9 =	sor.u32 $0xD0000000, s2;
	s6 =	simm.s32 $0x108;
	_ =	swait.ge @!p0 [sflag:s8], $0x0  }
0x24: {  	s3 =	sadd.s32 $0x88, s3;
	s6 =	simm.s32 @!p1 $0x1082;
	[sflag:s4] =	ssyncset.s32 $0xFFFFF086  }
0x25: {  	[simem:s6], [sflag:s4] =	dma.local [hbm:s3], $0xF7A  }
0x26: {  	[smem:$0x3F95] =	sst s1;
	(tag) =	ssettag s2;
	_ =	strace s9  }
0x27: {  	s1 =	sld [smem:$0x3FA5]  }
0x28: {  	s2 =	sld [smem:$0x3FA6]  }
0x29: {  	s4 =	sld [smem:$0x3FA8]  }
0x2a: {  	p0 =	seq.s32 s5, $0x0;
	s5 =	sld [smem:$0x3FA9]  }
0x2b: {  	s6 =	sld [smem:$0x3FAA]  }
0x2c: {  	s7 =	sld [smem:$0x3FAB]  }
0x2d: {  	s3 =	simm.s32 $0x108;
	s8 =	sld [smem:$0x3FAC]  }
0x2e: {  	s3 =	simm.s32 @!p0 $0x1082;
	s9 =	sld [smem:$0x3FAD]  }
0x2f: {  	lr =	sadd.s32 s0, s3;
	s0 =	sld [smem:$0x3FA4]  }
0x30: {  	s3 =	sld [smem:$0x3FA7]  }
0x31: {  	[smem:$0x3FB0] =	sst s10  }
0x32: {  	s10 =	sld [smem:$0x3FAE];
	_ =	sdelay $0x3  }
0x33: {  	p0 =	seq.s32 s10, $0x1;
	s10 =	sld [smem:$0x3FB0];
	_ =	sdelay $0x3  }
0x34: {  	[smem:$0x3FB0] =	sst s10  }
0x35: {  	s10 =	sld [smem:$0x3FAF];
	_ =	sdelay $0x3  }
0x36: {  	p1 =	seq.s32 s10, $0x1;
	s10 =	sld [smem:$0x3FB0];
	_ =	sdelay $0x3  }
0x37: {  	[smem:$0x3FB0] =	sst s10  }
0x38: {  	s10 =	sld [smem:$0x3FB1]  }
0x39: {  	_ = 	snop;
	(pc) =	sbr.ind lr, $3  }
0x3a: {  	_ = 	snop  }
0x3b: {  	_ = 	snop  }
0x3c: {  	p2 =	seq.s32 s10, $0x1;
	s10 =	sld [smem:$0x3FB0]  }
0x3d: {  	_ =	shalt  }
0x3e: {  	_ =	shalt  }
0x3f: {  	_ =	shalt  }
0x40: {  	_ =	shalt  }
0x41: {  	_ =	shalt  }
0x42: {  	_ =	shalt  }
0x43: {  	_ =	shalt  }
0x44: {  	_ =	shalt  }
0x45: {  	_ =	shalt  }
0x46: {  	_ =	shalt  }
0x47: {  	_ =	shalt  }
0x48: {  	_ =	shalt  }
0x49: {  	_ =	shalt  }
0x4a: {  	_ =	shalt  }
0x4b: {  	_ =	shalt  }
0x4c: {  	_ =	shalt  }
0x4d: {  	_ =	shalt  }
0x4e: {  	_ =	shalt  }
0x4f: {  	_ =	shalt  }
0x50: {  	_ =	shalt  }
0x51: {  	_ =	shalt  }
0x52: {  	_ =	shalt  }
0x53: {  	_ =	shalt  }
0x54: {  	_ =	shalt  }
0x55: {  	_ =	shalt  }
0x56: {  	_ =	shalt  }
0x57: {  	_ =	shalt  }
0x58: {  	_ =	shalt  }
0x59: {  	_ =	shalt  }
0x5a: {  	_ =	shalt  }
0x5b: {  	_ =	shalt  }
0x5c: {  	_ =	shalt  }
0x5d: {  	_ =	shalt  }
0x5e: {  	_ =	shalt  }
0x5f: {  	_ =	shalt  }
0x60: {  	_ =	shalt  }
0x61: {  	_ =	shalt  }
0x62: {  	_ =	shalt  }
0x63: {  	_ =	shalt  }
0x64: {  	_ =	shalt  }
0x65: {  	_ =	shalt  }
0x66: {  	_ =	shalt  }
0x67: {  	_ =	shalt  }
0x68: {  	_ =	shalt  }
0x69: {  	_ =	shalt  }
0x6a: {  	_ =	shalt  }
0x6b: {  	_ =	shalt  }
0x6c: {  	_ =	shalt  }
0x6d: {  	_ =	shalt  }
0x6e: {  	_ =	shalt  }
0x6f: {  	_ =	shalt  }
0x70: {  	_ =	shalt  }
0x71: {  	_ =	shalt  }
0x72: {  	_ =	shalt  }
0x73: {  	_ =	shalt  }
0x74: {  	_ =	shalt  }
0x75: {  	_ =	shalt  }
0x76: {  	_ =	shalt  }
0x77: {  	_ =	shalt  }
0x78: {  	_ =	shalt  }
0x79: {  	_ =	shalt  }
0x7a: {  	_ =	shalt  }
0x7b: {  	_ =	shalt  }
0x7c: {  	_ =	shalt  }
0x7d: {  	_ =	shalt  }
0x7e: {  	_ =	shalt  }
0x7f: {  	_ =	shalt  }
0x80: {  	_ =	shalt  }
0x81: {  	_ =	shalt  }
0x82: {  	_ =	shalt  }
0x83: {  	_ =	shalt  }
0x84: {  	_ =	shalt  }
0x85: {  	_ =	shalt  }
0x86: {  	_ =	shalt  }
0x87: {  	_ =	shalt  }
.Lfunc_end0:
.L_simem_size_0:
called_computation_lowered:
.L_overlay_start_0:
0x88: {  	s2 =	sld [smem:$0x3FD9]  }
0x89: {  	s3 =	sld [smem:$0x3FFE];
	_ =	sdelay $0x1  }
0x8a: {  	s1 =	srdreg.scid  }
0x8b: {  	s0 =	sand.u32 $0x1, s1  }
0x8c: {  	s18 =	sshll.u32 s0, $0xA;
	s2 =	sadd.s32 s3, s2  }
0x8d: {  	s2 =	sadd.s32 s2, s18  }
0x8e: {  	[smem:$0x3FBC] =	sst s2  }
0x8f: {  	_ = 	snop  }
0x90: {  	s2 =	sld [smem:$0x3FC9]  }
0x91: {  	s19 =	sld [smem:$0x3FC6]  }
0x92: {  	s4 =	sld [smem:$0x3FD0];
	(tm) =	ssettm $0x1  }
0x93: {  	s5 =	sld [smem:$0x3FFB];
	_ =	sdelay $0x3  }
0x94: {  	_ =	strace s5  }
0x95: {  	s5 =	sld [smem:$0x3FFC];
	_ =	sdelay $0x3  }
0x96: {  	_ =	strace s5  }
0x97: {  	s5 =	sld [smem:$0x3FFD];
	_ =	sdelay $0x3  }
0x98: {  	_ =	strace s5  }
0x99: {  	_ =	strace $0x8FFFFFFF  }
0x9a: {  	s20 =	sld [smem:$0x3FDB];
	_ =	sdelay $0x1  }
0x9b: {  	s6 =	simm.s32 $_scs_section_size  }
0x9c: {  	s7 =	simm.s32 $_size__tile_overlayer_lowered;
	s8 =	simm.s32 $_tile_overlayer_lowered  }
0x9d: {  	s23 =	simm.s32 $0x1BFF;
	s22 =	sshll.u32 s8, $0x1;
	s5 =	sadd.s32 s6, s20  }
0x9e: {  	s9 =	simm.s32 $0x0;
	s21 =	sshll.u32 s7, $0x1;
	s7 =	sadd.s32 s22, s5  }
0x9f: {  	[timem:s9], [sflag:s23] =	dma.local [hbm:s7], s21  }
0xa0: {  	_ =	swait.ge [sflag:s23], s21  }
0xa1: {  	s6 =	ssub.s32 $0x0, s21;
	[sflag:s23] =	ssyncset.done $0x0  }
0xa2: {  	[sflag:s23] =	ssyncadd.s32 s6;
	_ =	sdelay $0x1  }
0xa3: {  	s24 =	simm.s32 $0x1B8B  }
0xa4: {  	_ =	swait.ge [sflag:s24], $0x1  }
0xa5: {  	[sflag:s24] =	ssyncset.done $0x0  }
0xa6: {  	s25 =	simm.s32 $0x1B8E;
	[sflag:s24] =	ssyncadd.s32 $0xFFFFFFFF  }
0xa7: {  	s26 =	simm.s32 $execute0_lowered;
	[smem:$0x3FD2] =	sst s25  }
0xa8: {  	s6 =	sshll.u32 s26, $0x1;
	_ =	strace $0x80000046;
	[dreg:$0x1] =	wrdreg $0xFFFFFFFF  }
0xa9: {  	s28 =	simm.s32 $_size_execute0_lowered;
	s5 =	sadd.s32 s5, s6;
	[dreg:$0x0] =	wrdreg $0x0  }
0xaa: {  	s6 =	sshll.u32 s28, $0x1;
	[dreg:$0x2] =	wrdreg s5  }
0xab: {  	[dreg:$0x3] =	wrdreg s6  }
0xac: {  	[dreg:$0x4] =	wrdreg $0xC0  }
0xad: {  	_ =	task [dreg:s9], $0x5FFFF  }
0xae: {  	[dreg:$0x1] =	wrdreg $0xFFFFFFFF  }
0xaf: {  	[dreg:$0x0] =	wrdreg $0x60  }
0xb0: {  	[dreg:$0x2] =	wrdreg s19  }
0xb1: {  	[dreg:$0x3] =	wrdreg s2  }
0xb2: {  	[dreg:$0x4] =	wrdreg s4  }
0xb3: {  	[dreg:$0x5] =	wrdreg $0x9  }
0xb4: {  	_ =	task.clear_ibuf [dreg:s9], $0x6FFFF;
	_ =	strace $0x90000046  }
0xb5: {  	s29 =	simm.s32 $0x9;
	_ =	strace $0x80000048  }
0xb6: {  	_ =	swait.ge [sflag:s29], $0x1  }
0xb7: {  	[sflag:s29] =	ssyncadd.s32 $0xFFFFFFFF  }
0xb8: {  	_ =	strace $0x90000048  }
0xb9: {  	_ =	sfence  }
0xba: {  	s30 =	sld [smem:$0x0];
	_ =	sdelay $0x2  }
0xbb: {  	s31 =	sshll.u32 s1, $0xD;
	s1 =	sshrl.u32 s1, $0x2  }
0xbc: {  	s3 =	sand.u32 $0x4000, s31;
	s1 =	sadd.s32 s1, s30  }
0xbd: {  	s0 =	sor.u32 s3, s0;
	s1 =	sshll.u32 s1, $0x11  }
0xbe: {  	s0 =	sor.u32 s1, s0  }
0xbf: {  	s0 =	sadd.s32 $0x8F2B, s0  }
0xc0: {  	[sflag:s0] =	ssyncadd.remote.s32 $0x1  }
0xc1: {  	_ =	sfence.sel $0xFFFF  }
0xc2: {  	[dreg:$0x0] =	wrdreg $0xFFFFFFFF;
	(pc) =	sbr.abs _section_cstart, $3  }
0xc3: {  	[dreg:$0x1] =	wrdreg $0xFFFFFFFF  }
0xc4: {  	_ =	task.clear_ibuf [dreg:s9], $0x2FFFF;
	_ =	strace $0x9FFFFFFF  }
0xc5: {  	(tm) =	ssettm $0x7FFFFFFF  }
tec
execute0_lowered:
.L_overlay_start_1:
0x0: {  	(tag) =	ssettag $0x1  }
0x1: {  	s1 =	rddreg [dreg:$0x0]  }
0x2: {  	s0 =	srdreg.scid;
	s2 =	stileid.u32  }
0x3: {  	s4 =	rddreg [dreg:$0x1];
	s5 =	sand.u32 $0x1, s0;
	s10 =	smul.u32 $0x5, s2  }
0x4: {  	s6 =	rddreg [dreg:$0x2];
	s3 =	ssub.s32 $0x2, s5;
	s8 =	smul.u32 $0x50, s5  }
0x5: {  	s0 =	rddreg [dreg:$0x3];
	s9 =	smul.u32 $0x2800, s5;
	s7 =	sshrl.u32 s3, $0x1  }
0x6: {  	s31 =	smul.u32 $0x280, s2;
	s11 =	sshll.u32 s5, $0x4;
	s7 =	ssub.s32 s3, s7  }
0x7: {  	s3 =	simm.s32 $0x0;
	s8 =	sadd.s32 s8, s4;
	s6 =	sadd.s32 s9, s6  }
0x8: {  	[smem:$0x7FF] =	sst s3;
	s4 =	smax.u32 s7, $0x1;
	s5 =	sadd.s32 s10, s8  }
0x9: {  	s6 =	sadd.s32 s31, s6;
	s7 =	sor.u32 s11, s2;
	_ =	strace $0x80000047  }
.LBB2_1:
0xa: {  	s8 =	sadd.s32 $0x0, s7  }
0xb: {  	p0 =	sgt.u32 s8, $0xF9  }
0xc: {  	s8 =	simm.s32 @!p0 $0x0;
	s9 =	simm.s32 @!p0 $0x3  }
0xd: {  	[tilespmem:s8], [sflag:$0x3] =	stream.linear.gather @!p0 [hbm4b:s5+s8], $0x28, $0x38;
	[tilespmem:$0x1480] =	vst v63  }
0xe: {  	_ =	swait.ge @!p0 [sflag:s9], $0x28  }
0xf: {  	s10 =	simm.s32 @!p0 $0x1;
	[sflag:s9] =	ssyncset.done @!p0 $0x0  }
0x10: {  	s12 =	simm.s32 @!p0 $0x80;
	[sflag:s9] =	ssyncadd.s32 @!p0 $0xFFFFFFD8;
	s9 =	simm.s32 @!p0 $0x28  }
0x11: {  	[tilespmem:s12], [sflag:$0x1] =	stream.indirect.gather @!p0 [hbm4b:s1+s9], $0x80, s8, s9, $0xb8;
	[tilespmem:$0x1480] =	vst v63  }
0x12: {  	p1 =	por p0, p0;
	_ =	swait.ge @!p0 [sflag:s10], $0x1400  }
0x13: {  	[sflag:s10] =	ssyncset.done @!p1 $0x0  }
0x14: {  	s31 =	sadd.s32 $0x20, s7;
	s11 =	simm.s32 @!p1 $0x2;
	[sflag:s10] =	ssyncadd.s32 @!p1 $0xFFFFEC00  }
0x15: {  	[hbm4b:s6+s8] =	stream.linear.scatter @!p1 [tilespmem:s12], [sflag:$0x2], $0x1400, $0x38;
	[tilespmem:$0x1480] =	vst v63  }
0x16: {  	s9 =	simm.s32 $0x40;
	p0 =	sgt.u32 s31, $0xF9;
	_ =	swait.ge @!p1 [sflag:s11], $0x1400  }
0x17: {  	s10 =	sadd.s32 $0xA0, s5;
	s8 =	sadd.s32 $0x5000, s6;
	[sflag:s11] =	ssyncset.done @!p1 $0x0  }
.LBB2_2:
0x18: {  	s12 =	simm.s32 @!p0 $0x0;
	s13 =	simm.s32 @!p0 $0x3;
	[sflag:s11] =	ssyncadd.s32 @!p1 $0xFFFFEC00  }
0x19: {  	[tilespmem:s12], [sflag:$0x3] =	stream.linear.gather @!p0 [hbm4b:s10+s12], $0x28, $0x38;
	[tilespmem:$0x1480] =	vst v63  }
0x1a: {  	s14 =	smov.u32 s9;
	s9 =	sadd.s32 $0x20, s9;
	_ =	swait.ge @!p0 [sflag:s13], $0x28  }
0x1b: {  	s11 =	simm.s32 @!p0 $0x1;
	p2 =	sne.s32 s9, $0x100;
	[sflag:s13] =	ssyncset.done @!p0 $0x0  }
0x1c: {  	s15 =	simm.s32 @!p0 $0x80;
	[sflag:s13] =	ssyncadd.s32 @!p0 $0xFFFFFFD8;
	s13 =	simm.s32 @!p0 $0x28  }
0x1d: {  	[tilespmem:s15], [sflag:$0x1] =	stream.indirect.gather @!p0 [hbm4b:s1+s13], $0x80, s12, s13, $0xb8;
	[tilespmem:$0x1480] =	vst v63  }
0x1e: {  	p1 =	por p0, p0;
	_ =	swait.ge @!p0 [sflag:s11], $0x1400  }
.Ltmp0:
0x1f: {  	[sflag:s11] =	ssyncset.done @!p1 $0x0;
	(pc) =	sbr.rel @p2 .LBB2_2-.Ltmp0, $4  }
0x20: {  	[sflag:s11] =	ssyncadd.s32 @!p1 $0xFFFFEC00;
	s11 =	simm.s32 @!p1 $0x2  }
0x21: {  	[hbm4b:s8+s12] =	stream.linear.scatter @!p1 [tilespmem:s15], [sflag:$0x2], $0x1400, $0x38;
	[tilespmem:$0x1480] =	vst v63  }
0x22: {  	s12 =	sadd.s32 s14, s7;
	s8 =	sadd.s32 $0x5000, s8;
	_ =	swait.ge @!p1 [sflag:s11], $0x1400  }
0x23: {  	s10 =	sadd.s32 $0xA0, s10;
	p0 =	sgt.u32 s12, $0xF9;
	[sflag:s11] =	ssyncset.done @!p1 $0x0  }
0x24: {  	s9 =	simm.s32 @!p0 $0x0;
	s12 =	simm.s32 @!p0 $0x3;
	[sflag:s11] =	ssyncadd.s32 @!p1 $0xFFFFEC00  }
0x25: {  	[tilespmem:s9], [sflag:$0x3] =	stream.linear.gather @!p0 [hbm4b:s10+s9], $0x28, $0x38;
	[tilespmem:$0x1480] =	vst v63  }
0x26: {  	_ =	swait.ge @!p0 [sflag:s12], $0x28  }
0x27: {  	s11 =	simm.s32 @!p0 $0x28;
	[sflag:s12] =	ssyncset.done @!p0 $0x0  }
0x28: {  	s10 =	simm.s32 @!p0 $0x1;
	[sflag:s12] =	ssyncadd.s32 @!p0 $0xFFFFFFD8;
	s12 =	simm.s32 @!p0 $0x80  }
0x29: {  	[tilespmem:s12], [sflag:$0x1] =	stream.indirect.gather @!p0 [hbm4b:s1+s11], $0x80, s9, s11, $0xb8;
	[tilespmem:$0x1480] =	vst v63  }
0x2a: {  	s3 =	sadd.s32 $0x1, s3;
	_ =	swait.ge @!p0 [sflag:s10], $0x1400;
	p0 =	por p0, p0  }
0x2b: {  	p1 =	sne.s32 s3, s4;
	[sflag:s10] =	ssyncset.done @!p0 $0x0  }
.Ltmp1:
0x2c: {  	[sflag:s10] =	ssyncadd.s32 @!p0 $0xFFFFEC00;
	s10 =	simm.s32 @!p0 $0x2;
	(pc) =	sbr.rel @p1 .LBB2_1-.Ltmp1, $4  }
0x2d: {  	[hbm4b:s8+s9] =	stream.linear.scatter @!p0 [tilespmem:s12], [sflag:$0x2], $0x1400, $0x38;
	[tilespmem:$0x1480] =	vst v63  }
0x2e: {  	_ =	swait.ge @!p0 [sflag:s10], $0x1400  }
0x2f: {  	[sflag:s10] =	ssyncset.done @!p0 $0x0  }
0x30: {  	[sflag:s10] =	ssyncadd.s32 @!p0 $0xFFFFEC00  }
0x31: {  	_ =	sfence.sel $0x180000  }
0x32: {  	[bflag:$0x0] =	sbarrier.arrive $0xFFFF  }
0x33: {  	p0 =	sne.s32 s2, $0x0;
	_ =	strace $0x90000047  }
0x34: {  	s0 =	sadd.s32 @!p0 $0x100000, s0;
	[bflag:$0x2] =	sbarrier.arrive $0xFFFF  }
0x35: {  	[sflag:s0] =	ssyncadd.tile.s32 @!p0 $0x1;
	_ =	shalt  }
.Lfunc_end2:
_tile_overlayer_lowered:
.L_overlay_start_2:
0x36: {  	(tag) =	ssettag $0x2  }
0x37: {  	s0 =	rddreg [dreg:$0x0];
	s2 =	stileid.u32  }
0x38: {  	s1 =	rddreg [dreg:$0x1];
	p0 =	sne.s32 s2, $0x0  }
0x39: {  	s3 =	rddreg [dreg:$0x2];
	[bflag:$0x3] =	sbarrier.arrive $0xFFFF;
	s2 =	simm.s32 @!p0 $0x1C02  }
0x3a: {  	[timem:s3], [sflag:s2] =	dma.local @!p0 [hbm:s0], s1  }
0x3b: {  	s0 =	simm.s32 @!p0 $0x2  }
0x3c: {  	_ =	swait.ge @!p0 [sflag:s0], s1  }
0x3d: {  	s1 =	ssub.s32 @!p0 $0x0, s1;
	[sflag:s0] =	ssyncset.done @!p0 $0x0  }
0x3e: {  	[sflag:s0] =	ssyncadd.s32 @!p0 s1  }
0x3f: {  	[bflag:$0x3] =	sbarrier.arrive $0xFFFF  }
0x40: {  	_ =	shalt  }

</sc_bundles>
